<compile_context>
chip_gen: v7x
topology: tpu7x:2x2x1
jax: 0.10.2.dev20260603
libtpu: 0.0.44.dev20260713+nightly
codegen_flags: <defaults>
</compile_context>

<pallas_src>
import functools

import jax
import jax.numpy as jnp
from jax import lax
from jax.experimental import pallas as pl
from jax.experimental.pallas import tpu as pltpu
from jax.experimental.pallas import tpu_sc as plsc

GRID = 128
N_PTS = 1048576
V = GRID * GRID * GRID

NC = 2
NS = 16
NW = NC * NS
L = 16

PTS_PER_TILE = N_PTS // NW
P = 1024
CHUNKS = PTS_PER_TILE // P
GROUPS = P // L
NLISTS = 24
NWIN = P // 128
NSTREAMS = NLISTS * NWIN


def _sc_body(xs, ys, zs, chans, out_hbm,
             xv, yv, zv, txv, tyv, tzv, idxv, gathv, outv, sems):
    wid = lax.axis_index("s") * NC + lax.axis_index("c")
    tile_base = wid * PTS_PER_TILE
    iota = lax.iota(jnp.int32, L)

    def compute_and_fire(ci):
        parity = ci & 1
        co = parity * P
        io = parity * NSTREAMS
        go = parity * (NLISTS * P)
        base = tile_base + ci * P
        pltpu.sync_copy(xs.at[pl.ds(base, P)], xv.at[pl.ds(co, P)])
        pltpu.sync_copy(ys.at[pl.ds(base, P)], yv.at[pl.ds(co, P)])
        pltpu.sync_copy(zs.at[pl.ds(base, P)], zv.at[pl.ds(co, P)])

        def idx_body(g, _):
            p0 = g * L
            row = g >> 3
            col = (g & 7) * L

            def axis(ref):
                c = jnp.clip(ref[pl.ds(co + p0, L)] * float(GRID) - 0.5,
                             0.0, float(GRID - 1))
                i0 = c.astype(jnp.int32)
                return i0, c - i0.astype(jnp.float32)

            ix0, tx = axis(xv)
            iy0, ty = axis(yv)
            iz0, tz = axis(zv)
            txv[pl.ds(co + p0, L)] = tx
            tyv[pl.ds(co + p0, L)] = ty
            tzv[pl.ds(co + p0, L)] = tz
            ix1 = jnp.minimum(ix0 + 1, GRID - 1)
            iy1 = (jnp.minimum(iy0 + 1, GRID - 1)) << 7
            iz1 = (jnp.minimum(iz0 + 1, GRID - 1)) << 14
            iy0 = iy0 << 7
            iz0 = iz0 << 14
            corners = (iz0 + iy0 + ix0, iz0 + iy0 + ix1,
                       iz0 + iy1 + ix0, iz0 + iy1 + ix1,
                       iz1 + iy0 + ix0, iz1 + iy0 + ix1,
                       iz1 + iy1 + ix0, iz1 + iy1 + ix1)
            for c in range(8):
                for ch in range(3):
                    idxv[io + (ch * 8 + c) * 8 + row, pl.ds(col, L)] = (
                        corners[c] + ch * V)
            return 0

        lax.fori_loop(0, GROUPS, idx_body, 0)

        def fire(q, _):
            pltpu.async_copy(chans.at[idxv.at[io + q]],
                             gathv.at[pl.ds(go + q * 128, 128)],
                             sems.at[parity])
            return 0

        lax.fori_loop(0, NSTREAMS, fire, 0)

    def finish(ci):
        parity = ci & 1
        co = parity * P
        go = parity * (NLISTS * P)
        base = tile_base + ci * P

        pltpu.make_async_copy(chans.at[pl.ds(0, NLISTS * P)],
                              gathv.at[pl.ds(go, NLISTS * P)],
                              sems.at[parity]).wait()

        def lerp_body(g, _):
            p0 = g * L
            tx = txv[pl.ds(co + p0, L)]
            ty = tyv[pl.ds(co + p0, L)]
            tz = tzv[pl.ds(co + p0, L)]
            for ch in range(3):
                sbase = go + ch * 8 * P + p0

                def cv(c):
                    return gathv[pl.ds(sbase + c * P, L)]

                def xl(c):
                    v0 = cv(c)
                    return v0 + tx * (cv(c + 1) - v0)

                c0 = xl(0)
                c0 = c0 + ty * (xl(2) - c0)
                c1 = xl(4)
                c1 = c1 + ty * (xl(6) - c1)
                outv[pl.ds(co * 3 + ch * P + p0, L)] = c0 + tz * (c1 - c0)
            return 0

        lax.fori_loop(0, GROUPS, lerp_body, 0)

        for ch in range(3):
            pltpu.sync_copy(outv.at[pl.ds(co * 3 + ch * P, P)],
                            out_hbm.at[pl.ds(ch * N_PTS + base, P)])

    compute_and_fire(0)

    def pipe_body(ci, _):
        compute_and_fire(ci + 1)
        finish(ci)
        return 0

    lax.fori_loop(0, CHUNKS - 1, pipe_body, 0)
    finish(CHUNKS - 1)


@jax.jit
def kernel(pts, tensor):
    chans = tensor.reshape(3 * V)
    xs = pts[:, 0]
    ys = pts[:, 1]
    zs = pts[:, 2]

    mesh = plsc.VectorSubcoreMesh(core_axis_name="c", subcore_axis_name="s")
    out = pl.kernel(
        _sc_body,
        out_type=jax.ShapeDtypeStruct((N_PTS * 3,), jnp.float32),
        mesh=mesh,
        scratch_types=[
            pltpu.VMEM((2 * P,), jnp.float32),
            pltpu.VMEM((2 * P,), jnp.float32),
            pltpu.VMEM((2 * P,), jnp.float32),
            pltpu.VMEM((2 * P,), jnp.float32),
            pltpu.VMEM((2 * P,), jnp.float32),
            pltpu.VMEM((2 * P,), jnp.float32),
            pltpu.VMEM((2 * NSTREAMS, 128), jnp.int32),
            pltpu.VMEM((2 * NLISTS * P,), jnp.float32),
            pltpu.VMEM((2 * 3 * P,), jnp.float32),
            pltpu.SemaphoreType.DMA((2,)),
        ],
    )(xs, ys, zs, chans)
    return out.reshape(3, N_PTS).T

# --- scband reference (transcript-rebuilt; emitter-appended) ---
"""Pipeline reference for scband-mitsuba-tensor-wrapper-35983236006538 (READ-ONLY COPY).

The authoritative reference and input builder live on the scoring server;
editing this copy changes nothing except your own understanding.
"""

import jax, jax.numpy as jnp
import numpy as np

GRID = 128
SCENE_MIN = 0.0
SCENE_MAX = 1.0
N_PTS = 1048576


def setup_inputs(seed: int = 0) -> dict:
    key = jax.random.key(seed)
    k1, k2 = jax.random.split(key)
    pts = jax.random.uniform(k1, (N_PTS, 3), dtype=jnp.float32)
    # learned dense grid parameter: (C=3, D, H, W). Torch init is ones*0.5;
    # we add small noise so the interpolation is non-degenerate for testing.
    tensor = jax.random.normal(k2, (3, GRID, GRID, GRID), dtype=jnp.float32) * 0.1 + 0.5
    return {"pts": pts, "tensor": tensor}


def _grid_sample_3d_border(tensor, grid):
    # Faithful port of torch.nn.functional.grid_sample for 5D input with
    # mode='bilinear' (trilinear), align_corners=False, padding_mode='border'.
    # tensor: (C, D, H, W); grid: (N, 3) with (x, y, z) in [-1, 1],
    # x indexes W, y indexes H, z indexes D (PyTorch convention).
    C, D, H, W = tensor.shape

    def unnormalize(coord, size):
        # align_corners=False: ((coord + 1) * size - 1) / 2
        c = ((coord + 1.0) * size - 1.0) / 2.0
        # padding_mode='border': clip source coordinate into [0, size-1]
        return jnp.clip(c, 0.0, size - 1.0)

    x = unnormalize(grid[:, 0], W)
    y = unnormalize(grid[:, 1], H)
    z = unnormalize(grid[:, 2], D)

    x0f = jnp.floor(x); y0f = jnp.floor(y); z0f = jnp.floor(z)
    tx = x - x0f; ty = y - y0f; tz = z - z0f

    x0 = jnp.clip(x0f.astype(jnp.int32), 0, W - 1)
    y0 = jnp.clip(y0f.astype(jnp.int32), 0, H - 1)
    z0 = jnp.clip(z0f.astype(jnp.int32), 0, D - 1)
    x1 = jnp.minimum(x0 + 1, W - 1)
    y1 = jnp.minimum(y0 + 1, H - 1)
    z1 = jnp.minimum(z0 + 1, D - 1)

    def g(zi, yi, xi):
        # gather 8 corner values: (C, N)
        return tensor[:, zi, yi, xi]

    c000 = g(z0, y0, x0); c001 = g(z0, y0, x1)
    c010 = g(z0, y1, x0); c011 = g(z0, y1, x1)
    c100 = g(z1, y0, x0); c101 = g(z1, y0, x1)
    c110 = g(z1, y1, x0); c111 = g(z1, y1, x1)

    c00 = c000 * (1.0 - tx) + c001 * tx
    c01 = c010 * (1.0 - tx) + c011 * tx
    c10 = c100 * (1.0 - tx) + c101 * tx
    c11 = c110 * (1.0 - tx) + c111 * tx
    c0 = c00 * (1.0 - ty) + c01 * ty
    c1 = c10 * (1.0 - ty) + c11 * ty
    out = c0 * (1.0 - tz) + c1 * tz  # (C, N)
    return out.T  # (N, C) -- matches .view(3, -1).transpose(0, 1)


def reference(pts, tensor):
    # MitsubaWrapper.eval: normalize into [0, 1]
    p = (pts - SCENE_MIN) / (SCENE_MAX - SCENE_MIN)
    # MitsubaTensorWrapper._eval: map to [-1, 1] and grid-sample
    p = 2.0 * p - 1.0
    out = _grid_sample_3d_border(tensor, p)
    return out

if __name__ == "__main__":
    import jax
    _d = setup_inputs()
    print(jax.jit(kernel)(*tuple(_d.values())))

</pallas_src>

<mosaic_0001>
#map = affine_map<(d0, d1) -> (0)>
module attributes {stable_mosaic.version = 14 : i64} {
  func.func @_sc_body(%arg0: i32, %arg1: i32, %arg2: memref<1048576xf32, #tpu.memory_space<hbm>>, %arg3: memref<1048576xf32, #tpu.memory_space<hbm>>, %arg4: memref<1048576xf32, #tpu.memory_space<hbm>>, %arg5: memref<6291456xf32, #tpu.memory_space<hbm>>, %arg6: memref<3145728xf32, #tpu.memory_space<hbm>>, %arg7: memref<2048xf32, #tpu.memory_space<vmem>>, %arg8: memref<2048xf32, #tpu.memory_space<vmem>>, %arg9: memref<2048xf32, #tpu.memory_space<vmem>>, %arg10: memref<2048xf32, #tpu.memory_space<vmem>>, %arg11: memref<2048xf32, #tpu.memory_space<vmem>>, %arg12: memref<2048xf32, #tpu.memory_space<vmem>>, %arg13: memref<384x128xi32, #tpu.memory_space<vmem>>, %arg14: memref<49152xf32, #tpu.memory_space<vmem>>, %arg15: memref<6144xf32, #tpu.memory_space<vmem>>, %arg16: memref<2x!tpu.dma_semaphore, #tpu.memory_space<semaphore_mem>>) attributes {dimension_semantics = [#tpu.dimension_semantics<core_parallel>, #tpu.dimension_semantics<subcore_parallel>], iteration_bounds = array<i64: 2, 16>, scalar_prefetch = 0 : i64, scratch_operands = 10 : i64, tpu.core_type = #tpu.core_type<sc_vector_subcore>, window_params = [{transform_indices = #map}, {transform_indices = #map}, {transform_indices = #map}, {transform_indices = #map}, {transform_indices = #map}]} {
    %mul3A = arith.constant 2 : i32
    %mul3A_0 = arith.muli %arg1, %mul3A : i32
    %add3A = arith.addi %mul3A_0, %arg0 : i32
    %mul3A_1 = arith.constant 32768 : i32
    %mul3A_2 = arith.muli %add3A, %mul3A_1 : i32
    %iota3A = tpu.iota {dimensions = array<i32: 0>} : vector<16xi32>
    %add3A_3 = arith.constant 0 : i32
    %add3A_4 = arith.addi %mul3A_2, %add3A_3 : i32
    "tpu.region"() ({
      %run_scoped3A = tpu.sem_alloc : memref<!tpu.dma_semaphore, #tpu.memory_space<semaphore_mem>>
      %dma_start3A = arith.constant 0 : i32
      %dma_start3A_50 = tpu.memref_slice %arg7[%dma_start3A] : memref<2048xf32, #tpu.memory_space<vmem>> -> memref<1024xf32, #tpu.memory_space<vmem>>
      %dma_start3A_51 = tpu.memref_slice %arg2[%add3A_4] : memref<1048576xf32, #tpu.memory_space<hbm>> -> memref<1024xf32, #tpu.memory_space<hbm>>
      %dma_start3A_52 = arith.constant 0 : i32
      %dma_start3A_53 = tpu.memref_slice %arg7[%dma_start3A_52] : memref<2048xf32, #tpu.memory_space<vmem>> -> memref<1024xf32, #tpu.memory_space<vmem>>
      %dma_start3A_54 = tpu.memref_slice %arg2[%add3A_4] : memref<1048576xf32, #tpu.memory_space<hbm>> -> memref<1024xf32, #tpu.memory_space<hbm>>
      tpu.enqueue_dma source(%dma_start3A_54 : memref<1024xf32, #tpu.memory_space<hbm>>) target(%dma_start3A_53 : memref<1024xf32, #tpu.memory_space<vmem>>) target_semaphore(%run_scoped3A : memref<!tpu.dma_semaphore, #tpu.memory_space<semaphore_mem>>)
      %dma_wait3A_55 = arith.constant 0 : i32
      %dma_wait3A_56 = tpu.memref_slice %arg7[%dma_wait3A_55] : memref<2048xf32, #tpu.memory_space<vmem>> -> memref<1024xf32, #tpu.memory_space<vmem>>
      %dma_wait3A_57 = tpu.memref_slice %arg2[%add3A_4] : memref<1048576xf32, #tpu.memory_space<hbm>> -> memref<1024xf32, #tpu.memory_space<hbm>>
      %dma_wait3A_58 = arith.constant 0 : i32
      %dma_wait3A_59 = tpu.memref_slice %arg7[%dma_wait3A_58] : memref<2048xf32, #tpu.memory_space<vmem>> -> memref<1024xf32, #tpu.memory_space<vmem>>
      %dma_wait3A_60 = tpu.memref_slice %arg2[%add3A_4] : memref<1048576xf32, #tpu.memory_space<hbm>> -> memref<1024xf32, #tpu.memory_space<hbm>>
      tpu.wait_dma2 semaphore(%run_scoped3A : memref<!tpu.dma_semaphore, #tpu.memory_space<semaphore_mem>>) src(%dma_wait3A_60 : memref<1024xf32, #tpu.memory_space<hbm>>) dst(%dma_wait3A_59 : memref<1024xf32, #tpu.memory_space<vmem>>)
      tpu.yield
    }) : () -> ()
    "tpu.region"() ({
      %run_scoped3A = tpu.sem_alloc : memref<!tpu.dma_semaphore, #tpu.memory_space<semaphore_mem>>
      %dma_start3A = arith.constant 0 : i32
      %dma_start3A_50 = tpu.memref_slice %arg8[%dma_start3A] : memref<2048xf32, #tpu.memory_space<vmem>> -> memref<1024xf32, #tpu.memory_space<vmem>>
      %dma_start3A_51 = tpu.memref_slice %arg3[%add3A_4] : memref<1048576xf32, #tpu.memory_space<hbm>> -> memref<1024xf32, #tpu.memory_space<hbm>>
      %dma_start3A_52 = arith.constant 0 : i32
      %dma_start3A_53 = tpu.memref_slice %arg8[%dma_start3A_52] : memref<2048xf32, #tpu.memory_space<vmem>> -> memref<1024xf32, #tpu.memory_space<vmem>>
      %dma_start3A_54 = tpu.memref_slice %arg3[%add3A_4] : memref<1048576xf32, #tpu.memory_space<hbm>> -> memref<1024xf32, #tpu.memory_space<hbm>>
      tpu.enqueue_dma source(%dma_start3A_54 : memref<1024xf32, #tpu.memory_space<hbm>>) target(%dma_start3A_53 : memref<1024xf32, #tpu.memory_space<vmem>>) target_semaphore(%run_scoped3A : memref<!tpu.dma_semaphore, #tpu.memory_space<semaphore_mem>>)
      %dma_wait3A_55 = arith.constant 0 : i32
      %dma_wait3A_56 = tpu.memref_slice %arg8[%dma_wait3A_55] : memref<2048xf32, #tpu.memory_space<vmem>> -> memref<1024xf32, #tpu.memory_space<vmem>>
      %dma_wait3A_57 = tpu.memref_slice %arg3[%add3A_4] : memref<1048576xf32, #tpu.memory_space<hbm>> -> memref<1024xf32, #tpu.memory_space<hbm>>
      %dma_wait3A_58 = arith.constant 0 : i32
      %dma_wait3A_59 = tpu.memref_slice %arg8[%dma_wait3A_58] : memref<2048xf32, #tpu.memory_space<vmem>> -> memref<1024xf32, #tpu.memory_space<vmem>>
      %dma_wait3A_60 = tpu.memref_slice %arg3[%add3A_4] : memref<1048576xf32, #tpu.memory_space<hbm>> -> memref<1024xf32, #tpu.memory_space<hbm>>
      tpu.wait_dma2 semaphore(%run_scoped3A : memref<!tpu.dma_semaphore, #tpu.memory_space<semaphore_mem>>) src(%dma_wait3A_60 : memref<1024xf32, #tpu.memory_space<hbm>>) dst(%dma_wait3A_59 : memref<1024xf32, #tpu.memory_space<vmem>>)
      tpu.yield
    }) : () -> ()
    "tpu.region"() ({
      %run_scoped3A = tpu.sem_alloc : memref<!tpu.dma_semaphore, #tpu.memory_space<semaphore_mem>>
      %dma_start3A = arith.constant 0 : i32
      %dma_start3A_50 = tpu.memref_slice %arg9[%dma_start3A] : memref<2048xf32, #tpu.memory_space<vmem>> -> memref<1024xf32, #tpu.memory_space<vmem>>
      %dma_start3A_51 = tpu.memref_slice %arg4[%add3A_4] : memref<1048576xf32, #tpu.memory_space<hbm>> -> memref<1024xf32, #tpu.memory_space<hbm>>
      %dma_start3A_52 = arith.constant 0 : i32
      %dma_start3A_53 = tpu.memref_slice %arg9[%dma_start3A_52] : memref<2048xf32, #tpu.memory_space<vmem>> -> memref<1024xf32, #tpu.memory_space<vmem>>
      %dma_start3A_54 = tpu.memref_slice %arg4[%add3A_4] : memref<1048576xf32, #tpu.memory_space<hbm>> -> memref<1024xf32, #tpu.memory_space<hbm>>
      tpu.enqueue_dma source(%dma_start3A_54 : memref<1024xf32, #tpu.memory_space<hbm>>) target(%dma_start3A_53 : memref<1024xf32, #tpu.memory_space<vmem>>) target_semaphore(%run_scoped3A : memref<!tpu.dma_semaphore, #tpu.memory_space<semaphore_mem>>)
      %dma_wait3A_55 = arith.constant 0 : i32
      %dma_wait3A_56 = tpu.memref_slice %arg9[%dma_wait3A_55] : memref<2048xf32, #tpu.memory_space<vmem>> -> memref<1024xf32, #tpu.memory_space<vmem>>
      %dma_wait3A_57 = tpu.memref_slice %arg4[%add3A_4] : memref<1048576xf32, #tpu.memory_space<hbm>> -> memref<1024xf32, #tpu.memory_space<hbm>>
      %dma_wait3A_58 = arith.constant 0 : i32
      %dma_wait3A_59 = tpu.memref_slice %arg9[%dma_wait3A_58] : memref<2048xf32, #tpu.memory_space<vmem>> -> memref<1024xf32, #tpu.memory_space<vmem>>
      %dma_wait3A_60 = tpu.memref_slice %arg4[%add3A_4] : memref<1048576xf32, #tpu.memory_space<hbm>> -> memref<1024xf32, #tpu.memory_space<hbm>>
      tpu.wait_dma2 semaphore(%run_scoped3A : memref<!tpu.dma_semaphore, #tpu.memory_space<semaphore_mem>>) src(%dma_wait3A_60 : memref<1024xf32, #tpu.memory_space<hbm>>) dst(%dma_wait3A_59 : memref<1024xf32, #tpu.memory_space<vmem>>)
      tpu.yield
    }) : () -> ()
    %scan3A = arith.constant 0 : i32
    %scan3A_5 = arith.constant 0 : i32
    %scan3A_6 = arith.constant 64 : i32
    %scan3A_7 = arith.addi %scan3A_5, %scan3A_6 : i32
    %scan3A_8 = arith.constant 1 : i32
    %scan3A_9 = scf.for %scan3A_50 = %scan3A_5 to %scan3A_7 step %scan3A_8 iter_args(%scan3A_51 = %scan3A) -> (i32)  : i32 {
      %mul3A_52 = arith.constant 16 : i32
      %mul3A_53 = arith.muli %scan3A_50, %mul3A_52 : i32
      %shift_right_arithmetic3A = arith.constant 3 : i32
      %shift_right_arithmetic3A_54 = arith.shrsi %scan3A_50, %shift_right_arithmetic3A : i32
      %and3A = arith.constant 7 : i32
      %and3A_55 = arith.andi %scan3A_50, %and3A : i32
      %mul3A_56 = arith.constant 16 : i32
      %mul3A_57 = arith.muli %and3A_55, %mul3A_56 : i32
      %add3A_58 = arith.constant 0 : i32
      %add3A_59 = arith.addi %add3A_58, %mul3A_53 : i32
      %get3A = arith.index_cast %add3A_59 : i32 to index
      %get3A_60 = tpu.vector_load %arg7[%get3A] {strides = array<i32>} : memref<2048xf32, #tpu.memory_space<vmem>>, vector<16xf32>,
      %get3A_61 = vector.shape_cast %get3A_60 : vector<16xf32> to vector<16xf32>
      %mul3A_62 = arith.constant 1.280000e+02 : f32
      %mul3A_63 = vector.broadcast %mul3A_62 : f32 to vector<16xf32>
      %mul3A_64 = arith.mulf %get3A_61, %mul3A_63 : vector<16xf32>
      %sub3A = arith.constant 5.000000e-01 : f32
      %sub3A_65 = vector.broadcast %sub3A : f32 to vector<16xf32>
      %sub3A_66 = arith.subf %mul3A_64, %sub3A_65 : vector<16xf32>
      %jit3A = arith.constant 0.000000e+00 : f32
      %jit3A_67 = arith.constant 1.270000e+02 : f32
      %max3A = vector.broadcast %jit3A : f32 to vector<16xf32>
      %max3A_68 = arith.maximumf %max3A, %sub3A_66 : vector<16xf32>
      %min3A = vector.broadcast %jit3A_67 : f32 to vector<16xf32>
      %min3A_69 = arith.minimumf %min3A, %max3A_68 : vector<16xf32>
      %convert_element_type3A = arith.fptosi %min3A_69 : vector<16xf32> to vector<16xi32>
      %convert_element_type3A_70 = arith.sitofp %convert_element_type3A : vector<16xi32> to vector<16xf32>
      %sub3A_71 = arith.subf %min3A_69, %convert_element_type3A_70 : vector<16xf32>
      %add3A_72 = arith.constant 0 : i32
      %add3A_73 = arith.addi %add3A_72, %mul3A_53 : i32
      %get3A_74 = arith.index_cast %add3A_73 : i32 to index
      %get3A_75 = tpu.vector_load %arg8[%get3A_74] {strides = array<i32>} : memref<2048xf32, #tpu.memory_space<vmem>>, vector<16xf32>,
      %get3A_76 = vector.shape_cast %get3A_75 : vector<16xf32> to vector<16xf32>
      %mul3A_77 = arith.constant 1.280000e+02 : f32
      %mul3A_78 = vector.broadcast %mul3A_77 : f32 to vector<16xf32>
      %mul3A_79 = arith.mulf %get3A_76, %mul3A_78 : vector<16xf32>
      %sub3A_80 = arith.constant 5.000000e-01 : f32
      %sub3A_81 = vector.broadcast %sub3A_80 : f32 to vector<16xf32>
      %sub3A_82 = arith.subf %mul3A_79, %sub3A_81 : vector<16xf32>
      %jit3A_83 = arith.constant 0.000000e+00 : f32
      %jit3A_84 = arith.constant 1.270000e+02 : f32
      %max3A_85 = vector.broadcast %jit3A_83 : f32 to vector<16xf32>
      %max3A_86 = arith.maximumf %max3A_85, %sub3A_82 : vector<16xf32>
      %min3A_87 = vector.broadcast %jit3A_84 : f32 to vector<16xf32>
      %min3A_88 = arith.minimumf %min3A_87, %max3A_86 : vector<16xf32>
      %convert_element_type3A_89 = arith.fptosi %min3A_88 : vector<16xf32> to vector<16xi32>
      %convert_element_type3A_90 = arith.sitofp %convert_element_type3A_89 : vector<16xi32> to vector<16xf32>
      %sub3A_91 = arith.subf %min3A_88, %convert_element_type3A_90 : vector<16xf32>
      %add3A_92 = arith.constant 0 : i32
      %add3A_93 = arith.addi %add3A_92, %mul3A_53 : i32
      %get3A_94 = arith.index_cast %add3A_93 : i32 to index
      %get3A_95 = tpu.vector_load %arg9[%get3A_94] {strides = array<i32>} : memref<2048xf32, #tpu.memory_space<vmem>>, vector<16xf32>,
      %get3A_96 = vector.shape_cast %get3A_95 : vector<16xf32> to vector<16xf32>
      %mul3A_97 = arith.constant 1.280000e+02 : f32
      %mul3A_98 = vector.broadcast %mul3A_97 : f32 to vector<16xf32>
      %mul3A_99 = arith.mulf %get3A_96, %mul3A_98 : vector<16xf32>
      %sub3A_100 = arith.constant 5.000000e-01 : f32
      %sub3A_101 = vector.broadcast %sub3A_100 : f32 to vector<16xf32>
      %sub3A_102 = arith.subf %mul3A_99, %sub3A_101 : vector<16xf32>
      %jit3A_103 = arith.constant 0.000000e+00 : f32
      %jit3A_104 = arith.constant 1.270000e+02 : f32
      %max3A_105 = vector.broadcast %jit3A_103 : f32 to vector<16xf32>
      %max3A_106 = arith.maximumf %max3A_105, %sub3A_102 : vector<16xf32>
      %min3A_107 = vector.broadcast %jit3A_104 : f32 to vector<16xf32>
      %min3A_108 = arith.minimumf %min3A_107, %max3A_106 : vector<16xf32>
      %convert_element_type3A_109 = arith.fptosi %min3A_108 : vector<16xf32> to vector<16xi32>
      %convert_element_type3A_110 = arith.sitofp %convert_element_type3A_109 : vector<16xi32> to vector<16xf32>
      %sub3A_111 = arith.subf %min3A_108, %convert_element_type3A_110 : vector<16xf32>
      %add3A_112 = arith.constant 0 : i32
      %add3A_113 = arith.addi %add3A_112, %mul3A_53 : i32
      %swap3A = arith.index_cast %add3A_113 : i32 to index
      %swap3A_114 = tpu.vector_load %arg10[%swap3A] {strides = array<i32>} : memref<2048xf32, #tpu.memory_space<vmem>>, vector<16xf32>,
      %swap3A_115 = vector.shape_cast %swap3A_114 : vector<16xf32> to vector<16xf32>
      %swap3A_116 = vector.shape_cast %sub3A_71 : vector<16xf32> to vector<16xf32>
      tpu.vector_store %arg10[%swap3A], %swap3A_116 {strides = array<i32>} : memref<2048xf32, #tpu.memory_space<vmem>>, vector<16xf32>,
      %add3A_117 = arith.constant 0 : i32
      %add3A_118 = arith.addi %add3A_117, %mul3A_53 : i32
      %swap3A_119 = arith.index_cast %add3A_118 : i32 to index
      %swap3A_120 = tpu.vector_load %arg11[%swap3A_119] {strides = array<i32>} : memref<2048xf32, #tpu.memory_space<vmem>>, vector<16xf32>,
      %swap3A_121 = vector.shape_cast %swap3A_120 : vector<16xf32> to vector<16xf32>
      %swap3A_122 = vector.shape_cast %sub3A_91 : vector<16xf32> to vector<16xf32>
      tpu.vector_store %arg11[%swap3A_119], %swap3A_122 {strides = array<i32>} : memref<2048xf32, #tpu.memory_space<vmem>>, vector<16xf32>,
      %add3A_123 = arith.constant 0 : i32
      %add3A_124 = arith.addi %add3A_123, %mul3A_53 : i32
      %swap3A_125 = arith.index_cast %add3A_124 : i32 to index
      %swap3A_126 = tpu.vector_load %arg12[%swap3A_125] {strides = array<i32>} : memref<2048xf32, #tpu.memory_space<vmem>>, vector<16xf32>,
      %swap3A_127 = vector.shape_cast %swap3A_126 : vector<16xf32> to vector<16xf32>
      %swap3A_128 = vector.shape_cast %sub3A_111 : vector<16xf32> to vector<16xf32>
      tpu.vector_store %arg12[%swap3A_125], %swap3A_128 {strides = array<i32>} : memref<2048xf32, #tpu.memory_space<vmem>>, vector<16xf32>,
      %add3A_129 = arith.constant 1 : i32
      %add3A_130 = vector.broadcast %add3A_129 : i32 to vector<16xi32>
      %add3A_131 = arith.addi %convert_element_type3A, %add3A_130 : vector<16xi32>
      %min3A_132 = arith.constant 127 : i32
      %min3A_133 = vector.broadcast %min3A_132 : i32 to vector<16xi32>
      %min3A_134 = arith.minsi %add3A_131, %min3A_133 : vector<16xi32>
      %add3A_135 = arith.constant 1 : i32
      %add3A_136 = vector.broadcast %add3A_135 : i32 to vector<16xi32>
      %add3A_137 = arith.addi %convert_element_type3A_89, %add3A_136 : vector<16xi32>
      %min3A_138 = arith.constant 127 : i32
      %min3A_139 = vector.broadcast %min3A_138 : i32 to vector<16xi32>
      %min3A_140 = arith.minsi %add3A_137, %min3A_139 : vector<16xi32>
      %shift_left3A = arith.constant 7 : i32
      %shift_left3A_141 = vector.broadcast %shift_left3A : i32 to vector<16xi32>
      %shift_left3A_142 = arith.shli %min3A_140, %shift_left3A_141 : vector<16xi32>
      %add3A_143 = arith.constant 1 : i32
      %add3A_144 = vector.broadcast %add3A_143 : i32 to vector<16xi32>
      %add3A_145 = arith.addi %convert_element_type3A_109, %add3A_144 : vector<16xi32>
      %min3A_146 = arith.constant 127 : i32
      %min3A_147 = vector.broadcast %min3A_146 : i32 to vector<16xi32>
      %min3A_148 = arith.minsi %add3A_145, %min3A_147 : vector<16xi32>
      %shift_left3A_149 = arith.constant 14 : i32
      %shift_left3A_150 = vector.broadcast %shift_left3A_149 : i32 to vector<16xi32>
      %shift_left3A_151 = arith.shli %min3A_148, %shift_left3A_150 : vector<16xi32>
      %shift_left3A_152 = arith.constant 7 : i32
      %shift_left3A_153 = vector.broadcast %shift_left3A_152 : i32 to vector<16xi32>
      %shift_left3A_154 = arith.shli %convert_element_type3A_89, %shift_left3A_153 : vector<16xi32>
      %shift_left3A_155 = arith.constant 14 : i32
      %shift_left3A_156 = vector.broadcast %shift_left3A_155 : i32 to vector<16xi32>
      %shift_left3A_157 = arith.shli %convert_element_type3A_109, %shift_left3A_156 : vector<16xi32>
      %add3A_158 = arith.addi %shift_left3A_157, %shift_left3A_154 : vector<16xi32>
      %add3A_159 = arith.addi %add3A_158, %convert_element_type3A : vector<16xi32>
      %add3A_160 = arith.addi %shift_left3A_157, %shift_left3A_154 : vector<16xi32>
      %add3A_161 = arith.addi %add3A_160, %min3A_134 : vector<16xi32>
      %add3A_162 = arith.addi %shift_left3A_157, %shift_left3A_142 : vector<16xi32>
      %add3A_163 = arith.addi %add3A_162, %convert_element_type3A : vector<16xi32>
      %add3A_164 = arith.addi %shift_left3A_157, %shift_left3A_142 : vector<16xi32>
      %add3A_165 = arith.addi %add3A_164, %min3A_134 : vector<16xi32>
      %add3A_166 = arith.addi %shift_left3A_151, %shift_left3A_154 : vector<16xi32>
      %add3A_167 = arith.addi %add3A_166, %convert_element_type3A : vector<16xi32>
      %add3A_168 = arith.addi %shift_left3A_151, %shift_left3A_154 : vector<16xi32>
      %add3A_169 = arith.addi %add3A_168, %min3A_134 : vector<16xi32>
      %add3A_170 = arith.addi %shift_left3A_151, %shift_left3A_142 : vector<16xi32>
      %add3A_171 = arith.addi %add3A_170, %convert_element_type3A : vector<16xi32>
      %add3A_172 = arith.addi %shift_left3A_151, %shift_left3A_142 : vector<16xi32>
      %add3A_173 = arith.addi %add3A_172, %min3A_134 : vector<16xi32>
      %add3A_174 = arith.constant 0 : i32
      %add3A_175 = vector.broadcast %add3A_174 : i32 to vector<16xi32>
      %add3A_176 = arith.addi %add3A_159, %add3A_175 : vector<16xi32>
      %add3A_177 = arith.constant 0 : i32
      %add3A_178 = arith.addi %add3A_177, %shift_right_arithmetic3A_54 : i32
      %swap3A_179 = arith.index_cast %add3A_178 : i32 to index
      %swap3A_180 = arith.index_cast %mul3A_57 : i32 to index
      %swap3A_181 = tpu.vector_load %arg13[%swap3A_179, %swap3A_180] {strides = array<i32>} : memref<384x128xi32, #tpu.memory_space<vmem>>, vector<1x16xi32>,
      %swap3A_182 = vector.shape_cast %swap3A_181 : vector<1x16xi32> to vector<16xi32>
      %swap3A_183 = vector.shape_cast %add3A_176 : vector<16xi32> to vector<1x16xi32>
      tpu.vector_store %arg13[%swap3A_179, %swap3A_180], %swap3A_183 {strides = array<i32>} : memref<384x128xi32, #tpu.memory_space<vmem>>, vector<1x16xi32>,
      %add3A_184 = arith.constant 2097152 : i32
      %add3A_185 = vector.broadcast %add3A_184 : i32 to vector<16xi32>
      %add3A_186 = arith.addi %add3A_159, %add3A_185 : vector<16xi32>
      %add3A_187 = arith.constant 64 : i32
      %add3A_188 = arith.addi %add3A_187, %shift_right_arithmetic3A_54 : i32
      %swap3A_189 = arith.index_cast %add3A_188 : i32 to index
      %swap3A_190 = arith.index_cast %mul3A_57 : i32 to index
      %swap3A_191 = tpu.vector_load %arg13[%swap3A_189, %swap3A_190] {strides = array<i32>} : memref<384x128xi32, #tpu.memory_space<vmem>>, vector<1x16xi32>,
      %swap3A_192 = vector.shape_cast %swap3A_191 : vector<1x16xi32> to vector<16xi32>
      %swap3A_193 = vector.shape_cast %add3A_186 : vector<16xi32> to vector<1x16xi32>
      tpu.vector_store %arg13[%swap3A_189, %swap3A_190], %swap3A_193 {strides = array<i32>} : memref<384x128xi32, #tpu.memory_space<vmem>>, vector<1x16xi32>,
      %add3A_194 = arith.constant 4194304 : i32
      %add3A_195 = vector.broadcast %add3A_194 : i32 to vector<16xi32>
      %add3A_196 = arith.addi %add3A_159, %add3A_195 : vector<16xi32>
      %add3A_197 = arith.constant 128 : i32
      %add3A_198 = arith.addi %add3A_197, %shift_right_arithmetic3A_54 : i32
      %swap3A_199 = arith.index_cast %add3A_198 : i32 to index
      %swap3A_200 = arith.index_cast %mul3A_57 : i32 to index
      %swap3A_201 = tpu.vector_load %arg13[%swap3A_199, %swap3A_200] {strides = array<i32>} : memref<384x128xi32, #tpu.memory_space<vmem>>, vector<1x16xi32>,
      %swap3A_202 = vector.shape_cast %swap3A_201 : vector<1x16xi32> to vector<16xi32>
      %swap3A_203 = vector.shape_cast %add3A_196 : vector<16xi32> to vector<1x16xi32>
      tpu.vector_store %arg13[%swap3A_199, %swap3A_200], %swap3A_203 {strides = array<i32>} : memref<384x128xi32, #tpu.memory_space<vmem>>, vector<1x16xi32>,
      %add3A_204 = arith.constant 0 : i32
      %add3A_205 = vector.broadcast %add3A_204 : i32 to vector<16xi32>
      %add3A_206 = arith.addi %add3A_161, %add3A_205 : vector<16xi32>
      %add3A_207 = arith.constant 8 : i32
      %add3A_208 = arith.addi %add3A_207, %shift_right_arithmetic3A_54 : i32
      %swap3A_209 = arith.index_cast %add3A_208 : i32 to index
      %swap3A_210 = arith.index_cast %mul3A_57 : i32 to index
      %swap3A_211 = tpu.vector_load %arg13[%swap3A_209, %swap3A_210] {strides = array<i32>} : memref<384x128xi32, #tpu.memory_space<vmem>>, vector<1x16xi32>,
      %swap3A_212 = vector.shape_cast %swap3A_211 : vector<1x16xi32> to vector<16xi32>
      %swap3A_213 = vector.shape_cast %add3A_206 : vector<16xi32> to vector<1x16xi32>
      tpu.vector_store %arg13[%swap3A_209, %swap3A_210], %swap3A_213 {strides = array<i32>} : memref<384x128xi32, #tpu.memory_space<vmem>>, vector<1x16xi32>,
      %add3A_214 = arith.constant 2097152 : i32
      %add3A_215 = vector.broadcast %add3A_214 : i32 to vector<16xi32>
      %add3A_216 = arith.addi %add3A_161, %add3A_215 : vector<16xi32>
      %add3A_217 = arith.constant 72 : i32
      %add3A_218 = arith.addi %add3A_217, %shift_right_arithmetic3A_54 : i32
      %swap3A_219 = arith.index_cast %add3A_218 : i32 to index
      %swap3A_220 = arith.index_cast %mul3A_57 : i32 to index
      %swap3A_221 = tpu.vector_load %arg13[%swap3A_219, %swap3A_220] {strides = array<i32>} : memref<384x128xi32, #tpu.memory_space<vmem>>, vector<1x16xi32>,
      %swap3A_222 = vector.shape_cast %swap3A_221 : vector<1x16xi32> to vector<16xi32>
      %swap3A_223 = vector.shape_cast %add3A_216 : vector<16xi32> to vector<1x16xi32>
      tpu.vector_store %arg13[%swap3A_219, %swap3A_220], %swap3A_223 {strides = array<i32>} : memref<384x128xi32, #tpu.memory_space<vmem>>, vector<1x16xi32>,
      %add3A_224 = arith.constant 4194304 : i32
      %add3A_225 = vector.broadcast %add3A_224 : i32 to vector<16xi32>
      %add3A_226 = arith.addi %add3A_161, %add3A_225 : vector<16xi32>
      %add3A_227 = arith.constant 136 : i32
      %add3A_228 = arith.addi %add3A_227, %shift_right_arithmetic3A_54 : i32
      %swap3A_229 = arith.index_cast %add3A_228 : i32 to index
      %swap3A_230 = arith.index_cast %mul3A_57 : i32 to index
      %swap3A_231 = tpu.vector_load %arg13[%swap3A_229, %swap3A_230] {strides = array<i32>} : memref<384x128xi32, #tpu.memory_space<vmem>>, vector<1x16xi32>,
      %swap3A_232 = vector.shape_cast %swap3A_231 : vector<1x16xi32> to vector<16xi32>
      %swap3A_233 = vector.shape_cast %add3A_226 : vector<16xi32> to vector<1x16xi32>
      tpu.vector_store %arg13[%swap3A_229, %swap3A_230], %swap3A_233 {strides = array<i32>} : memref<384x128xi32, #tpu.memory_space<vmem>>, vector<1x16xi32>,
      %add3A_234 = arith.constant 0 : i32
      %add3A_235 = vector.broadcast %add3A_234 : i32 to vector<16xi32>
      %add3A_236 = arith.addi %add3A_163, %add3A_235 : vector<16xi32>
      %add3A_237 = arith.constant 16 : i32
      %add3A_238 = arith.addi %add3A_237, %shift_right_arithmetic3A_54 : i32
      %swap3A_239 = arith.index_cast %add3A_238 : i32 to index
      %swap3A_240 = arith.index_cast %mul3A_57 : i32 to index
      %swap3A_241 = tpu.vector_load %arg13[%swap3A_239, %swap3A_240] {strides = array<i32>} : memref<384x128xi32, #tpu.memory_space<vmem>>, vector<1x16xi32>,
      %swap3A_242 = vector.shape_cast %swap3A_241 : vector<1x16xi32> to vector<16xi32>
      %swap3A_243 = vector.shape_cast %add3A_236 : vector<16xi32> to vector<1x16xi32>
      tpu.vector_store %arg13[%swap3A_239, %swap3A_240], %swap3A_243 {strides = array<i32>} : memref<384x128xi32, #tpu.memory_space<vmem>>, vector<1x16xi32>,
      %add3A_244 = arith.constant 2097152 : i32
      %add3A_245 = vector.broadcast %add3A_244 : i32 to vector<16xi32>
      %add3A_246 = arith.addi %add3A_163, %add3A_245 : vector<16xi32>
      %add3A_247 = arith.constant 80 : i32
      %add3A_248 = arith.addi %add3A_247, %shift_right_arithmetic3A_54 : i32
      %swap3A_249 = arith.index_cast %add3A_248 : i32 to index
      %swap3A_250 = arith.index_cast %mul3A_57 : i32 to index
      %swap3A_251 = tpu.vector_load %arg13[%swap3A_249, %swap3A_250] {strides = array<i32>} : memref<384x128xi32, #tpu.memory_space<vmem>>, vector<1x16xi32>,
      %swap3A_252 = vector.shape_cast %swap3A_251 : vector<1x16xi32> to vector<16xi32>
      %swap3A_253 = vector.shape_cast %add3A_246 : vector<16xi32> to vector<1x16xi32>
      tpu.vector_store %arg13[%swap3A_249, %swap3A_250], %swap3A_253 {strides = array<i32>} : memref<384x128xi32, #tpu.memory_space<vmem>>, vector<1x16xi32>,
      %add3A_254 = arith.constant 4194304 : i32
      %add3A_255 = vector.broadcast %add3A_254 : i32 to vector<16xi32>
      %add3A_256 = arith.addi %add3A_163, %add3A_255 : vector<16xi32>
      %add3A_257 = arith.constant 144 : i32
      %add3A_258 = arith.addi %add3A_257, %shift_right_arithmetic3A_54 : i32
      %swap3A_259 = arith.index_cast %add3A_258 : i32 to index
      %swap3A_260 = arith.index_cast %mul3A_57 : i32 to index
      %swap3A_261 = tpu.vector_load %arg13[%swap3A_259, %swap3A_260] {strides = array<i32>} : memref<384x128xi32, #tpu.memory_space<vmem>>, vector<1x16xi32>,
      %swap3A_262 = vector.shape_cast %swap3A_261 : vector<1x16xi32> to vector<16xi32>
      %swap3A_263 = vector.shape_cast %add3A_256 : vector<16xi32> to vector<1x16xi32>
      tpu.vector_store %arg13[%swap3A_259, %swap3A_260], %swap3A_263 {strides = array<i32>} : memref<384x128xi32, #tpu.memory_space<vmem>>, vector<1x16xi32>,
      %add3A_264 = arith.constant 0 : i32
      %add3A_265 = vector.broadcast %add3A_264 : i32 to vector<16xi32>
      %add3A_266 = arith.addi %add3A_165, %add3A_265 : vector<16xi32>
      %add3A_267 = arith.constant 24 : i32
      %add3A_268 = arith.addi %add3A_267, %shift_right_arithmetic3A_54 : i32
      %swap3A_269 = arith.index_cast %add3A_268 : i32 to index
      %swap3A_270 = arith.index_cast %mul3A_57 : i32 to index
      %swap3A_271 = tpu.vector_load %arg13[%swap3A_269, %swap3A_270] {strides = array<i32>} : memref<384x128xi32, #tpu.memory_space<vmem>>, vector<1x16xi32>,
      %swap3A_272 = vector.shape_cast %swap3A_271 : vector<1x16xi32> to vector<16xi32>
      %swap3A_273 = vector.shape_cast %add3A_266 : vector<16xi32> to vector<1x16xi32>
      tpu.vector_store %arg13[%swap3A_269, %swap3A_270], %swap3A_273 {strides = array<i32>} : memref<384x128xi32, #tpu.memory_space<vmem>>, vector<1x16xi32>,
      %add3A_274 = arith.constant 2097152 : i32
      %add3A_275 = vector.broadcast %add3A_274 : i32 to vector<16xi32>
      %add3A_276 = arith.addi %add3A_165, %add3A_275 : vector<16xi32>
      %add3A_277 = arith.constant 88 : i32
      %add3A_278 = arith.addi %add3A_277, %shift_right_arithmetic3A_54 : i32
      %swap3A_279 = arith.index_cast %add3A_278 : i32 to index
      %swap3A_280 = arith.index_cast %mul3A_57 : i32 to index
      %swap3A_281 = tpu.vector_load %arg13[%swap3A_279, %swap3A_280] {strides = array<i32>} : memref<384x128xi32, #tpu.memory_space<vmem>>, vector<1x16xi32>,
      %swap3A_282 = vector.shape_cast %swap3A_281 : vector<1x16xi32> to vector<16xi32>
      %swap3A_283 = vector.shape_cast %add3A_276 : vector<16xi32> to vector<1x16xi32>
      tpu.vector_store %arg13[%swap3A_279, %swap3A_280], %swap3A_283 {strides = array<i32>} : memref<384x128xi32, #tpu.memory_space<vmem>>, vector<1x16xi32>,
      %add3A_284 = arith.constant 4194304 : i32
      %add3A_285 = vector.broadcast %add3A_284 : i32 to vector<16xi32>
      %add3A_286 = arith.addi %add3A_165, %add3A_285 : vector<16xi32>
      %add3A_287 = arith.constant 152 : i32
      %add3A_288 = arith.addi %add3A_287, %shift_right_arithmetic3A_54 : i32
      %swap3A_289 = arith.index_cast %add3A_288 : i32 to index
      %swap3A_290 = arith.index_cast %mul3A_57 : i32 to index
      %swap3A_291 = tpu.vector_load %arg13[%swap3A_289, %swap3A_290] {strides = array<i32>} : memref<384x128xi32, #tpu.memory_space<vmem>>, vector<1x16xi32>,
      %swap3A_292 = vector.shape_cast %swap3A_291 : vector<1x16xi32> to vector<16xi32>
      %swap3A_293 = vector.shape_cast %add3A_286 : vector<16xi32> to vector<1x16xi32>
      tpu.vector_store %arg13[%swap3A_289, %swap3A_290], %swap3A_293 {strides = array<i32>} : memref<384x128xi32, #tpu.memory_space<vmem>>, vector<1x16xi32>,
      %add3A_294 = arith.constant 0 : i32
      %add3A_295 = vector.broadcast %add3A_294 : i32 to vector<16xi32>
      %add3A_296 = arith.addi %add3A_167, %add3A_295 : vector<16xi32>
      %add3A_297 = arith.constant 32 : i32
      %add3A_298 = arith.addi %add3A_297, %shift_right_arithmetic3A_54 : i32
      %swap3A_299 = arith.index_cast %add3A_298 : i32 to index
      %swap3A_300 = arith.index_cast %mul3A_57 : i32 to index
      %swap3A_301 = tpu.vector_load %arg13[%swap3A_299, %swap3A_300] {strides = array<i32>} : memref<384x128xi32, #tpu.memory_space<vmem>>, vector<1x16xi32>,
      %swap3A_302 = vector.shape_cast %swap3A_301 : vector<1x16xi32> to vector<16xi32>
      %swap3A_303 = vector.shape_cast %add3A_296 : vector<16xi32> to vector<1x16xi32>
      tpu.vector_store %arg13[%swap3A_299, %swap3A_300], %swap3A_303 {strides = array<i32>} : memref<384x128xi32, #tpu.memory_space<vmem>>, vector<1x16xi32>,
      %add3A_304 = arith.constant 2097152 : i32
      %add3A_305 = vector.broadcast %add3A_304 : i32 to vector<16xi32>
      %add3A_306 = arith.addi %add3A_167, %add3A_305 : vector<16xi32>
      %add3A_307 = arith.constant 96 : i32
      %add3A_308 = arith.addi %add3A_307, %shift_right_arithmetic3A_54 : i32
      %swap3A_309 = arith.index_cast %add3A_308 : i32 to index
      %swap3A_310 = arith.index_cast %mul3A_57 : i32 to index
      %swap3A_311 = tpu.vector_load %arg13[%swap3A_309, %swap3A_310] {strides = array<i32>} : memref<384x128xi32, #tpu.memory_space<vmem>>, vector<1x16xi32>,
      %swap3A_312 = vector.shape_cast %swap3A_311 : vector<1x16xi32> to vector<16xi32>
      %swap3A_313 = vector.shape_cast %add3A_306 : vector<16xi32> to vector<1x16xi32>
      tpu.vector_store %arg13[%swap3A_309, %swap3A_310], %swap3A_313 {strides = array<i32>} : memref<384x128xi32, #tpu.memory_space<vmem>>, vector<1x16xi32>,
      %add3A_314 = arith.constant 4194304 : i32
      %add3A_315 = vector.broadcast %add3A_314 : i32 to vector<16xi32>
      %add3A_316 = arith.addi %add3A_167, %add3A_315 : vector<16xi32>
      %add3A_317 = arith.constant 160 : i32
      %add3A_318 = arith.addi %add3A_317, %shift_right_arithmetic3A_54 : i32
      %swap3A_319 = arith.index_cast %add3A_318 : i32 to index
      %swap3A_320 = arith.index_cast %mul3A_57 : i32 to index
      %swap3A_321 = tpu.vector_load %arg13[%swap3A_319, %swap3A_320] {strides = array<i32>} : memref<384x128xi32, #tpu.memory_space<vmem>>, vector<1x16xi32>,
      %swap3A_322 = vector.shape_cast %swap3A_321 : vector<1x16xi32> to vector<16xi32>
      %swap3A_323 = vector.shape_cast %add3A_316 : vector<16xi32> to vector<1x16xi32>
      tpu.vector_store %arg13[%swap3A_319, %swap3A_320], %swap3A_323 {strides = array<i32>} : memref<384x128xi32, #tpu.memory_space<vmem>>, vector<1x16xi32>,
      %add3A_324 = arith.constant 0 : i32
      %add3A_325 = vector.broadcast %add3A_324 : i32 to vector<16xi32>
      %add3A_326 = arith.addi %add3A_169, %add3A_325 : vector<16xi32>
      %add3A_327 = arith.constant 40 : i32
      %add3A_328 = arith.addi %add3A_327, %shift_right_arithmetic3A_54 : i32
      %swap3A_329 = arith.index_cast %add3A_328 : i32 to index
      %swap3A_330 = arith.index_cast %mul3A_57 : i32 to index
      %swap3A_331 = tpu.vector_load %arg13[%swap3A_329, %swap3A_330] {strides = array<i32>} : memref<384x128xi32, #tpu.memory_space<vmem>>, vector<1x16xi32>,
      %swap3A_332 = vector.shape_cast %swap3A_331 : vector<1x16xi32> to vector<16xi32>
      %swap3A_333 = vector.shape_cast %add3A_326 : vector<16xi32> to vector<1x16xi32>
      tpu.vector_store %arg13[%swap3A_329, %swap3A_330], %swap3A_333 {strides = array<i32>} : memref<384x128xi32, #tpu.memory_space<vmem>>, vector<1x16xi32>,
      %add3A_334 = arith.constant 2097152 : i32
      %add3A_335 = vector.broadcast %add3A_334 : i32 to vector<16xi32>
      %add3A_336 = arith.addi %add3A_169, %add3A_335 : vector<16xi32>
      %add3A_337 = arith.constant 104 : i32
      %add3A_338 = arith.addi %add3A_337, %shift_right_arithmetic3A_54 : i32
      %swap3A_339 = arith.index_cast %add3A_338 : i32 to index
      %swap3A_340 = arith.index_cast %mul3A_57 : i32 to index
      %swap3A_341 = tpu.vector_load %arg13[%swap3A_339, %swap3A_340] {strides = array<i32>} : memref<384x128xi32, #tpu.memory_space<vmem>>, vector<1x16xi32>,
      %swap3A_342 = vector.shape_cast %swap3A_341 : vector<1x16xi32> to vector<16xi32>
      %swap3A_343 = vector.shape_cast %add3A_336 : vector<16xi32> to vector<1x16xi32>
      tpu.vector_store %arg13[%swap3A_339, %swap3A_340], %swap3A_343 {strides = array<i32>} : memref<384x128xi32, #tpu.memory_space<vmem>>, vector<1x16xi32>,
      %add3A_344 = arith.constant 4194304 : i32
      %add3A_345 = vector.broadcast %add3A_344 : i32 to vector<16xi32>
      %add3A_346 = arith.addi %add3A_169, %add3A_345 : vector<16xi32>
      %add3A_347 = arith.constant 168 : i32
      %add3A_348 = arith.addi %add3A_347, %shift_right_arithmetic3A_54 : i32
      %swap3A_349 = arith.index_cast %add3A_348 : i32 to index
      %swap3A_350 = arith.index_cast %mul3A_57 : i32 to index
      %swap3A_351 = tpu.vector_load %arg13[%swap3A_349, %swap3A_350] {strides = array<i32>} : memref<384x128xi32, #tpu.memory_space<vmem>>, vector<1x16xi32>,
      %swap3A_352 = vector.shape_cast %swap3A_351 : vector<1x16xi32> to vector<16xi32>
      %swap3A_353 = vector.shape_cast %add3A_346 : vector<16xi32> to vector<1x16xi32>
      tpu.vector_store %arg13[%swap3A_349, %swap3A_350], %swap3A_353 {strides = array<i32>} : memref<384x128xi32, #tpu.memory_space<vmem>>, vector<1x16xi32>,
      %add3A_354 = arith.constant 0 : i32
      %add3A_355 = vector.broadcast %add3A_354 : i32 to vector<16xi32>
      %add3A_356 = arith.addi %add3A_171, %add3A_355 : vector<16xi32>
      %add3A_357 = arith.constant 48 : i32
      %add3A_358 = arith.addi %add3A_357, %shift_right_arithmetic3A_54 : i32
      %swap3A_359 = arith.index_cast %add3A_358 : i32 to index
      %swap3A_360 = arith.index_cast %mul3A_57 : i32 to index
      %swap3A_361 = tpu.vector_load %arg13[%swap3A_359, %swap3A_360] {strides = array<i32>} : memref<384x128xi32, #tpu.memory_space<vmem>>, vector<1x16xi32>,
      %swap3A_362 = vector.shape_cast %swap3A_361 : vector<1x16xi32> to vector<16xi32>
      %swap3A_363 = vector.shape_cast %add3A_356 : vector<16xi32> to vector<1x16xi32>
      tpu.vector_store %arg13[%swap3A_359, %swap3A_360], %swap3A_363 {strides = array<i32>} : memref<384x128xi32, #tpu.memory_space<vmem>>, vector<1x16xi32>,
      %add3A_364 = arith.constant 2097152 : i32
      %add3A_365 = vector.broadcast %add3A_364 : i32 to vector<16xi32>
      %add3A_366 = arith.addi %add3A_171, %add3A_365 : vector<16xi32>
      %add3A_367 = arith.constant 112 : i32
      %add3A_368 = arith.addi %add3A_367, %shift_right_arithmetic3A_54 : i32
      %swap3A_369 = arith.index_cast %add3A_368 : i32 to index
      %swap3A_370 = arith.index_cast %mul3A_57 : i32 to index
      %swap3A_371 = tpu.vector_load %arg13[%swap3A_369, %swap3A_370] {strides = array<i32>} : memref<384x128xi32, #tpu.memory_space<vmem>>, vector<1x16xi32>,
      %swap3A_372 = vector.shape_cast %swap3A_371 : vector<1x16xi32> to vector<16xi32>
      %swap3A_373 = vector.shape_cast %add3A_366 : vector<16xi32> to vector<1x16xi32>
      tpu.vector_store %arg13[%swap3A_369, %swap3A_370], %swap3A_373 {strides = array<i32>} : memref<384x128xi32, #tpu.memory_space<vmem>>, vector<1x16xi32>,
      %add3A_374 = arith.constant 4194304 : i32
      %add3A_375 = vector.broadcast %add3A_374 : i32 to vector<16xi32>
      %add3A_376 = arith.addi %add3A_171, %add3A_375 : vector<16xi32>
      %add3A_377 = arith.constant 176 : i32
      %add3A_378 = arith.addi %add3A_377, %shift_right_arithmetic3A_54 : i32
      %swap3A_379 = arith.index_cast %add3A_378 : i32 to index
      %swap3A_380 = arith.index_cast %mul3A_57 : i32 to index
      %swap3A_381 = tpu.vector_load %arg13[%swap3A_379, %swap3A_380] {strides = array<i32>} : memref<384x128xi32, #tpu.memory_space<vmem>>, vector<1x16xi32>,
      %swap3A_382 = vector.shape_cast %swap3A_381 : vector<1x16xi32> to vector<16xi32>
      %swap3A_383 = vector.shape_cast %add3A_376 : vector<16xi32> to vector<1x16xi32>
      tpu.vector_store %arg13[%swap3A_379, %swap3A_380], %swap3A_383 {strides = array<i32>} : memref<384x128xi32, #tpu.memory_space<vmem>>, vector<1x16xi32>,
      %add3A_384 = arith.constant 0 : i32
      %add3A_385 = vector.broadcast %add3A_384 : i32 to vector<16xi32>
      %add3A_386 = arith.addi %add3A_173, %add3A_385 : vector<16xi32>
      %add3A_387 = arith.constant 56 : i32
      %add3A_388 = arith.addi %add3A_387, %shift_right_arithmetic3A_54 : i32
      %swap3A_389 = arith.index_cast %add3A_388 : i32 to index
      %swap3A_390 = arith.index_cast %mul3A_57 : i32 to index
      %swap3A_391 = tpu.vector_load %arg13[%swap3A_389, %swap3A_390] {strides = array<i32>} : memref<384x128xi32, #tpu.memory_space<vmem>>, vector<1x16xi32>,
      %swap3A_392 = vector.shape_cast %swap3A_391 : vector<1x16xi32> to vector<16xi32>
      %swap3A_393 = vector.shape_cast %add3A_386 : vector<16xi32> to vector<1x16xi32>
      tpu.vector_store %arg13[%swap3A_389, %swap3A_390], %swap3A_393 {strides = array<i32>} : memref<384x128xi32, #tpu.memory_space<vmem>>, vector<1x16xi32>,
      %add3A_394 = arith.constant 2097152 : i32
      %add3A_395 = vector.broadcast %add3A_394 : i32 to vector<16xi32>
      %add3A_396 = arith.addi %add3A_173, %add3A_395 : vector<16xi32>
      %add3A_397 = arith.constant 120 : i32
      %add3A_398 = arith.addi %add3A_397, %shift_right_arithmetic3A_54 : i32
      %swap3A_399 = arith.index_cast %add3A_398 : i32 to index
      %swap3A_400 = arith.index_cast %mul3A_57 : i32 to index
      %swap3A_401 = tpu.vector_load %arg13[%swap3A_399, %swap3A_400] {strides = array<i32>} : memref<384x128xi32, #tpu.memory_space<vmem>>, vector<1x16xi32>,
      %swap3A_402 = vector.shape_cast %swap3A_401 : vector<1x16xi32> to vector<16xi32>
      %swap3A_403 = vector.shape_cast %add3A_396 : vector<16xi32> to vector<1x16xi32>
      tpu.vector_store %arg13[%swap3A_399, %swap3A_400], %swap3A_403 {strides = array<i32>} : memref<384x128xi32, #tpu.memory_space<vmem>>, vector<1x16xi32>,
      %add3A_404 = arith.constant 4194304 : i32
      %add3A_405 = vector.broadcast %add3A_404 : i32 to vector<16xi32>
      %add3A_406 = arith.addi %add3A_173, %add3A_405 : vector<16xi32>
      %add3A_407 = arith.constant 184 : i32
      %add3A_408 = arith.addi %add3A_407, %shift_right_arithmetic3A_54 : i32
      %swap3A_409 = arith.index_cast %add3A_408 : i32 to index
      %swap3A_410 = arith.index_cast %mul3A_57 : i32 to index
      %swap3A_411 = tpu.vector_load %arg13[%swap3A_409, %swap3A_410] {strides = array<i32>} : memref<384x128xi32, #tpu.memory_space<vmem>>, vector<1x16xi32>,
      %swap3A_412 = vector.shape_cast %swap3A_411 : vector<1x16xi32> to vector<16xi32>
      %swap3A_413 = vector.shape_cast %add3A_406 : vector<16xi32> to vector<1x16xi32>
      tpu.vector_store %arg13[%swap3A_409, %swap3A_410], %swap3A_413 {strides = array<i32>} : memref<384x128xi32, #tpu.memory_space<vmem>>, vector<1x16xi32>,
      %scan3A_414 = arith.constant 0 : i32
      scf.yield %scan3A_414 : i32
    }
    %scan3A_10 = arith.constant 64 : i32
    %scan3A_11 = arith.constant 0 : i32
    %scan3A_12 = arith.constant 0 : i32
    %scan3A_13 = arith.constant 192 : i32
    %scan3A_14 = arith.addi %scan3A_12, %scan3A_13 : i32
    %scan3A_15 = arith.constant 1 : i32
    %scan3A_16 = scf.for %scan3A_50 = %scan3A_12 to %scan3A_14 step %scan3A_15 iter_args(%scan3A_51 = %scan3A_11) -> (i32)  : i32 {
      %add3A_52 = arith.constant 0 : i32
      %add3A_53 = arith.addi %add3A_52, %scan3A_50 : i32
      %mul3A_54 = arith.constant 128 : i32
      %mul3A_55 = arith.muli %scan3A_50, %mul3A_54 : i32
      %add3A_56 = arith.constant 0 : i32
      %add3A_57 = arith.addi %add3A_56, %mul3A_55 : i32
      %dma_start3A = arith.constant 0 : i32
      %dma_start3A_58 = tpu.memref_slice %arg14[%add3A_57] : memref<49152xf32, #tpu.memory_space<vmem>> -> memref<128xf32, #tpu.memory_space<vmem>>
      %dma_start3A_59 = arith.constant 0 : i32
      %dma_start3A_60 = tpu.memref_slice %arg13[%add3A_53, %dma_start3A_59] : memref<384x128xi32, #tpu.memory_space<vmem>> -> memref<1x128xi32, #tpu.memory_space<vmem>>
      %dma_start3A_61 = tpu.memref_squeeze %dma_start3A_60 : memref<1x128xi32, #tpu.memory_space<vmem>> -> memref<128xi32, #tpu.memory_space<vmem>>
      %dma_start3A_62 = arith.constant 0 : i32
      %dma_start3A_63 = tpu.memref_slice %arg5[%dma_start3A_62] : memref<6291456xf32, #tpu.memory_space<hbm>> -> memref<6291456xf32, #tpu.memory_space<hbm>>
      %dma_start3A_64 = tpu.memref_slice %arg16[%dma_start3A] : memref<2x!tpu.dma_semaphore, #tpu.memory_space<semaphore_mem>> -> memref<1x!tpu.dma_semaphore, #tpu.memory_space<semaphore_mem>>
      %dma_start3A_65 = tpu.memref_squeeze %dma_start3A_64 : memref<1x!tpu.dma_semaphore, #tpu.memory_space<semaphore_mem>> -> memref<!tpu.dma_semaphore, #tpu.memory_space<semaphore_mem>>
      tpu.enqueue_indirect_dma source(%dma_start3A_63 : memref<6291456xf32, #tpu.memory_space<hbm>>) target(%dma_start3A_58 : memref<128xf32, #tpu.memory_space<vmem>>) offsets(%dma_start3A_61 : memref<128xi32, #tpu.memory_space<vmem>>) semaphore(%dma_start3A_65 : memref<!tpu.dma_semaphore, #tpu.memory_space<semaphore_mem>>)
      %scan3A_66 = arith.constant 0 : i32
      scf.yield %scan3A_66 : i32
    }
    %scan3A_17 = arith.constant 192 : i32
    %scan3A_18 = arith.constant 0 : i32
    %scan3A_19 = arith.constant 0 : i32
    %scan3A_20 = arith.constant 31 : i32
    %scan3A_21 = arith.addi %scan3A_19, %scan3A_20 : i32
    %scan3A_22 = arith.constant 1 : i32
    %scan3A_23 = scf.for %scan3A_50 = %scan3A_19 to %scan3A_21 step %scan3A_22 iter_args(%scan3A_51 = %scan3A_18) -> (i32)  : i32 {
      %add3A_52 = arith.constant 1 : i32
      %add3A_53 = arith.addi %scan3A_50, %add3A_52 : i32
      %and3A = arith.constant 1 : i32
      %and3A_54 = arith.andi %add3A_53, %and3A : i32
      %mul3A_55 = arith.constant 1024 : i32
      %mul3A_56 = arith.muli %and3A_54, %mul3A_55 : i32
      %mul3A_57 = arith.constant 192 : i32
      %mul3A_58 = arith.muli %and3A_54, %mul3A_57 : i32
      %mul3A_59 = arith.constant 24576 : i32
      %mul3A_60 = arith.muli %and3A_54, %mul3A_59 : i32
      %mul3A_61 = arith.constant 1024 : i32
      %mul3A_62 = arith.muli %add3A_53, %mul3A_61 : i32
      %add3A_63 = arith.addi %mul3A_2, %mul3A_62 : i32
      "tpu.region"() ({
        %run_scoped3A = tpu.sem_alloc : memref<!tpu.dma_semaphore, #tpu.memory_space<semaphore_mem>>
        %dma_start3A = tpu.memref_slice %arg7[%mul3A_56] : memref<2048xf32, #tpu.memory_space<vmem>> -> memref<1024xf32, #tpu.memory_space<vmem>>
        %dma_start3A_121 = tpu.memref_slice %arg2[%add3A_63] : memref<1048576xf32, #tpu.memory_space<hbm>> -> memref<1024xf32, #tpu.memory_space<hbm>>
        %dma_start3A_122 = tpu.memref_slice %arg7[%mul3A_56] : memref<2048xf32, #tpu.memory_space<vmem>> -> memref<1024xf32, #tpu.memory_space<vmem>>
        %dma_start3A_123 = tpu.memref_slice %arg2[%add3A_63] : memref<1048576xf32, #tpu.memory_space<hbm>> -> memref<1024xf32, #tpu.memory_space<hbm>>
        tpu.enqueue_dma source(%dma_start3A_123 : memref<1024xf32, #tpu.memory_space<hbm>>) target(%dma_start3A_122 : memref<1024xf32, #tpu.memory_space<vmem>>) target_semaphore(%run_scoped3A : memref<!tpu.dma_semaphore, #tpu.memory_space<semaphore_mem>>)
        %dma_wait3A_124 = tpu.memref_slice %arg7[%mul3A_56] : memref<2048xf32, #tpu.memory_space<vmem>> -> memref<1024xf32, #tpu.memory_space<vmem>>
        %dma_wait3A_125 = tpu.memref_slice %arg2[%add3A_63] : memref<1048576xf32, #tpu.memory_space<hbm>> -> memref<1024xf32, #tpu.memory_space<hbm>>
        %dma_wait3A_126 = tpu.memref_slice %arg7[%mul3A_56] : memref<2048xf32, #tpu.memory_space<vmem>> -> memref<1024xf32, #tpu.memory_space<vmem>>
        %dma_wait3A_127 = tpu.memref_slice %arg2[%add3A_63] : memref<1048576xf32, #tpu.memory_space<hbm>> -> memref<1024xf32, #tpu.memory_space<hbm>>
        tpu.wait_dma2 semaphore(%run_scoped3A : memref<!tpu.dma_semaphore, #tpu.memory_space<semaphore_mem>>) src(%dma_wait3A_127 : memref<1024xf32, #tpu.memory_space<hbm>>) dst(%dma_wait3A_126 : memref<1024xf32, #tpu.memory_space<vmem>>)
        tpu.yield
      }) : () -> ()
      "tpu.region"() ({
        %run_scoped3A = tpu.sem_alloc : memref<!tpu.dma_semaphore, #tpu.memory_space<semaphore_mem>>
        %dma_start3A = tpu.memref_slice %arg8[%mul3A_56] : memref<2048xf32, #tpu.memory_space<vmem>> -> memref<1024xf32, #tpu.memory_space<vmem>>
        %dma_start3A_121 = tpu.memref_slice %arg3[%add3A_63] : memref<1048576xf32, #tpu.memory_space<hbm>> -> memref<1024xf32, #tpu.memory_space<hbm>>
        %dma_start3A_122 = tpu.memref_slice %arg8[%mul3A_56] : memref<2048xf32, #tpu.memory_space<vmem>> -> memref<1024xf32, #tpu.memory_space<vmem>>
        %dma_start3A_123 = tpu.memref_slice %arg3[%add3A_63] : memref<1048576xf32, #tpu.memory_space<hbm>> -> memref<1024xf32, #tpu.memory_space<hbm>>
        tpu.enqueue_dma source(%dma_start3A_123 : memref<1024xf32, #tpu.memory_space<hbm>>) target(%dma_start3A_122 : memref<1024xf32, #tpu.memory_space<vmem>>) target_semaphore(%run_scoped3A : memref<!tpu.dma_semaphore, #tpu.memory_space<semaphore_mem>>)
        %dma_wait3A_124 = tpu.memref_slice %arg8[%mul3A_56] : memref<2048xf32, #tpu.memory_space<vmem>> -> memref<1024xf32, #tpu.memory_space<vmem>>
        %dma_wait3A_125 = tpu.memref_slice %arg3[%add3A_63] : memref<1048576xf32, #tpu.memory_space<hbm>> -> memref<1024xf32, #tpu.memory_space<hbm>>
        %dma_wait3A_126 = tpu.memref_slice %arg8[%mul3A_56] : memref<2048xf32, #tpu.memory_space<vmem>> -> memref<1024xf32, #tpu.memory_space<vmem>>
        %dma_wait3A_127 = tpu.memref_slice %arg3[%add3A_63] : memref<1048576xf32, #tpu.memory_space<hbm>> -> memref<1024xf32, #tpu.memory_space<hbm>>
        tpu.wait_dma2 semaphore(%run_scoped3A : memref<!tpu.dma_semaphore, #tpu.memory_space<semaphore_mem>>) src(%dma_wait3A_127 : memref<1024xf32, #tpu.memory_space<hbm>>) dst(%dma_wait3A_126 : memref<1024xf32, #tpu.memory_space<vmem>>)
        tpu.yield
      }) : () -> ()
      "tpu.region"() ({
        %run_scoped3A = tpu.sem_alloc : memref<!tpu.dma_semaphore, #tpu.memory_space<semaphore_mem>>
        %dma_start3A = tpu.memref_slice %arg9[%mul3A_56] : memref<2048xf32, #tpu.memory_space<vmem>> -> memref<1024xf32, #tpu.memory_space<vmem>>
        %dma_start3A_121 = tpu.memref_slice %arg4[%add3A_63] : memref<1048576xf32, #tpu.memory_space<hbm>> -> memref<1024xf32, #tpu.memory_space<hbm>>
        %dma_start3A_122 = tpu.memref_slice %arg9[%mul3A_56] : memref<2048xf32, #tpu.memory_space<vmem>> -> memref<1024xf32, #tpu.memory_space<vmem>>
        %dma_start3A_123 = tpu.memref_slice %arg4[%add3A_63] : memref<1048576xf32, #tpu.memory_space<hbm>> -> memref<1024xf32, #tpu.memory_space<hbm>>
        tpu.enqueue_dma source(%dma_start3A_123 : memref<1024xf32, #tpu.memory_space<hbm>>) target(%dma_start3A_122 : memref<1024xf32, #tpu.memory_space<vmem>>) target_semaphore(%run_scoped3A : memref<!tpu.dma_semaphore, #tpu.memory_space<semaphore_mem>>)
        %dma_wait3A_124 = tpu.memref_slice %arg9[%mul3A_56] : memref<2048xf32, #tpu.memory_space<vmem>> -> memref<1024xf32, #tpu.memory_space<vmem>>
        %dma_wait3A_125 = tpu.memref_slice %arg4[%add3A_63] : memref<1048576xf32, #tpu.memory_space<hbm>> -> memref<1024xf32, #tpu.memory_space<hbm>>
        %dma_wait3A_126 = tpu.memref_slice %arg9[%mul3A_56] : memref<2048xf32, #tpu.memory_space<vmem>> -> memref<1024xf32, #tpu.memory_space<vmem>>
        %dma_wait3A_127 = tpu.memref_slice %arg4[%add3A_63] : memref<1048576xf32, #tpu.memory_space<hbm>> -> memref<1024xf32, #tpu.memory_space<hbm>>
        tpu.wait_dma2 semaphore(%run_scoped3A : memref<!tpu.dma_semaphore, #tpu.memory_space<semaphore_mem>>) src(%dma_wait3A_127 : memref<1024xf32, #tpu.memory_space<hbm>>) dst(%dma_wait3A_126 : memref<1024xf32, #tpu.memory_space<vmem>>)
        tpu.yield
      }) : () -> ()
      %scan3A_64 = arith.constant 0 : i32
      %scan3A_65 = arith.constant 0 : i32
      %scan3A_66 = arith.constant 64 : i32
      %scan3A_67 = arith.addi %scan3A_65, %scan3A_66 : i32
      %scan3A_68 = arith.constant 1 : i32
      %scan3A_69 = scf.for %scan3A_121 = %scan3A_65 to %scan3A_67 step %scan3A_68 iter_args(%scan3A_122 = %scan3A_64) -> (i32)  : i32 {
        %mul3A_123 = arith.constant 16 : i32
        %mul3A_124 = arith.muli %scan3A_121, %mul3A_123 : i32
        %shift_right_arithmetic3A = arith.constant 3 : i32
        %shift_right_arithmetic3A_125 = arith.shrsi %scan3A_121, %shift_right_arithmetic3A : i32
        %and3A_126 = arith.constant 7 : i32
        %and3A_127 = arith.andi %scan3A_121, %and3A_126 : i32
        %mul3A_128 = arith.constant 16 : i32
        %mul3A_129 = arith.muli %and3A_127, %mul3A_128 : i32
        %add3A_130 = arith.addi %mul3A_56, %mul3A_124 : i32
        %get3A = arith.index_cast %add3A_130 : i32 to index
        %get3A_131 = tpu.vector_load %arg7[%get3A] {strides = array<i32>} : memref<2048xf32, #tpu.memory_space<vmem>>, vector<16xf32>,
        %get3A_132 = vector.shape_cast %get3A_131 : vector<16xf32> to vector<16xf32>
        %mul3A_133 = arith.constant 1.280000e+02 : f32
        %mul3A_134 = vector.broadcast %mul3A_133 : f32 to vector<16xf32>
        %mul3A_135 = arith.mulf %get3A_132, %mul3A_134 : vector<16xf32>
        %sub3A = arith.constant 5.000000e-01 : f32
        %sub3A_136 = vector.broadcast %sub3A : f32 to vector<16xf32>
        %sub3A_137 = arith.subf %mul3A_135, %sub3A_136 : vector<16xf32>
        %jit3A = arith.constant 0.000000e+00 : f32
        %jit3A_138 = arith.constant 1.270000e+02 : f32
        %max3A = vector.broadcast %jit3A : f32 to vector<16xf32>
        %max3A_139 = arith.maximumf %max3A, %sub3A_137 : vector<16xf32>
        %min3A = vector.broadcast %jit3A_138 : f32 to vector<16xf32>
        %min3A_140 = arith.minimumf %min3A, %max3A_139 : vector<16xf32>
        %convert_element_type3A = arith.fptosi %min3A_140 : vector<16xf32> to vector<16xi32>
        %convert_element_type3A_141 = arith.sitofp %convert_element_type3A : vector<16xi32> to vector<16xf32>
        %sub3A_142 = arith.subf %min3A_140, %convert_element_type3A_141 : vector<16xf32>
        %add3A_143 = arith.addi %mul3A_56, %mul3A_124 : i32
        %get3A_144 = arith.index_cast %add3A_143 : i32 to index
        %get3A_145 = tpu.vector_load %arg8[%get3A_144] {strides = array<i32>} : memref<2048xf32, #tpu.memory_space<vmem>>, vector<16xf32>,
        %get3A_146 = vector.shape_cast %get3A_145 : vector<16xf32> to vector<16xf32>
        %mul3A_147 = arith.constant 1.280000e+02 : f32
        %mul3A_148 = vector.broadcast %mul3A_147 : f32 to vector<16xf32>
        %mul3A_149 = arith.mulf %get3A_146, %mul3A_148 : vector<16xf32>
        %sub3A_150 = arith.constant 5.000000e-01 : f32
        %sub3A_151 = vector.broadcast %sub3A_150 : f32 to vector<16xf32>
        %sub3A_152 = arith.subf %mul3A_149, %sub3A_151 : vector<16xf32>
        %jit3A_153 = arith.constant 0.000000e+00 : f32
        %jit3A_154 = arith.constant 1.270000e+02 : f32
        %max3A_155 = vector.broadcast %jit3A_153 : f32 to vector<16xf32>
        %max3A_156 = arith.maximumf %max3A_155, %sub3A_152 : vector<16xf32>
        %min3A_157 = vector.broadcast %jit3A_154 : f32 to vector<16xf32>
        %min3A_158 = arith.minimumf %min3A_157, %max3A_156 : vector<16xf32>
        %convert_element_type3A_159 = arith.fptosi %min3A_158 : vector<16xf32> to vector<16xi32>
        %convert_element_type3A_160 = arith.sitofp %convert_element_type3A_159 : vector<16xi32> to vector<16xf32>
        %sub3A_161 = arith.subf %min3A_158, %convert_element_type3A_160 : vector<16xf32>
        %add3A_162 = arith.addi %mul3A_56, %mul3A_124 : i32
        %get3A_163 = arith.index_cast %add3A_162 : i32 to index
        %get3A_164 = tpu.vector_load %arg9[%get3A_163] {strides = array<i32>} : memref<2048xf32, #tpu.memory_space<vmem>>, vector<16xf32>,
        %get3A_165 = vector.shape_cast %get3A_164 : vector<16xf32> to vector<16xf32>
        %mul3A_166 = arith.constant 1.280000e+02 : f32
        %mul3A_167 = vector.broadcast %mul3A_166 : f32 to vector<16xf32>
        %mul3A_168 = arith.mulf %get3A_165, %mul3A_167 : vector<16xf32>
        %sub3A_169 = arith.constant 5.000000e-01 : f32
        %sub3A_170 = vector.broadcast %sub3A_169 : f32 to vector<16xf32>
        %sub3A_171 = arith.subf %mul3A_168, %sub3A_170 : vector<16xf32>
        %jit3A_172 = arith.constant 0.000000e+00 : f32
        %jit3A_173 = arith.constant 1.270000e+02 : f32
        %max3A_174 = vector.broadcast %jit3A_172 : f32 to vector<16xf32>
        %max3A_175 = arith.maximumf %max3A_174, %sub3A_171 : vector<16xf32>
        %min3A_176 = vector.broadcast %jit3A_173 : f32 to vector<16xf32>
        %min3A_177 = arith.minimumf %min3A_176, %max3A_175 : vector<16xf32>
        %convert_element_type3A_178 = arith.fptosi %min3A_177 : vector<16xf32> to vector<16xi32>
        %convert_element_type3A_179 = arith.sitofp %convert_element_type3A_178 : vector<16xi32> to vector<16xf32>
        %sub3A_180 = arith.subf %min3A_177, %convert_element_type3A_179 : vector<16xf32>
        %add3A_181 = arith.addi %mul3A_56, %mul3A_124 : i32
        %swap3A = arith.index_cast %add3A_181 : i32 to index
        %swap3A_182 = tpu.vector_load %arg10[%swap3A] {strides = array<i32>} : memref<2048xf32, #tpu.memory_space<vmem>>, vector<16xf32>,
        %swap3A_183 = vector.shape_cast %swap3A_182 : vector<16xf32> to vector<16xf32>
        %swap3A_184 = vector.shape_cast %sub3A_142 : vector<16xf32> to vector<16xf32>
        tpu.vector_store %arg10[%swap3A], %swap3A_184 {strides = array<i32>} : memref<2048xf32, #tpu.memory_space<vmem>>, vector<16xf32>,
        %add3A_185 = arith.addi %mul3A_56, %mul3A_124 : i32
        %swap3A_186 = arith.index_cast %add3A_185 : i32 to index
        %swap3A_187 = tpu.vector_load %arg11[%swap3A_186] {strides = array<i32>} : memref<2048xf32, #tpu.memory_space<vmem>>, vector<16xf32>,
        %swap3A_188 = vector.shape_cast %swap3A_187 : vector<16xf32> to vector<16xf32>
        %swap3A_189 = vector.shape_cast %sub3A_161 : vector<16xf32> to vector<16xf32>
        tpu.vector_store %arg11[%swap3A_186], %swap3A_189 {strides = array<i32>} : memref<2048xf32, #tpu.memory_space<vmem>>, vector<16xf32>,
        %add3A_190 = arith.addi %mul3A_56, %mul3A_124 : i32
        %swap3A_191 = arith.index_cast %add3A_190 : i32 to index
        %swap3A_192 = tpu.vector_load %arg12[%swap3A_191] {strides = array<i32>} : memref<2048xf32, #tpu.memory_space<vmem>>, vector<16xf32>,
        %swap3A_193 = vector.shape_cast %swap3A_192 : vector<16xf32> to vector<16xf32>
        %swap3A_194 = vector.shape_cast %sub3A_180 : vector<16xf32> to vector<16xf32>
        tpu.vector_store %arg12[%swap3A_191], %swap3A_194 {strides = array<i32>} : memref<2048xf32, #tpu.memory_space<vmem>>, vector<16xf32>,
        %add3A_195 = arith.constant 1 : i32
        %add3A_196 = vector.broadcast %add3A_195 : i32 to vector<16xi32>
        %add3A_197 = arith.addi %convert_element_type3A, %add3A_196 : vector<16xi32>
        %min3A_198 = arith.constant 127 : i32
        %min3A_199 = vector.broadcast %min3A_198 : i32 to vector<16xi32>
        %min3A_200 = arith.minsi %add3A_197, %min3A_199 : vector<16xi32>
        %add3A_201 = arith.constant 1 : i32
        %add3A_202 = vector.broadcast %add3A_201 : i32 to vector<16xi32>
        %add3A_203 = arith.addi %convert_element_type3A_159, %add3A_202 : vector<16xi32>
        %min3A_204 = arith.constant 127 : i32
        %min3A_205 = vector.broadcast %min3A_204 : i32 to vector<16xi32>
        %min3A_206 = arith.minsi %add3A_203, %min3A_205 : vector<16xi32>
        %shift_left3A = arith.constant 7 : i32
        %shift_left3A_207 = vector.broadcast %shift_left3A : i32 to vector<16xi32>
        %shift_left3A_208 = arith.shli %min3A_206, %shift_left3A_207 : vector<16xi32>
        %add3A_209 = arith.constant 1 : i32
        %add3A_210 = vector.broadcast %add3A_209 : i32 to vector<16xi32>
        %add3A_211 = arith.addi %convert_element_type3A_178, %add3A_210 : vector<16xi32>
        %min3A_212 = arith.constant 127 : i32
        %min3A_213 = vector.broadcast %min3A_212 : i32 to vector<16xi32>
        %min3A_214 = arith.minsi %add3A_211, %min3A_213 : vector<16xi32>
        %shift_left3A_215 = arith.constant 14 : i32
        %shift_left3A_216 = vector.broadcast %shift_left3A_215 : i32 to vector<16xi32>
        %shift_left3A_217 = arith.shli %min3A_214, %shift_left3A_216 : vector<16xi32>
        %shift_left3A_218 = arith.constant 7 : i32
        %shift_left3A_219 = vector.broadcast %shift_left3A_218 : i32 to vector<16xi32>
        %shift_left3A_220 = arith.shli %convert_element_type3A_159, %shift_left3A_219 : vector<16xi32>
        %shift_left3A_221 = arith.constant 14 : i32
        %shift_left3A_222 = vector.broadcast %shift_left3A_221 : i32 to vector<16xi32>
        %shift_left3A_223 = arith.shli %convert_element_type3A_178, %shift_left3A_222 : vector<16xi32>
        %add3A_224 = arith.addi %shift_left3A_223, %shift_left3A_220 : vector<16xi32>
        %add3A_225 = arith.addi %add3A_224, %convert_element_type3A : vector<16xi32>
        %add3A_226 = arith.addi %shift_left3A_223, %shift_left3A_220 : vector<16xi32>
        %add3A_227 = arith.addi %add3A_226, %min3A_200 : vector<16xi32>
        %add3A_228 = arith.addi %shift_left3A_223, %shift_left3A_208 : vector<16xi32>
        %add3A_229 = arith.addi %add3A_228, %convert_element_type3A : vector<16xi32>
        %add3A_230 = arith.addi %shift_left3A_223, %shift_left3A_208 : vector<16xi32>
        %add3A_231 = arith.addi %add3A_230, %min3A_200 : vector<16xi32>
        %add3A_232 = arith.addi %shift_left3A_217, %shift_left3A_220 : vector<16xi32>
        %add3A_233 = arith.addi %add3A_232, %convert_element_type3A : vector<16xi32>
        %add3A_234 = arith.addi %shift_left3A_217, %shift_left3A_220 : vector<16xi32>
        %add3A_235 = arith.addi %add3A_234, %min3A_200 : vector<16xi32>
        %add3A_236 = arith.addi %shift_left3A_217, %shift_left3A_208 : vector<16xi32>
        %add3A_237 = arith.addi %add3A_236, %convert_element_type3A : vector<16xi32>
        %add3A_238 = arith.addi %shift_left3A_217, %shift_left3A_208 : vector<16xi32>
        %add3A_239 = arith.addi %add3A_238, %min3A_200 : vector<16xi32>
        %add3A_240 = arith.constant 0 : i32
        %add3A_241 = vector.broadcast %add3A_240 : i32 to vector<16xi32>
        %add3A_242 = arith.addi %add3A_225, %add3A_241 : vector<16xi32>
        %add3A_243 = arith.constant 0 : i32
        %add3A_244 = arith.addi %mul3A_58, %add3A_243 : i32
        %add3A_245 = arith.addi %add3A_244, %shift_right_arithmetic3A_125 : i32
        %swap3A_246 = arith.index_cast %add3A_245 : i32 to index
        %swap3A_247 = arith.index_cast %mul3A_129 : i32 to index
        %swap3A_248 = tpu.vector_load %arg13[%swap3A_246, %swap3A_247] {strides = array<i32>} : memref<384x128xi32, #tpu.memory_space<vmem>>, vector<1x16xi32>,
        %swap3A_249 = vector.shape_cast %swap3A_248 : vector<1x16xi32> to vector<16xi32>
        %swap3A_250 = vector.shape_cast %add3A_242 : vector<16xi32> to vector<1x16xi32>
        tpu.vector_store %arg13[%swap3A_246, %swap3A_247], %swap3A_250 {strides = array<i32>} : memref<384x128xi32, #tpu.memory_space<vmem>>, vector<1x16xi32>,
        %add3A_251 = arith.constant 2097152 : i32
        %add3A_252 = vector.broadcast %add3A_251 : i32 to vector<16xi32>
        %add3A_253 = arith.addi %add3A_225, %add3A_252 : vector<16xi32>
        %add3A_254 = arith.constant 64 : i32
        %add3A_255 = arith.addi %mul3A_58, %add3A_254 : i32
        %add3A_256 = arith.addi %add3A_255, %shift_right_arithmetic3A_125 : i32
        %swap3A_257 = arith.index_cast %add3A_256 : i32 to index
        %swap3A_258 = arith.index_cast %mul3A_129 : i32 to index
        %swap3A_259 = tpu.vector_load %arg13[%swap3A_257, %swap3A_258] {strides = array<i32>} : memref<384x128xi32, #tpu.memory_space<vmem>>, vector<1x16xi32>,
        %swap3A_260 = vector.shape_cast %swap3A_259 : vector<1x16xi32> to vector<16xi32>
        %swap3A_261 = vector.shape_cast %add3A_253 : vector<16xi32> to vector<1x16xi32>
        tpu.vector_store %arg13[%swap3A_257, %swap3A_258], %swap3A_261 {strides = array<i32>} : memref<384x128xi32, #tpu.memory_space<vmem>>, vector<1x16xi32>,
        %add3A_262 = arith.constant 4194304 : i32
        %add3A_263 = vector.broadcast %add3A_262 : i32 to vector<16xi32>
        %add3A_264 = arith.addi %add3A_225, %add3A_263 : vector<16xi32>
        %add3A_265 = arith.constant 128 : i32
        %add3A_266 = arith.addi %mul3A_58, %add3A_265 : i32
        %add3A_267 = arith.addi %add3A_266, %shift_right_arithmetic3A_125 : i32
        %swap3A_268 = arith.index_cast %add3A_267 : i32 to index
        %swap3A_269 = arith.index_cast %mul3A_129 : i32 to index
        %swap3A_270 = tpu.vector_load %arg13[%swap3A_268, %swap3A_269] {strides = array<i32>} : memref<384x128xi32, #tpu.memory_space<vmem>>, vector<1x16xi32>,
        %swap3A_271 = vector.shape_cast %swap3A_270 : vector<1x16xi32> to vector<16xi32>
        %swap3A_272 = vector.shape_cast %add3A_264 : vector<16xi32> to vector<1x16xi32>
        tpu.vector_store %arg13[%swap3A_268, %swap3A_269], %swap3A_272 {strides = array<i32>} : memref<384x128xi32, #tpu.memory_space<vmem>>, vector<1x16xi32>,
        %add3A_273 = arith.constant 0 : i32
        %add3A_274 = vector.broadcast %add3A_273 : i32 to vector<16xi32>
        %add3A_275 = arith.addi %add3A_227, %add3A_274 : vector<16xi32>
        %add3A_276 = arith.constant 8 : i32
        %add3A_277 = arith.addi %mul3A_58, %add3A_276 : i32
        %add3A_278 = arith.addi %add3A_277, %shift_right_arithmetic3A_125 : i32
        %swap3A_279 = arith.index_cast %add3A_278 : i32 to index
        %swap3A_280 = arith.index_cast %mul3A_129 : i32 to index
        %swap3A_281 = tpu.vector_load %arg13[%swap3A_279, %swap3A_280] {strides = array<i32>} : memref<384x128xi32, #tpu.memory_space<vmem>>, vector<1x16xi32>,
        %swap3A_282 = vector.shape_cast %swap3A_281 : vector<1x16xi32> to vector<16xi32>
        %swap3A_283 = vector.shape_cast %add3A_275 : vector<16xi32> to vector<1x16xi32>
        tpu.vector_store %arg13[%swap3A_279, %swap3A_280], %swap3A_283 {strides = array<i32>} : memref<384x128xi32, #tpu.memory_space<vmem>>, vector<1x16xi32>,
        %add3A_284 = arith.constant 2097152 : i32
        %add3A_285 = vector.broadcast %add3A_284 : i32 to vector<16xi32>
        %add3A_286 = arith.addi %add3A_227, %add3A_285 : vector<16xi32>
        %add3A_287 = arith.constant 72 : i32
        %add3A_288 = arith.addi %mul3A_58, %add3A_287 : i32
        %add3A_289 = arith.addi %add3A_288, %shift_right_arithmetic3A_125 : i32
        %swap3A_290 = arith.index_cast %add3A_289 : i32 to index
        %swap3A_291 = arith.index_cast %mul3A_129 : i32 to index
        %swap3A_292 = tpu.vector_load %arg13[%swap3A_290, %swap3A_291] {strides = array<i32>} : memref<384x128xi32, #tpu.memory_space<vmem>>, vector<1x16xi32>,
        %swap3A_293 = vector.shape_cast %swap3A_292 : vector<1x16xi32> to vector<16xi32>
        %swap3A_294 = vector.shape_cast %add3A_286 : vector<16xi32> to vector<1x16xi32>
        tpu.vector_store %arg13[%swap3A_290, %swap3A_291], %swap3A_294 {strides = array<i32>} : memref<384x128xi32, #tpu.memory_space<vmem>>, vector<1x16xi32>,
        %add3A_295 = arith.constant 4194304 : i32
        %add3A_296 = vector.broadcast %add3A_295 : i32 to vector<16xi32>
        %add3A_297 = arith.addi %add3A_227, %add3A_296 : vector<16xi32>
        %add3A_298 = arith.constant 136 : i32
        %add3A_299 = arith.addi %mul3A_58, %add3A_298 : i32
        %add3A_300 = arith.addi %add3A_299, %shift_right_arithmetic3A_125 : i32
        %swap3A_301 = arith.index_cast %add3A_300 : i32 to index
        %swap3A_302 = arith.index_cast %mul3A_129 : i32 to index
        %swap3A_303 = tpu.vector_load %arg13[%swap3A_301, %swap3A_302] {strides = array<i32>} : memref<384x128xi32, #tpu.memory_space<vmem>>, vector<1x16xi32>,
        %swap3A_304 = vector.shape_cast %swap3A_303 : vector<1x16xi32> to vector<16xi32>
        %swap3A_305 = vector.shape_cast %add3A_297 : vector<16xi32> to vector<1x16xi32>
        tpu.vector_store %arg13[%swap3A_301, %swap3A_302], %swap3A_305 {strides = array<i32>} : memref<384x128xi32, #tpu.memory_space<vmem>>, vector<1x16xi32>,
        %add3A_306 = arith.constant 0 : i32
        %add3A_307 = vector.broadcast %add3A_306 : i32 to vector<16xi32>
        %add3A_308 = arith.addi %add3A_229, %add3A_307 : vector<16xi32>
        %add3A_309 = arith.constant 16 : i32
        %add3A_310 = arith.addi %mul3A_58, %add3A_309 : i32
        %add3A_311 = arith.addi %add3A_310, %shift_right_arithmetic3A_125 : i32
        %swap3A_312 = arith.index_cast %add3A_311 : i32 to index
        %swap3A_313 = arith.index_cast %mul3A_129 : i32 to index
        %swap3A_314 = tpu.vector_load %arg13[%swap3A_312, %swap3A_313] {strides = array<i32>} : memref<384x128xi32, #tpu.memory_space<vmem>>, vector<1x16xi32>,
        %swap3A_315 = vector.shape_cast %swap3A_314 : vector<1x16xi32> to vector<16xi32>
        %swap3A_316 = vector.shape_cast %add3A_308 : vector<16xi32> to vector<1x16xi32>
        tpu.vector_store %arg13[%swap3A_312, %swap3A_313], %swap3A_316 {strides = array<i32>} : memref<384x128xi32, #tpu.memory_space<vmem>>, vector<1x16xi32>,
        %add3A_317 = arith.constant 2097152 : i32
        %add3A_318 = vector.broadcast %add3A_317 : i32 to vector<16xi32>
        %add3A_319 = arith.addi %add3A_229, %add3A_318 : vector<16xi32>
        %add3A_320 = arith.constant 80 : i32
        %add3A_321 = arith.addi %mul3A_58, %add3A_320 : i32
        %add3A_322 = arith.addi %add3A_321, %shift_right_arithmetic3A_125 : i32
        %swap3A_323 = arith.index_cast %add3A_322 : i32 to index
        %swap3A_324 = arith.index_cast %mul3A_129 : i32 to index
        %swap3A_325 = tpu.vector_load %arg13[%swap3A_323, %swap3A_324] {strides = array<i32>} : memref<384x128xi32, #tpu.memory_space<vmem>>, vector<1x16xi32>,
        %swap3A_326 = vector.shape_cast %swap3A_325 : vector<1x16xi32> to vector<16xi32>
        %swap3A_327 = vector.shape_cast %add3A_319 : vector<16xi32> to vector<1x16xi32>
        tpu.vector_store %arg13[%swap3A_323, %swap3A_324], %swap3A_327 {strides = array<i32>} : memref<384x128xi32, #tpu.memory_space<vmem>>, vector<1x16xi32>,
        %add3A_328 = arith.constant 4194304 : i32
        %add3A_329 = vector.broadcast %add3A_328 : i32 to vector<16xi32>
        %add3A_330 = arith.addi %add3A_229, %add3A_329 : vector<16xi32>
        %add3A_331 = arith.constant 144 : i32
        %add3A_332 = arith.addi %mul3A_58, %add3A_331 : i32
        %add3A_333 = arith.addi %add3A_332, %shift_right_arithmetic3A_125 : i32
        %swap3A_334 = arith.index_cast %add3A_333 : i32 to index
        %swap3A_335 = arith.index_cast %mul3A_129 : i32 to index
        %swap3A_336 = tpu.vector_load %arg13[%swap3A_334, %swap3A_335] {strides = array<i32>} : memref<384x128xi32, #tpu.memory_space<vmem>>, vector<1x16xi32>,
        %swap3A_337 = vector.shape_cast %swap3A_336 : vector<1x16xi32> to vector<16xi32>
        %swap3A_338 = vector.shape_cast %add3A_330 : vector<16xi32> to vector<1x16xi32>
        tpu.vector_store %arg13[%swap3A_334, %swap3A_335], %swap3A_338 {strides = array<i32>} : memref<384x128xi32, #tpu.memory_space<vmem>>, vector<1x16xi32>,
        %add3A_339 = arith.constant 0 : i32
        %add3A_340 = vector.broadcast %add3A_339 : i32 to vector<16xi32>
        %add3A_341 = arith.addi %add3A_231, %add3A_340 : vector<16xi32>
        %add3A_342 = arith.constant 24 : i32
        %add3A_343 = arith.addi %mul3A_58, %add3A_342 : i32
        %add3A_344 = arith.addi %add3A_343, %shift_right_arithmetic3A_125 : i32
        %swap3A_345 = arith.index_cast %add3A_344 : i32 to index
        %swap3A_346 = arith.index_cast %mul3A_129 : i32 to index
        %swap3A_347 = tpu.vector_load %arg13[%swap3A_345, %swap3A_346] {strides = array<i32>} : memref<384x128xi32, #tpu.memory_space<vmem>>, vector<1x16xi32>,
        %swap3A_348 = vector.shape_cast %swap3A_347 : vector<1x16xi32> to vector<16xi32>
        %swap3A_349 = vector.shape_cast %add3A_341 : vector<16xi32> to vector<1x16xi32>
        tpu.vector_store %arg13[%swap3A_345, %swap3A_346], %swap3A_349 {strides = array<i32>} : memref<384x128xi32, #tpu.memory_space<vmem>>, vector<1x16xi32>,
        %add3A_350 = arith.constant 2097152 : i32
        %add3A_351 = vector.broadcast %add3A_350 : i32 to vector<16xi32>
        %add3A_352 = arith.addi %add3A_231, %add3A_351 : vector<16xi32>
        %add3A_353 = arith.constant 88 : i32
        %add3A_354 = arith.addi %mul3A_58, %add3A_353 : i32
        %add3A_355 = arith.addi %add3A_354, %shift_right_arithmetic3A_125 : i32
        %swap3A_356 = arith.index_cast %add3A_355 : i32 to index
        %swap3A_357 = arith.index_cast %mul3A_129 : i32 to index
        %swap3A_358 = tpu.vector_load %arg13[%swap3A_356, %swap3A_357] {strides = array<i32>} : memref<384x128xi32, #tpu.memory_space<vmem>>, vector<1x16xi32>,
        %swap3A_359 = vector.shape_cast %swap3A_358 : vector<1x16xi32> to vector<16xi32>
        %swap3A_360 = vector.shape_cast %add3A_352 : vector<16xi32> to vector<1x16xi32>
        tpu.vector_store %arg13[%swap3A_356, %swap3A_357], %swap3A_360 {strides = array<i32>} : memref<384x128xi32, #tpu.memory_space<vmem>>, vector<1x16xi32>,
        %add3A_361 = arith.constant 4194304 : i32
        %add3A_362 = vector.broadcast %add3A_361 : i32 to vector<16xi32>
        %add3A_363 = arith.addi %add3A_231, %add3A_362 : vector<16xi32>
        %add3A_364 = arith.constant 152 : i32
        %add3A_365 = arith.addi %mul3A_58, %add3A_364 : i32
        %add3A_366 = arith.addi %add3A_365, %shift_right_arithmetic3A_125 : i32
        %swap3A_367 = arith.index_cast %add3A_366 : i32 to index
        %swap3A_368 = arith.index_cast %mul3A_129 : i32 to index
        %swap3A_369 = tpu.vector_load %arg13[%swap3A_367, %swap3A_368] {strides = array<i32>} : memref<384x128xi32, #tpu.memory_space<vmem>>, vector<1x16xi32>,
        %swap3A_370 = vector.shape_cast %swap3A_369 : vector<1x16xi32> to vector<16xi32>
        %swap3A_371 = vector.shape_cast %add3A_363 : vector<16xi32> to vector<1x16xi32>
        tpu.vector_store %arg13[%swap3A_367, %swap3A_368], %swap3A_371 {strides = array<i32>} : memref<384x128xi32, #tpu.memory_space<vmem>>, vector<1x16xi32>,
        %add3A_372 = arith.constant 0 : i32
        %add3A_373 = vector.broadcast %add3A_372 : i32 to vector<16xi32>
        %add3A_374 = arith.addi %add3A_233, %add3A_373 : vector<16xi32>
        %add3A_375 = arith.constant 32 : i32
        %add3A_376 = arith.addi %mul3A_58, %add3A_375 : i32
        %add3A_377 = arith.addi %add3A_376, %shift_right_arithmetic3A_125 : i32
        %swap3A_378 = arith.index_cast %add3A_377 : i32 to index
        %swap3A_379 = arith.index_cast %mul3A_129 : i32 to index
        %swap3A_380 = tpu.vector_load %arg13[%swap3A_378, %swap3A_379] {strides = array<i32>} : memref<384x128xi32, #tpu.memory_space<vmem>>, vector<1x16xi32>,
        %swap3A_381 = vector.shape_cast %swap3A_380 : vector<1x16xi32> to vector<16xi32>
        %swap3A_382 = vector.shape_cast %add3A_374 : vector<16xi32> to vector<1x16xi32>
        tpu.vector_store %arg13[%swap3A_378, %swap3A_379], %swap3A_382 {strides = array<i32>} : memref<384x128xi32, #tpu.memory_space<vmem>>, vector<1x16xi32>,
        %add3A_383 = arith.constant 2097152 : i32
        %add3A_384 = vector.broadcast %add3A_383 : i32 to vector<16xi32>
        %add3A_385 = arith.addi %add3A_233, %add3A_384 : vector<16xi32>
        %add3A_386 = arith.constant 96 : i32
        %add3A_387 = arith.addi %mul3A_58, %add3A_386 : i32
        %add3A_388 = arith.addi %add3A_387, %shift_right_arithmetic3A_125 : i32
        %swap3A_389 = arith.index_cast %add3A_388 : i32 to index
        %swap3A_390 = arith.index_cast %mul3A_129 : i32 to index
        %swap3A_391 = tpu.vector_load %arg13[%swap3A_389, %swap3A_390] {strides = array<i32>} : memref<384x128xi32, #tpu.memory_space<vmem>>, vector<1x16xi32>,
        %swap3A_392 = vector.shape_cast %swap3A_391 : vector<1x16xi32> to vector<16xi32>
        %swap3A_393 = vector.shape_cast %add3A_385 : vector<16xi32> to vector<1x16xi32>
        tpu.vector_store %arg13[%swap3A_389, %swap3A_390], %swap3A_393 {strides = array<i32>} : memref<384x128xi32, #tpu.memory_space<vmem>>, vector<1x16xi32>,
        %add3A_394 = arith.constant 4194304 : i32
        %add3A_395 = vector.broadcast %add3A_394 : i32 to vector<16xi32>
        %add3A_396 = arith.addi %add3A_233, %add3A_395 : vector<16xi32>
        %add3A_397 = arith.constant 160 : i32
        %add3A_398 = arith.addi %mul3A_58, %add3A_397 : i32
        %add3A_399 = arith.addi %add3A_398, %shift_right_arithmetic3A_125 : i32
        %swap3A_400 = arith.index_cast %add3A_399 : i32 to index
        %swap3A_401 = arith.index_cast %mul3A_129 : i32 to index
        %swap3A_402 = tpu.vector_load %arg13[%swap3A_400, %swap3A_401] {strides = array<i32>} : memref<384x128xi32, #tpu.memory_space<vmem>>, vector<1x16xi32>,
        %swap3A_403 = vector.shape_cast %swap3A_402 : vector<1x16xi32> to vector<16xi32>
        %swap3A_404 = vector.shape_cast %add3A_396 : vector<16xi32> to vector<1x16xi32>
        tpu.vector_store %arg13[%swap3A_400, %swap3A_401], %swap3A_404 {strides = array<i32>} : memref<384x128xi32, #tpu.memory_space<vmem>>, vector<1x16xi32>,
        %add3A_405 = arith.constant 0 : i32
        %add3A_406 = vector.broadcast %add3A_405 : i32 to vector<16xi32>
        %add3A_407 = arith.addi %add3A_235, %add3A_406 : vector<16xi32>
        %add3A_408 = arith.constant 40 : i32
        %add3A_409 = arith.addi %mul3A_58, %add3A_408 : i32
        %add3A_410 = arith.addi %add3A_409, %shift_right_arithmetic3A_125 : i32
        %swap3A_411 = arith.index_cast %add3A_410 : i32 to index
        %swap3A_412 = arith.index_cast %mul3A_129 : i32 to index
        %swap3A_413 = tpu.vector_load %arg13[%swap3A_411, %swap3A_412] {strides = array<i32>} : memref<384x128xi32, #tpu.memory_space<vmem>>, vector<1x16xi32>,
        %swap3A_414 = vector.shape_cast %swap3A_413 : vector<1x16xi32> to vector<16xi32>
        %swap3A_415 = vector.shape_cast %add3A_407 : vector<16xi32> to vector<1x16xi32>
        tpu.vector_store %arg13[%swap3A_411, %swap3A_412], %swap3A_415 {strides = array<i32>} : memref<384x128xi32, #tpu.memory_space<vmem>>, vector<1x16xi32>,
        %add3A_416 = arith.constant 2097152 : i32
        %add3A_417 = vector.broadcast %add3A_416 : i32 to vector<16xi32>
        %add3A_418 = arith.addi %add3A_235, %add3A_417 : vector<16xi32>
        %add3A_419 = arith.constant 104 : i32
        %add3A_420 = arith.addi %mul3A_58, %add3A_419 : i32
        %add3A_421 = arith.addi %add3A_420, %shift_right_arithmetic3A_125 : i32
        %swap3A_422 = arith.index_cast %add3A_421 : i32 to index
        %swap3A_423 = arith.index_cast %mul3A_129 : i32 to index
        %swap3A_424 = tpu.vector_load %arg13[%swap3A_422, %swap3A_423] {strides = array<i32>} : memref<384x128xi32, #tpu.memory_space<vmem>>, vector<1x16xi32>,
        %swap3A_425 = vector.shape_cast %swap3A_424 : vector<1x16xi32> to vector<16xi32>
        %swap3A_426 = vector.shape_cast %add3A_418 : vector<16xi32> to vector<1x16xi32>
        tpu.vector_store %arg13[%swap3A_422, %swap3A_423], %swap3A_426 {strides = array<i32>} : memref<384x128xi32, #tpu.memory_space<vmem>>, vector<1x16xi32>,
        %add3A_427 = arith.constant 4194304 : i32
        %add3A_428 = vector.broadcast %add3A_427 : i32 to vector<16xi32>
        %add3A_429 = arith.addi %add3A_235, %add3A_428 : vector<16xi32>
        %add3A_430 = arith.constant 168 : i32
        %add3A_431 = arith.addi %mul3A_58, %add3A_430 : i32
        %add3A_432 = arith.addi %add3A_431, %shift_right_arithmetic3A_125 : i32
        %swap3A_433 = arith.index_cast %add3A_432 : i32 to index
        %swap3A_434 = arith.index_cast %mul3A_129 : i32 to index
        %swap3A_435 = tpu.vector_load %arg13[%swap3A_433, %swap3A_434] {strides = array<i32>} : memref<384x128xi32, #tpu.memory_space<vmem>>, vector<1x16xi32>,
        %swap3A_436 = vector.shape_cast %swap3A_435 : vector<1x16xi32> to vector<16xi32>
        %swap3A_437 = vector.shape_cast %add3A_429 : vector<16xi32> to vector<1x16xi32>
        tpu.vector_store %arg13[%swap3A_433, %swap3A_434], %swap3A_437 {strides = array<i32>} : memref<384x128xi32, #tpu.memory_space<vmem>>, vector<1x16xi32>,
        %add3A_438 = arith.constant 0 : i32
        %add3A_439 = vector.broadcast %add3A_438 : i32 to vector<16xi32>
        %add3A_440 = arith.addi %add3A_237, %add3A_439 : vector<16xi32>
        %add3A_441 = arith.constant 48 : i32
        %add3A_442 = arith.addi %mul3A_58, %add3A_441 : i32
        %add3A_443 = arith.addi %add3A_442, %shift_right_arithmetic3A_125 : i32
        %swap3A_444 = arith.index_cast %add3A_443 : i32 to index
        %swap3A_445 = arith.index_cast %mul3A_129 : i32 to index
        %swap3A_446 = tpu.vector_load %arg13[%swap3A_444, %swap3A_445] {strides = array<i32>} : memref<384x128xi32, #tpu.memory_space<vmem>>, vector<1x16xi32>,
        %swap3A_447 = vector.shape_cast %swap3A_446 : vector<1x16xi32> to vector<16xi32>
        %swap3A_448 = vector.shape_cast %add3A_440 : vector<16xi32> to vector<1x16xi32>
        tpu.vector_store %arg13[%swap3A_444, %swap3A_445], %swap3A_448 {strides = array<i32>} : memref<384x128xi32, #tpu.memory_space<vmem>>, vector<1x16xi32>,
        %add3A_449 = arith.constant 2097152 : i32
        %add3A_450 = vector.broadcast %add3A_449 : i32 to vector<16xi32>
        %add3A_451 = arith.addi %add3A_237, %add3A_450 : vector<16xi32>
        %add3A_452 = arith.constant 112 : i32
        %add3A_453 = arith.addi %mul3A_58, %add3A_452 : i32
        %add3A_454 = arith.addi %add3A_453, %shift_right_arithmetic3A_125 : i32
        %swap3A_455 = arith.index_cast %add3A_454 : i32 to index
        %swap3A_456 = arith.index_cast %mul3A_129 : i32 to index
        %swap3A_457 = tpu.vector_load %arg13[%swap3A_455, %swap3A_456] {strides = array<i32>} : memref<384x128xi32, #tpu.memory_space<vmem>>, vector<1x16xi32>,
        %swap3A_458 = vector.shape_cast %swap3A_457 : vector<1x16xi32> to vector<16xi32>
        %swap3A_459 = vector.shape_cast %add3A_451 : vector<16xi32> to vector<1x16xi32>
        tpu.vector_store %arg13[%swap3A_455, %swap3A_456], %swap3A_459 {strides = array<i32>} : memref<384x128xi32, #tpu.memory_space<vmem>>, vector<1x16xi32>,
        %add3A_460 = arith.constant 4194304 : i32
        %add3A_461 = vector.broadcast %add3A_460 : i32 to vector<16xi32>
        %add3A_462 = arith.addi %add3A_237, %add3A_461 : vector<16xi32>
        %add3A_463 = arith.constant 176 : i32
        %add3A_464 = arith.addi %mul3A_58, %add3A_463 : i32
        %add3A_465 = arith.addi %add3A_464, %shift_right_arithmetic3A_125 : i32
        %swap3A_466 = arith.index_cast %add3A_465 : i32 to index
        %swap3A_467 = arith.index_cast %mul3A_129 : i32 to index
        %swap3A_468 = tpu.vector_load %arg13[%swap3A_466, %swap3A_467] {strides = array<i32>} : memref<384x128xi32, #tpu.memory_space<vmem>>, vector<1x16xi32>,
        %swap3A_469 = vector.shape_cast %swap3A_468 : vector<1x16xi32> to vector<16xi32>
        %swap3A_470 = vector.shape_cast %add3A_462 : vector<16xi32> to vector<1x16xi32>
        tpu.vector_store %arg13[%swap3A_466, %swap3A_467], %swap3A_470 {strides = array<i32>} : memref<384x128xi32, #tpu.memory_space<vmem>>, vector<1x16xi32>,
        %add3A_471 = arith.constant 0 : i32
        %add3A_472 = vector.broadcast %add3A_471 : i32 to vector<16xi32>
        %add3A_473 = arith.addi %add3A_239, %add3A_472 : vector<16xi32>
        %add3A_474 = arith.constant 56 : i32
        %add3A_475 = arith.addi %mul3A_58, %add3A_474 : i32
        %add3A_476 = arith.addi %add3A_475, %shift_right_arithmetic3A_125 : i32
        %swap3A_477 = arith.index_cast %add3A_476 : i32 to index
        %swap3A_478 = arith.index_cast %mul3A_129 : i32 to index
        %swap3A_479 = tpu.vector_load %arg13[%swap3A_477, %swap3A_478] {strides = array<i32>} : memref<384x128xi32, #tpu.memory_space<vmem>>, vector<1x16xi32>,
        %swap3A_480 = vector.shape_cast %swap3A_479 : vector<1x16xi32> to vector<16xi32>
        %swap3A_481 = vector.shape_cast %add3A_473 : vector<16xi32> to vector<1x16xi32>
        tpu.vector_store %arg13[%swap3A_477, %swap3A_478], %swap3A_481 {strides = array<i32>} : memref<384x128xi32, #tpu.memory_space<vmem>>, vector<1x16xi32>,
        %add3A_482 = arith.constant 2097152 : i32
        %add3A_483 = vector.broadcast %add3A_482 : i32 to vector<16xi32>
        %add3A_484 = arith.addi %add3A_239, %add3A_483 : vector<16xi32>
        %add3A_485 = arith.constant 120 : i32
        %add3A_486 = arith.addi %mul3A_58, %add3A_485 : i32
        %add3A_487 = arith.addi %add3A_486, %shift_right_arithmetic3A_125 : i32
        %swap3A_488 = arith.index_cast %add3A_487 : i32 to index
        %swap3A_489 = arith.index_cast %mul3A_129 : i32 to index
        %swap3A_490 = tpu.vector_load %arg13[%swap3A_488, %swap3A_489] {strides = array<i32>} : memref<384x128xi32, #tpu.memory_space<vmem>>, vector<1x16xi32>,
        %swap3A_491 = vector.shape_cast %swap3A_490 : vector<1x16xi32> to vector<16xi32>
        %swap3A_492 = vector.shape_cast %add3A_484 : vector<16xi32> to vector<1x16xi32>
        tpu.vector_store %arg13[%swap3A_488, %swap3A_489], %swap3A_492 {strides = array<i32>} : memref<384x128xi32, #tpu.memory_space<vmem>>, vector<1x16xi32>,
        %add3A_493 = arith.constant 4194304 : i32
        %add3A_494 = vector.broadcast %add3A_493 : i32 to vector<16xi32>
        %add3A_495 = arith.addi %add3A_239, %add3A_494 : vector<16xi32>
        %add3A_496 = arith.constant 184 : i32
        %add3A_497 = arith.addi %mul3A_58, %add3A_496 : i32
        %add3A_498 = arith.addi %add3A_497, %shift_right_arithmetic3A_125 : i32
        %swap3A_499 = arith.index_cast %add3A_498 : i32 to index
        %swap3A_500 = arith.index_cast %mul3A_129 : i32 to index
        %swap3A_501 = tpu.vector_load %arg13[%swap3A_499, %swap3A_500] {strides = array<i32>} : memref<384x128xi32, #tpu.memory_space<vmem>>, vector<1x16xi32>,
        %swap3A_502 = vector.shape_cast %swap3A_501 : vector<1x16xi32> to vector<16xi32>
        %swap3A_503 = vector.shape_cast %add3A_495 : vector<16xi32> to vector<1x16xi32>
        tpu.vector_store %arg13[%swap3A_499, %swap3A_500], %swap3A_503 {strides = array<i32>} : memref<384x128xi32, #tpu.memory_space<vmem>>, vector<1x16xi32>,
        %scan3A_504 = arith.constant 0 : i32
        scf.yield %scan3A_504 : i32
      }
      %scan3A_70 = arith.constant 64 : i32
      %scan3A_71 = arith.constant 0 : i32
      %scan3A_72 = arith.constant 0 : i32
      %scan3A_73 = arith.constant 192 : i32
      %scan3A_74 = arith.addi %scan3A_72, %scan3A_73 : i32
      %scan3A_75 = arith.constant 1 : i32
      %scan3A_76 = scf.for %scan3A_121 = %scan3A_72 to %scan3A_74 step %scan3A_75 iter_args(%scan3A_122 = %scan3A_71) -> (i32)  : i32 {
        %add3A_123 = arith.addi %mul3A_58, %scan3A_121 : i32
        %mul3A_124 = arith.constant 128 : i32
        %mul3A_125 = arith.muli %scan3A_121, %mul3A_124 : i32
        %add3A_126 = arith.addi %mul3A_60, %mul3A_125 : i32
        %dma_start3A = tpu.memref_slice %arg14[%add3A_126] : memref<49152xf32, #tpu.memory_space<vmem>> -> memref<128xf32, #tpu.memory_space<vmem>>
        %dma_start3A_127 = arith.constant 0 : i32
        %dma_start3A_128 = tpu.memref_slice %arg13[%add3A_123, %dma_start3A_127] : memref<384x128xi32, #tpu.memory_space<vmem>> -> memref<1x128xi32, #tpu.memory_space<vmem>>
        %dma_start3A_129 = tpu.memref_squeeze %dma_start3A_128 : memref<1x128xi32, #tpu.memory_space<vmem>> -> memref<128xi32, #tpu.memory_space<vmem>>
        %dma_start3A_130 = arith.constant 0 : i32
        %dma_start3A_131 = tpu.memref_slice %arg5[%dma_start3A_130] : memref<6291456xf32, #tpu.memory_space<hbm>> -> memref<6291456xf32, #tpu.memory_space<hbm>>
        %dma_start3A_132 = tpu.memref_slice %arg16[%and3A_54] : memref<2x!tpu.dma_semaphore, #tpu.memory_space<semaphore_mem>> -> memref<1x!tpu.dma_semaphore, #tpu.memory_space<semaphore_mem>>
        %dma_start3A_133 = tpu.memref_squeeze %dma_start3A_132 : memref<1x!tpu.dma_semaphore, #tpu.memory_space<semaphore_mem>> -> memref<!tpu.dma_semaphore, #tpu.memory_space<semaphore_mem>>
        tpu.enqueue_indirect_dma source(%dma_start3A_131 : memref<6291456xf32, #tpu.memory_space<hbm>>) target(%dma_start3A : memref<128xf32, #tpu.memory_space<vmem>>) offsets(%dma_start3A_129 : memref<128xi32, #tpu.memory_space<vmem>>) semaphore(%dma_start3A_133 : memref<!tpu.dma_semaphore, #tpu.memory_space<semaphore_mem>>)
        %scan3A_134 = arith.constant 0 : i32
        scf.yield %scan3A_134 : i32
      }
      %scan3A_77 = arith.constant 192 : i32
      %and3A_78 = arith.constant 1 : i32
      %and3A_79 = arith.andi %scan3A_50, %and3A_78 : i32
      %mul3A_80 = arith.constant 1024 : i32
      %mul3A_81 = arith.muli %and3A_79, %mul3A_80 : i32
      %mul3A_82 = arith.constant 24576 : i32
      %mul3A_83 = arith.muli %and3A_79, %mul3A_82 : i32
      %mul3A_84 = arith.constant 1024 : i32
      %mul3A_85 = arith.muli %scan3A_50, %mul3A_84 : i32
      %add3A_86 = arith.addi %mul3A_2, %mul3A_85 : i32
      %dma_wait3A_87 = tpu.memref_slice %arg14[%mul3A_83] : memref<49152xf32, #tpu.memory_space<vmem>> -> memref<24576xf32, #tpu.memory_space<vmem>>
      %dma_wait3A_88 = arith.constant 0 : i32
      %dma_wait3A_89 = tpu.memref_slice %arg5[%dma_wait3A_88] : memref<6291456xf32, #tpu.memory_space<hbm>> -> memref<24576xf32, #tpu.memory_space<hbm>>
      %dma_wait3A_90 = tpu.memref_slice %arg16[%and3A_79] : memref<2x!tpu.dma_semaphore, #tpu.memory_space<semaphore_mem>> -> memref<1x!tpu.dma_semaphore, #tpu.memory_space<semaphore_mem>>
      %dma_wait3A_91 = tpu.memref_squeeze %dma_wait3A_90 : memref<1x!tpu.dma_semaphore, #tpu.memory_space<semaphore_mem>> -> memref<!tpu.dma_semaphore, #tpu.memory_space<semaphore_mem>>
      %dma_wait3A_92 = tpu.memref_slice %arg14[%mul3A_83] : memref<49152xf32, #tpu.memory_space<vmem>> -> memref<24576xf32, #tpu.memory_space<vmem>>
      %dma_wait3A_93 = arith.constant 0 : i32
      %dma_wait3A_94 = tpu.memref_slice %arg5[%dma_wait3A_93] : memref<6291456xf32, #tpu.memory_space<hbm>> -> memref<24576xf32, #tpu.memory_space<hbm>>
      tpu.wait_dma2 semaphore(%dma_wait3A_91 : memref<!tpu.dma_semaphore, #tpu.memory_space<semaphore_mem>>) src(%dma_wait3A_94 : memref<24576xf32, #tpu.memory_space<hbm>>) dst(%dma_wait3A_92 : memref<24576xf32, #tpu.memory_space<vmem>>)
      %scan3A_95 = arith.constant 0 : i32
      %scan3A_96 = arith.constant 0 : i32
      %scan3A_97 = arith.constant 64 : i32
      %scan3A_98 = arith.addi %scan3A_96, %scan3A_97 : i32
      %scan3A_99 = arith.constant 1 : i32
      %scan3A_100 = scf.for %scan3A_121 = %scan3A_96 to %scan3A_98 step %scan3A_99 iter_args(%scan3A_122 = %scan3A_95) -> (i32)  : i32 {
        %mul3A_123 = arith.constant 16 : i32
        %mul3A_124 = arith.muli %scan3A_121, %mul3A_123 : i32
        %add3A_125 = arith.addi %mul3A_81, %mul3A_124 : i32
        %get3A = arith.index_cast %add3A_125 : i32 to index
        %get3A_126 = tpu.vector_load %arg10[%get3A] {strides = array<i32>} : memref<2048xf32, #tpu.memory_space<vmem>>, vector<16xf32>,
        %get3A_127 = vector.shape_cast %get3A_126 : vector<16xf32> to vector<16xf32>
        %add3A_128 = arith.addi %mul3A_81, %mul3A_124 : i32
        %get3A_129 = arith.index_cast %add3A_128 : i32 to index
        %get3A_130 = tpu.vector_load %arg11[%get3A_129] {strides = array<i32>} : memref<2048xf32, #tpu.memory_space<vmem>>, vector<16xf32>,
        %get3A_131 = vector.shape_cast %get3A_130 : vector<16xf32> to vector<16xf32>
        %add3A_132 = arith.addi %mul3A_81, %mul3A_124 : i32
        %get3A_133 = arith.index_cast %add3A_132 : i32 to index
        %get3A_134 = tpu.vector_load %arg12[%get3A_133] {strides = array<i32>} : memref<2048xf32, #tpu.memory_space<vmem>>, vector<16xf32>,
        %get3A_135 = vector.shape_cast %get3A_134 : vector<16xf32> to vector<16xf32>
        %add3A_136 = arith.constant 0 : i32
        %add3A_137 = arith.addi %mul3A_83, %add3A_136 : i32
        %add3A_138 = arith.addi %add3A_137, %mul3A_124 : i32
        %add3A_139 = arith.constant 0 : i32
        %add3A_140 = arith.addi %add3A_138, %add3A_139 : i32
        %get3A_141 = arith.index_cast %add3A_140 : i32 to index
        %get3A_142 = tpu.vector_load %arg14[%get3A_141] {strides = array<i32>} : memref<49152xf32, #tpu.memory_space<vmem>>, vector<16xf32>,
        %get3A_143 = vector.shape_cast %get3A_142 : vector<16xf32> to vector<16xf32>
        %add3A_144 = arith.constant 1024 : i32
        %add3A_145 = arith.addi %add3A_138, %add3A_144 : i32
        %get3A_146 = arith.index_cast %add3A_145 : i32 to index
        %get3A_147 = tpu.vector_load %arg14[%get3A_146] {strides = array<i32>} : memref<49152xf32, #tpu.memory_space<vmem>>, vector<16xf32>,
        %get3A_148 = vector.shape_cast %get3A_147 : vector<16xf32> to vector<16xf32>
        %sub3A = arith.subf %get3A_148, %get3A_143 : vector<16xf32>
        %mul3A_149 = arith.mulf %get3A_127, %sub3A : vector<16xf32>
        %add3A_150 = arith.addf %get3A_143, %mul3A_149 : vector<16xf32>
        %add3A_151 = arith.constant 2048 : i32
        %add3A_152 = arith.addi %add3A_138, %add3A_151 : i32
        %get3A_153 = arith.index_cast %add3A_152 : i32 to index
        %get3A_154 = tpu.vector_load %arg14[%get3A_153] {strides = array<i32>} : memref<49152xf32, #tpu.memory_space<vmem>>, vector<16xf32>,
        %get3A_155 = vector.shape_cast %get3A_154 : vector<16xf32> to vector<16xf32>
        %add3A_156 = arith.constant 3072 : i32
        %add3A_157 = arith.addi %add3A_138, %add3A_156 : i32
        %get3A_158 = arith.index_cast %add3A_157 : i32 to index
        %get3A_159 = tpu.vector_load %arg14[%get3A_158] {strides = array<i32>} : memref<49152xf32, #tpu.memory_space<vmem>>, vector<16xf32>,
        %get3A_160 = vector.shape_cast %get3A_159 : vector<16xf32> to vector<16xf32>
        %sub3A_161 = arith.subf %get3A_160, %get3A_155 : vector<16xf32>
        %mul3A_162 = arith.mulf %get3A_127, %sub3A_161 : vector<16xf32>
        %add3A_163 = arith.addf %get3A_155, %mul3A_162 : vector<16xf32>
        %sub3A_164 = arith.subf %add3A_163, %add3A_150 : vector<16xf32>
        %mul3A_165 = arith.mulf %get3A_131, %sub3A_164 : vector<16xf32>
        %add3A_166 = arith.addf %add3A_150, %mul3A_165 : vector<16xf32>
        %add3A_167 = arith.constant 4096 : i32
        %add3A_168 = arith.addi %add3A_138, %add3A_167 : i32
        %get3A_169 = arith.index_cast %add3A_168 : i32 to index
        %get3A_170 = tpu.vector_load %arg14[%get3A_169] {strides = array<i32>} : memref<49152xf32, #tpu.memory_space<vmem>>, vector<16xf32>,
        %get3A_171 = vector.shape_cast %get3A_170 : vector<16xf32> to vector<16xf32>
        %add3A_172 = arith.constant 5120 : i32
        %add3A_173 = arith.addi %add3A_138, %add3A_172 : i32
        %get3A_174 = arith.index_cast %add3A_173 : i32 to index
        %get3A_175 = tpu.vector_load %arg14[%get3A_174] {strides = array<i32>} : memref<49152xf32, #tpu.memory_space<vmem>>, vector<16xf32>,
        %get3A_176 = vector.shape_cast %get3A_175 : vector<16xf32> to vector<16xf32>
        %sub3A_177 = arith.subf %get3A_176, %get3A_171 : vector<16xf32>
        %mul3A_178 = arith.mulf %get3A_127, %sub3A_177 : vector<16xf32>
        %add3A_179 = arith.addf %get3A_171, %mul3A_178 : vector<16xf32>
        %add3A_180 = arith.constant 6144 : i32
        %add3A_181 = arith.addi %add3A_138, %add3A_180 : i32
        %get3A_182 = arith.index_cast %add3A_181 : i32 to index
        %get3A_183 = tpu.vector_load %arg14[%get3A_182] {strides = array<i32>} : memref<49152xf32, #tpu.memory_space<vmem>>, vector<16xf32>,
        %get3A_184 = vector.shape_cast %get3A_183 : vector<16xf32> to vector<16xf32>
        %add3A_185 = arith.constant 7168 : i32
        %add3A_186 = arith.addi %add3A_138, %add3A_185 : i32
        %get3A_187 = arith.index_cast %add3A_186 : i32 to index
        %get3A_188 = tpu.vector_load %arg14[%get3A_187] {strides = array<i32>} : memref<49152xf32, #tpu.memory_space<vmem>>, vector<16xf32>,
        %get3A_189 = vector.shape_cast %get3A_188 : vector<16xf32> to vector<16xf32>
        %sub3A_190 = arith.subf %get3A_189, %get3A_184 : vector<16xf32>
        %mul3A_191 = arith.mulf %get3A_127, %sub3A_190 : vector<16xf32>
        %add3A_192 = arith.addf %get3A_184, %mul3A_191 : vector<16xf32>
        %sub3A_193 = arith.subf %add3A_192, %add3A_179 : vector<16xf32>
        %mul3A_194 = arith.mulf %get3A_131, %sub3A_193 : vector<16xf32>
        %add3A_195 = arith.addf %add3A_179, %mul3A_194 : vector<16xf32>
        %sub3A_196 = arith.subf %add3A_195, %add3A_166 : vector<16xf32>
        %mul3A_197 = arith.mulf %get3A_135, %sub3A_196 : vector<16xf32>
        %add3A_198 = arith.addf %add3A_166, %mul3A_197 : vector<16xf32>
        %mul3A_199 = arith.constant 3 : i32
        %mul3A_200 = arith.muli %mul3A_81, %mul3A_199 : i32
        %add3A_201 = arith.constant 0 : i32
        %add3A_202 = arith.addi %mul3A_200, %add3A_201 : i32
        %add3A_203 = arith.addi %add3A_202, %mul3A_124 : i32
        %swap3A = arith.index_cast %add3A_203 : i32 to index
        %swap3A_204 = tpu.vector_load %arg15[%swap3A] {strides = array<i32>} : memref<6144xf32, #tpu.memory_space<vmem>>, vector<16xf32>,
        %swap3A_205 = vector.shape_cast %swap3A_204 : vector<16xf32> to vector<16xf32>
        %swap3A_206 = vector.shape_cast %add3A_198 : vector<16xf32> to vector<16xf32>
        tpu.vector_store %arg15[%swap3A], %swap3A_206 {strides = array<i32>} : memref<6144xf32, #tpu.memory_space<vmem>>, vector<16xf32>,
        %add3A_207 = arith.constant 8192 : i32
        %add3A_208 = arith.addi %mul3A_83, %add3A_207 : i32
        %add3A_209 = arith.addi %add3A_208, %mul3A_124 : i32
        %add3A_210 = arith.constant 0 : i32
        %add3A_211 = arith.addi %add3A_209, %add3A_210 : i32
        %get3A_212 = arith.index_cast %add3A_211 : i32 to index
        %get3A_213 = tpu.vector_load %arg14[%get3A_212] {strides = array<i32>} : memref<49152xf32, #tpu.memory_space<vmem>>, vector<16xf32>,
        %get3A_214 = vector.shape_cast %get3A_213 : vector<16xf32> to vector<16xf32>
        %add3A_215 = arith.constant 1024 : i32
        %add3A_216 = arith.addi %add3A_209, %add3A_215 : i32
        %get3A_217 = arith.index_cast %add3A_216 : i32 to index
        %get3A_218 = tpu.vector_load %arg14[%get3A_217] {strides = array<i32>} : memref<49152xf32, #tpu.memory_space<vmem>>, vector<16xf32>,
        %get3A_219 = vector.shape_cast %get3A_218 : vector<16xf32> to vector<16xf32>
        %sub3A_220 = arith.subf %get3A_219, %get3A_214 : vector<16xf32>
        %mul3A_221 = arith.mulf %get3A_127, %sub3A_220 : vector<16xf32>
        %add3A_222 = arith.addf %get3A_214, %mul3A_221 : vector<16xf32>
        %add3A_223 = arith.constant 2048 : i32
        %add3A_224 = arith.addi %add3A_209, %add3A_223 : i32
        %get3A_225 = arith.index_cast %add3A_224 : i32 to index
        %get3A_226 = tpu.vector_load %arg14[%get3A_225] {strides = array<i32>} : memref<49152xf32, #tpu.memory_space<vmem>>, vector<16xf32>,
        %get3A_227 = vector.shape_cast %get3A_226 : vector<16xf32> to vector<16xf32>
        %add3A_228 = arith.constant 3072 : i32
        %add3A_229 = arith.addi %add3A_209, %add3A_228 : i32
        %get3A_230 = arith.index_cast %add3A_229 : i32 to index
        %get3A_231 = tpu.vector_load %arg14[%get3A_230] {strides = array<i32>} : memref<49152xf32, #tpu.memory_space<vmem>>, vector<16xf32>,
        %get3A_232 = vector.shape_cast %get3A_231 : vector<16xf32> to vector<16xf32>
        %sub3A_233 = arith.subf %get3A_232, %get3A_227 : vector<16xf32>
        %mul3A_234 = arith.mulf %get3A_127, %sub3A_233 : vector<16xf32>
        %add3A_235 = arith.addf %get3A_227, %mul3A_234 : vector<16xf32>
        %sub3A_236 = arith.subf %add3A_235, %add3A_222 : vector<16xf32>
        %mul3A_237 = arith.mulf %get3A_131, %sub3A_236 : vector<16xf32>
        %add3A_238 = arith.addf %add3A_222, %mul3A_237 : vector<16xf32>
        %add3A_239 = arith.constant 4096 : i32
        %add3A_240 = arith.addi %add3A_209, %add3A_239 : i32
        %get3A_241 = arith.index_cast %add3A_240 : i32 to index
        %get3A_242 = tpu.vector_load %arg14[%get3A_241] {strides = array<i32>} : memref<49152xf32, #tpu.memory_space<vmem>>, vector<16xf32>,
        %get3A_243 = vector.shape_cast %get3A_242 : vector<16xf32> to vector<16xf32>
        %add3A_244 = arith.constant 5120 : i32
        %add3A_245 = arith.addi %add3A_209, %add3A_244 : i32
        %get3A_246 = arith.index_cast %add3A_245 : i32 to index
        %get3A_247 = tpu.vector_load %arg14[%get3A_246] {strides = array<i32>} : memref<49152xf32, #tpu.memory_space<vmem>>, vector<16xf32>,
        %get3A_248 = vector.shape_cast %get3A_247 : vector<16xf32> to vector<16xf32>
        %sub3A_249 = arith.subf %get3A_248, %get3A_243 : vector<16xf32>
        %mul3A_250 = arith.mulf %get3A_127, %sub3A_249 : vector<16xf32>
        %add3A_251 = arith.addf %get3A_243, %mul3A_250 : vector<16xf32>
        %add3A_252 = arith.constant 6144 : i32
        %add3A_253 = arith.addi %add3A_209, %add3A_252 : i32
        %get3A_254 = arith.index_cast %add3A_253 : i32 to index
        %get3A_255 = tpu.vector_load %arg14[%get3A_254] {strides = array<i32>} : memref<49152xf32, #tpu.memory_space<vmem>>, vector<16xf32>,
        %get3A_256 = vector.shape_cast %get3A_255 : vector<16xf32> to vector<16xf32>
        %add3A_257 = arith.constant 7168 : i32
        %add3A_258 = arith.addi %add3A_209, %add3A_257 : i32
        %get3A_259 = arith.index_cast %add3A_258 : i32 to index
        %get3A_260 = tpu.vector_load %arg14[%get3A_259] {strides = array<i32>} : memref<49152xf32, #tpu.memory_space<vmem>>, vector<16xf32>,
        %get3A_261 = vector.shape_cast %get3A_260 : vector<16xf32> to vector<16xf32>
        %sub3A_262 = arith.subf %get3A_261, %get3A_256 : vector<16xf32>
        %mul3A_263 = arith.mulf %get3A_127, %sub3A_262 : vector<16xf32>
        %add3A_264 = arith.addf %get3A_256, %mul3A_263 : vector<16xf32>
        %sub3A_265 = arith.subf %add3A_264, %add3A_251 : vector<16xf32>
        %mul3A_266 = arith.mulf %get3A_131, %sub3A_265 : vector<16xf32>
        %add3A_267 = arith.addf %add3A_251, %mul3A_266 : vector<16xf32>
        %sub3A_268 = arith.subf %add3A_267, %add3A_238 : vector<16xf32>
        %mul3A_269 = arith.mulf %get3A_135, %sub3A_268 : vector<16xf32>
        %add3A_270 = arith.addf %add3A_238, %mul3A_269 : vector<16xf32>
        %mul3A_271 = arith.constant 3 : i32
        %mul3A_272 = arith.muli %mul3A_81, %mul3A_271 : i32
        %add3A_273 = arith.constant 1024 : i32
        %add3A_274 = arith.addi %mul3A_272, %add3A_273 : i32
        %add3A_275 = arith.addi %add3A_274, %mul3A_124 : i32
        %swap3A_276 = arith.index_cast %add3A_275 : i32 to index
        %swap3A_277 = tpu.vector_load %arg15[%swap3A_276] {strides = array<i32>} : memref<6144xf32, #tpu.memory_space<vmem>>, vector<16xf32>,
        %swap3A_278 = vector.shape_cast %swap3A_277 : vector<16xf32> to vector<16xf32>
        %swap3A_279 = vector.shape_cast %add3A_270 : vector<16xf32> to vector<16xf32>
        tpu.vector_store %arg15[%swap3A_276], %swap3A_279 {strides = array<i32>} : memref<6144xf32, #tpu.memory_space<vmem>>, vector<16xf32>,
        %add3A_280 = arith.constant 16384 : i32
        %add3A_281 = arith.addi %mul3A_83, %add3A_280 : i32
        %add3A_282 = arith.addi %add3A_281, %mul3A_124 : i32
        %add3A_283 = arith.constant 0 : i32
        %add3A_284 = arith.addi %add3A_282, %add3A_283 : i32
        %get3A_285 = arith.index_cast %add3A_284 : i32 to index
        %get3A_286 = tpu.vector_load %arg14[%get3A_285] {strides = array<i32>} : memref<49152xf32, #tpu.memory_space<vmem>>, vector<16xf32>,
        %get3A_287 = vector.shape_cast %get3A_286 : vector<16xf32> to vector<16xf32>
        %add3A_288 = arith.constant 1024 : i32
        %add3A_289 = arith.addi %add3A_282, %add3A_288 : i32
        %get3A_290 = arith.index_cast %add3A_289 : i32 to index
        %get3A_291 = tpu.vector_load %arg14[%get3A_290] {strides = array<i32>} : memref<49152xf32, #tpu.memory_space<vmem>>, vector<16xf32>,
        %get3A_292 = vector.shape_cast %get3A_291 : vector<16xf32> to vector<16xf32>
        %sub3A_293 = arith.subf %get3A_292, %get3A_287 : vector<16xf32>
        %mul3A_294 = arith.mulf %get3A_127, %sub3A_293 : vector<16xf32>
        %add3A_295 = arith.addf %get3A_287, %mul3A_294 : vector<16xf32>
        %add3A_296 = arith.constant 2048 : i32
        %add3A_297 = arith.addi %add3A_282, %add3A_296 : i32
        %get3A_298 = arith.index_cast %add3A_297 : i32 to index
        %get3A_299 = tpu.vector_load %arg14[%get3A_298] {strides = array<i32>} : memref<49152xf32, #tpu.memory_space<vmem>>, vector<16xf32>,
        %get3A_300 = vector.shape_cast %get3A_299 : vector<16xf32> to vector<16xf32>
        %add3A_301 = arith.constant 3072 : i32
        %add3A_302 = arith.addi %add3A_282, %add3A_301 : i32
        %get3A_303 = arith.index_cast %add3A_302 : i32 to index
        %get3A_304 = tpu.vector_load %arg14[%get3A_303] {strides = array<i32>} : memref<49152xf32, #tpu.memory_space<vmem>>, vector<16xf32>,
        %get3A_305 = vector.shape_cast %get3A_304 : vector<16xf32> to vector<16xf32>
        %sub3A_306 = arith.subf %get3A_305, %get3A_300 : vector<16xf32>
        %mul3A_307 = arith.mulf %get3A_127, %sub3A_306 : vector<16xf32>
        %add3A_308 = arith.addf %get3A_300, %mul3A_307 : vector<16xf32>
        %sub3A_309 = arith.subf %add3A_308, %add3A_295 : vector<16xf32>
        %mul3A_310 = arith.mulf %get3A_131, %sub3A_309 : vector<16xf32>
        %add3A_311 = arith.addf %add3A_295, %mul3A_310 : vector<16xf32>
        %add3A_312 = arith.constant 4096 : i32
        %add3A_313 = arith.addi %add3A_282, %add3A_312 : i32
        %get3A_314 = arith.index_cast %add3A_313 : i32 to index
        %get3A_315 = tpu.vector_load %arg14[%get3A_314] {strides = array<i32>} : memref<49152xf32, #tpu.memory_space<vmem>>, vector<16xf32>,
        %get3A_316 = vector.shape_cast %get3A_315 : vector<16xf32> to vector<16xf32>
        %add3A_317 = arith.constant 5120 : i32
        %add3A_318 = arith.addi %add3A_282, %add3A_317 : i32
        %get3A_319 = arith.index_cast %add3A_318 : i32 to index
        %get3A_320 = tpu.vector_load %arg14[%get3A_319] {strides = array<i32>} : memref<49152xf32, #tpu.memory_space<vmem>>, vector<16xf32>,
        %get3A_321 = vector.shape_cast %get3A_320 : vector<16xf32> to vector<16xf32>
        %sub3A_322 = arith.subf %get3A_321, %get3A_316 : vector<16xf32>
        %mul3A_323 = arith.mulf %get3A_127, %sub3A_322 : vector<16xf32>
        %add3A_324 = arith.addf %get3A_316, %mul3A_323 : vector<16xf32>
        %add3A_325 = arith.constant 6144 : i32
        %add3A_326 = arith.addi %add3A_282, %add3A_325 : i32
        %get3A_327 = arith.index_cast %add3A_326 : i32 to index
        %get3A_328 = tpu.vector_load %arg14[%get3A_327] {strides = array<i32>} : memref<49152xf32, #tpu.memory_space<vmem>>, vector<16xf32>,
        %get3A_329 = vector.shape_cast %get3A_328 : vector<16xf32> to vector<16xf32>
        %add3A_330 = arith.constant 7168 : i32
        %add3A_331 = arith.addi %add3A_282, %add3A_330 : i32
        %get3A_332 = arith.index_cast %add3A_331 : i32 to index
        %get3A_333 = tpu.vector_load %arg14[%get3A_332] {strides = array<i32>} : memref<49152xf32, #tpu.memory_space<vmem>>, vector<16xf32>,
        %get3A_334 = vector.shape_cast %get3A_333 : vector<16xf32> to vector<16xf32>
        %sub3A_335 = arith.subf %get3A_334, %get3A_329 : vector<16xf32>
        %mul3A_336 = arith.mulf %get3A_127, %sub3A_335 : vector<16xf32>
        %add3A_337 = arith.addf %get3A_329, %mul3A_336 : vector<16xf32>
        %sub3A_338 = arith.subf %add3A_337, %add3A_324 : vector<16xf32>
        %mul3A_339 = arith.mulf %get3A_131, %sub3A_338 : vector<16xf32>
        %add3A_340 = arith.addf %add3A_324, %mul3A_339 : vector<16xf32>
        %sub3A_341 = arith.subf %add3A_340, %add3A_311 : vector<16xf32>
        %mul3A_342 = arith.mulf %get3A_135, %sub3A_341 : vector<16xf32>
        %add3A_343 = arith.addf %add3A_311, %mul3A_342 : vector<16xf32>
        %mul3A_344 = arith.constant 3 : i32
        %mul3A_345 = arith.muli %mul3A_81, %mul3A_344 : i32
        %add3A_346 = arith.constant 2048 : i32
        %add3A_347 = arith.addi %mul3A_345, %add3A_346 : i32
        %add3A_348 = arith.addi %add3A_347, %mul3A_124 : i32
        %swap3A_349 = arith.index_cast %add3A_348 : i32 to index
        %swap3A_350 = tpu.vector_load %arg15[%swap3A_349] {strides = array<i32>} : memref<6144xf32, #tpu.memory_space<vmem>>, vector<16xf32>,
        %swap3A_351 = vector.shape_cast %swap3A_350 : vector<16xf32> to vector<16xf32>
        %swap3A_352 = vector.shape_cast %add3A_343 : vector<16xf32> to vector<16xf32>
        tpu.vector_store %arg15[%swap3A_349], %swap3A_352 {strides = array<i32>} : memref<6144xf32, #tpu.memory_space<vmem>>, vector<16xf32>,
        %scan3A_353 = arith.constant 0 : i32
        scf.yield %scan3A_353 : i32
      }
      %scan3A_101 = arith.constant 64 : i32
      %mul3A_102 = arith.constant 3 : i32
      %mul3A_103 = arith.muli %mul3A_81, %mul3A_102 : i32
      %add3A_104 = arith.constant 0 : i32
      %add3A_105 = arith.addi %mul3A_103, %add3A_104 : i32
      %add3A_106 = arith.constant 0 : i32
      %add3A_107 = arith.addi %add3A_106, %add3A_86 : i32
      "tpu.region"() ({
        %run_scoped3A = tpu.sem_alloc : memref<!tpu.dma_semaphore, #tpu.memory_space<semaphore_mem>>
        %dma_start3A = tpu.memref_slice %arg15[%add3A_105] : memref<6144xf32, #tpu.memory_space<vmem>> -> memref<1024xf32, #tpu.memory_space<vmem>>
        %dma_start3A_121 = tpu.memref_slice %arg6[%add3A_107] : memref<3145728xf32, #tpu.memory_space<hbm>> -> memref<1024xf32, #tpu.memory_space<hbm>>
        %dma_start3A_122 = tpu.memref_slice %arg6[%add3A_107] : memref<3145728xf32, #tpu.memory_space<hbm>> -> memref<1024xf32, #tpu.memory_space<hbm>>
        %dma_start3A_123 = tpu.memref_slice %arg15[%add3A_105] : memref<6144xf32, #tpu.memory_space<vmem>> -> memref<1024xf32, #tpu.memory_space<vmem>>
        tpu.enqueue_dma source(%dma_start3A_123 : memref<1024xf32, #tpu.memory_space<vmem>>) target(%dma_start3A_122 : memref<1024xf32, #tpu.memory_space<hbm>>) target_semaphore(%run_scoped3A : memref<!tpu.dma_semaphore, #tpu.memory_space<semaphore_mem>>)
        %dma_wait3A_124 = tpu.memref_slice %arg15[%add3A_105] : memref<6144xf32, #tpu.memory_space<vmem>> -> memref<1024xf32, #tpu.memory_space<vmem>>
        %dma_wait3A_125 = tpu.memref_slice %arg6[%add3A_107] : memref<3145728xf32, #tpu.memory_space<hbm>> -> memref<1024xf32, #tpu.memory_space<hbm>>
        %dma_wait3A_126 = tpu.memref_slice %arg6[%add3A_107] : memref<3145728xf32, #tpu.memory_space<hbm>> -> memref<1024xf32, #tpu.memory_space<hbm>>
        %dma_wait3A_127 = tpu.memref_slice %arg15[%add3A_105] : memref<6144xf32, #tpu.memory_space<vmem>> -> memref<1024xf32, #tpu.memory_space<vmem>>
        tpu.wait_dma2 semaphore(%run_scoped3A : memref<!tpu.dma_semaphore, #tpu.memory_space<semaphore_mem>>) src(%dma_wait3A_127 : memref<1024xf32, #tpu.memory_space<vmem>>) dst(%dma_wait3A_126 : memref<1024xf32, #tpu.memory_space<hbm>>)
        tpu.yield
      }) : () -> ()
      %mul3A_108 = arith.constant 3 : i32
      %mul3A_109 = arith.muli %mul3A_81, %mul3A_108 : i32
      %add3A_110 = arith.constant 1024 : i32
      %add3A_111 = arith.addi %mul3A_109, %add3A_110 : i32
      %add3A_112 = arith.constant 1048576 : i32
      %add3A_113 = arith.addi %add3A_112, %add3A_86 : i32
      "tpu.region"() ({
        %run_scoped3A = tpu.sem_alloc : memref<!tpu.dma_semaphore, #tpu.memory_space<semaphore_mem>>
        %dma_start3A = tpu.memref_slice %arg15[%add3A_111] : memref<6144xf32, #tpu.memory_space<vmem>> -> memref<1024xf32, #tpu.memory_space<vmem>>
        %dma_start3A_121 = tpu.memref_slice %arg6[%add3A_113] : memref<3145728xf32, #tpu.memory_space<hbm>> -> memref<1024xf32, #tpu.memory_space<hbm>>
        %dma_start3A_122 = tpu.memref_slice %arg6[%add3A_113] : memref<3145728xf32, #tpu.memory_space<hbm>> -> memref<1024xf32, #tpu.memory_space<hbm>>
        %dma_start3A_123 = tpu.memref_slice %arg15[%add3A_111] : memref<6144xf32, #tpu.memory_space<vmem>> -> memref<1024xf32, #tpu.memory_space<vmem>>
        tpu.enqueue_dma source(%dma_start3A_123 : memref<1024xf32, #tpu.memory_space<vmem>>) target(%dma_start3A_122 : memref<1024xf32, #tpu.memory_space<hbm>>) target_semaphore(%run_scoped3A : memref<!tpu.dma_semaphore, #tpu.memory_space<semaphore_mem>>)
        %dma_wait3A_124 = tpu.memref_slice %arg15[%add3A_111] : memref<6144xf32, #tpu.memory_space<vmem>> -> memref<1024xf32, #tpu.memory_space<vmem>>
        %dma_wait3A_125 = tpu.memref_slice %arg6[%add3A_113] : memref<3145728xf32, #tpu.memory_space<hbm>> -> memref<1024xf32, #tpu.memory_space<hbm>>
        %dma_wait3A_126 = tpu.memref_slice %arg6[%add3A_113] : memref<3145728xf32, #tpu.memory_space<hbm>> -> memref<1024xf32, #tpu.memory_space<hbm>>
        %dma_wait3A_127 = tpu.memref_slice %arg15[%add3A_111] : memref<6144xf32, #tpu.memory_space<vmem>> -> memref<1024xf32, #tpu.memory_space<vmem>>
        tpu.wait_dma2 semaphore(%run_scoped3A : memref<!tpu.dma_semaphore, #tpu.memory_space<semaphore_mem>>) src(%dma_wait3A_127 : memref<1024xf32, #tpu.memory_space<vmem>>) dst(%dma_wait3A_126 : memref<1024xf32, #tpu.memory_space<hbm>>)
        tpu.yield
      }) : () -> ()
      %mul3A_114 = arith.constant 3 : i32
      %mul3A_115 = arith.muli %mul3A_81, %mul3A_114 : i32
      %add3A_116 = arith.constant 2048 : i32
      %add3A_117 = arith.addi %mul3A_115, %add3A_116 : i32
      %add3A_118 = arith.constant 2097152 : i32
      %add3A_119 = arith.addi %add3A_118, %add3A_86 : i32
      "tpu.region"() ({
        %run_scoped3A = tpu.sem_alloc : memref<!tpu.dma_semaphore, #tpu.memory_space<semaphore_mem>>
        %dma_start3A = tpu.memref_slice %arg15[%add3A_117] : memref<6144xf32, #tpu.memory_space<vmem>> -> memref<1024xf32, #tpu.memory_space<vmem>>
        %dma_start3A_121 = tpu.memref_slice %arg6[%add3A_119] : memref<3145728xf32, #tpu.memory_space<hbm>> -> memref<1024xf32, #tpu.memory_space<hbm>>
        %dma_start3A_122 = tpu.memref_slice %arg6[%add3A_119] : memref<3145728xf32, #tpu.memory_space<hbm>> -> memref<1024xf32, #tpu.memory_space<hbm>>
        %dma_start3A_123 = tpu.memref_slice %arg15[%add3A_117] : memref<6144xf32, #tpu.memory_space<vmem>> -> memref<1024xf32, #tpu.memory_space<vmem>>
        tpu.enqueue_dma source(%dma_start3A_123 : memref<1024xf32, #tpu.memory_space<vmem>>) target(%dma_start3A_122 : memref<1024xf32, #tpu.memory_space<hbm>>) target_semaphore(%run_scoped3A : memref<!tpu.dma_semaphore, #tpu.memory_space<semaphore_mem>>)
        %dma_wait3A_124 = tpu.memref_slice %arg15[%add3A_117] : memref<6144xf32, #tpu.memory_space<vmem>> -> memref<1024xf32, #tpu.memory_space<vmem>>
        %dma_wait3A_125 = tpu.memref_slice %arg6[%add3A_119] : memref<3145728xf32, #tpu.memory_space<hbm>> -> memref<1024xf32, #tpu.memory_space<hbm>>
        %dma_wait3A_126 = tpu.memref_slice %arg6[%add3A_119] : memref<3145728xf32, #tpu.memory_space<hbm>> -> memref<1024xf32, #tpu.memory_space<hbm>>
        %dma_wait3A_127 = tpu.memref_slice %arg15[%add3A_117] : memref<6144xf32, #tpu.memory_space<vmem>> -> memref<1024xf32, #tpu.memory_space<vmem>>
        tpu.wait_dma2 semaphore(%run_scoped3A : memref<!tpu.dma_semaphore, #tpu.memory_space<semaphore_mem>>) src(%dma_wait3A_127 : memref<1024xf32, #tpu.memory_space<vmem>>) dst(%dma_wait3A_126 : memref<1024xf32, #tpu.memory_space<hbm>>)
        tpu.yield
      }) : () -> ()
      %scan3A_120 = arith.constant 0 : i32
      scf.yield %scan3A_120 : i32
    }
    %scan3A_24 = arith.constant 31 : i32
    %add3A_25 = arith.constant 31744 : i32
    %add3A_26 = arith.addi %mul3A_2, %add3A_25 : i32
    %dma_wait3A = arith.constant 1 : i32
    %dma_wait3A_27 = arith.constant 24576 : i32
    %dma_wait3A_28 = tpu.memref_slice %arg14[%dma_wait3A_27] : memref<49152xf32, #tpu.memory_space<vmem>> -> memref<24576xf32, #tpu.memory_space<vmem>>
    %dma_wait3A_29 = arith.constant 0 : i32
    %dma_wait3A_30 = tpu.memref_slice %arg5[%dma_wait3A_29] : memref<6291456xf32, #tpu.memory_space<hbm>> -> memref<24576xf32, #tpu.memory_space<hbm>>
    %dma_wait3A_31 = tpu.memref_slice %arg16[%dma_wait3A] : memref<2x!tpu.dma_semaphore, #tpu.memory_space<semaphore_mem>> -> memref<1x!tpu.dma_semaphore, #tpu.memory_space<semaphore_mem>>
    %dma_wait3A_32 = tpu.memref_squeeze %dma_wait3A_31 : memref<1x!tpu.dma_semaphore, #tpu.memory_space<semaphore_mem>> -> memref<!tpu.dma_semaphore, #tpu.memory_space<semaphore_mem>>
    %dma_wait3A_33 = arith.constant 24576 : i32
    %dma_wait3A_34 = tpu.memref_slice %arg14[%dma_wait3A_33] : memref<49152xf32, #tpu.memory_space<vmem>> -> memref<24576xf32, #tpu.memory_space<vmem>>
    %dma_wait3A_35 = arith.constant 0 : i32
    %dma_wait3A_36 = tpu.memref_slice %arg5[%dma_wait3A_35] : memref<6291456xf32, #tpu.memory_space<hbm>> -> memref<24576xf32, #tpu.memory_space<hbm>>
    tpu.wait_dma2 semaphore(%dma_wait3A_32 : memref<!tpu.dma_semaphore, #tpu.memory_space<semaphore_mem>>) src(%dma_wait3A_36 : memref<24576xf32, #tpu.memory_space<hbm>>) dst(%dma_wait3A_34 : memref<24576xf32, #tpu.memory_space<vmem>>)
    %scan3A_37 = arith.constant 0 : i32
    %scan3A_38 = arith.constant 0 : i32
    %scan3A_39 = arith.constant 64 : i32
    %scan3A_40 = arith.addi %scan3A_38, %scan3A_39 : i32
    %scan3A_41 = arith.constant 1 : i32
    %scan3A_42 = scf.for %scan3A_50 = %scan3A_38 to %scan3A_40 step %scan3A_41 iter_args(%scan3A_51 = %scan3A_37) -> (i32)  : i32 {
      %mul3A_52 = arith.constant 16 : i32
      %mul3A_53 = arith.muli %scan3A_50, %mul3A_52 : i32
      %add3A_54 = arith.constant 1024 : i32
      %add3A_55 = arith.addi %add3A_54, %mul3A_53 : i32
      %get3A = arith.index_cast %add3A_55 : i32 to index
      %get3A_56 = tpu.vector_load %arg10[%get3A] {strides = array<i32>} : memref<2048xf32, #tpu.memory_space<vmem>>, vector<16xf32>,
      %get3A_57 = vector.shape_cast %get3A_56 : vector<16xf32> to vector<16xf32>
      %add3A_58 = arith.constant 1024 : i32
      %add3A_59 = arith.addi %add3A_58, %mul3A_53 : i32
      %get3A_60 = arith.index_cast %add3A_59 : i32 to index
      %get3A_61 = tpu.vector_load %arg11[%get3A_60] {strides = array<i32>} : memref<2048xf32, #tpu.memory_space<vmem>>, vector<16xf32>,
      %get3A_62 = vector.shape_cast %get3A_61 : vector<16xf32> to vector<16xf32>
      %add3A_63 = arith.constant 1024 : i32
      %add3A_64 = arith.addi %add3A_63, %mul3A_53 : i32
      %get3A_65 = arith.index_cast %add3A_64 : i32 to index
      %get3A_66 = tpu.vector_load %arg12[%get3A_65] {strides = array<i32>} : memref<2048xf32, #tpu.memory_space<vmem>>, vector<16xf32>,
      %get3A_67 = vector.shape_cast %get3A_66 : vector<16xf32> to vector<16xf32>
      %add3A_68 = arith.constant 24576 : i32
      %add3A_69 = arith.addi %add3A_68, %mul3A_53 : i32
      %add3A_70 = arith.constant 0 : i32
      %add3A_71 = arith.addi %add3A_69, %add3A_70 : i32
      %get3A_72 = arith.index_cast %add3A_71 : i32 to index
      %get3A_73 = tpu.vector_load %arg14[%get3A_72] {strides = array<i32>} : memref<49152xf32, #tpu.memory_space<vmem>>, vector<16xf32>,
      %get3A_74 = vector.shape_cast %get3A_73 : vector<16xf32> to vector<16xf32>
      %add3A_75 = arith.constant 1024 : i32
      %add3A_76 = arith.addi %add3A_69, %add3A_75 : i32
      %get3A_77 = arith.index_cast %add3A_76 : i32 to index
      %get3A_78 = tpu.vector_load %arg14[%get3A_77] {strides = array<i32>} : memref<49152xf32, #tpu.memory_space<vmem>>, vector<16xf32>,
      %get3A_79 = vector.shape_cast %get3A_78 : vector<16xf32> to vector<16xf32>
      %sub3A = arith.subf %get3A_79, %get3A_74 : vector<16xf32>
      %mul3A_80 = arith.mulf %get3A_57, %sub3A : vector<16xf32>
      %add3A_81 = arith.addf %get3A_74, %mul3A_80 : vector<16xf32>
      %add3A_82 = arith.constant 2048 : i32
      %add3A_83 = arith.addi %add3A_69, %add3A_82 : i32
      %get3A_84 = arith.index_cast %add3A_83 : i32 to index
      %get3A_85 = tpu.vector_load %arg14[%get3A_84] {strides = array<i32>} : memref<49152xf32, #tpu.memory_space<vmem>>, vector<16xf32>,
      %get3A_86 = vector.shape_cast %get3A_85 : vector<16xf32> to vector<16xf32>
      %add3A_87 = arith.constant 3072 : i32
      %add3A_88 = arith.addi %add3A_69, %add3A_87 : i32
      %get3A_89 = arith.index_cast %add3A_88 : i32 to index
      %get3A_90 = tpu.vector_load %arg14[%get3A_89] {strides = array<i32>} : memref<49152xf32, #tpu.memory_space<vmem>>, vector<16xf32>,
      %get3A_91 = vector.shape_cast %get3A_90 : vector<16xf32> to vector<16xf32>
      %sub3A_92 = arith.subf %get3A_91, %get3A_86 : vector<16xf32>
      %mul3A_93 = arith.mulf %get3A_57, %sub3A_92 : vector<16xf32>
      %add3A_94 = arith.addf %get3A_86, %mul3A_93 : vector<16xf32>
      %sub3A_95 = arith.subf %add3A_94, %add3A_81 : vector<16xf32>
      %mul3A_96 = arith.mulf %get3A_62, %sub3A_95 : vector<16xf32>
      %add3A_97 = arith.addf %add3A_81, %mul3A_96 : vector<16xf32>
      %add3A_98 = arith.constant 4096 : i32
      %add3A_99 = arith.addi %add3A_69, %add3A_98 : i32
      %get3A_100 = arith.index_cast %add3A_99 : i32 to index
      %get3A_101 = tpu.vector_load %arg14[%get3A_100] {strides = array<i32>} : memref<49152xf32, #tpu.memory_space<vmem>>, vector<16xf32>,
      %get3A_102 = vector.shape_cast %get3A_101 : vector<16xf32> to vector<16xf32>
      %add3A_103 = arith.constant 5120 : i32
      %add3A_104 = arith.addi %add3A_69, %add3A_103 : i32
      %get3A_105 = arith.index_cast %add3A_104 : i32 to index
      %get3A_106 = tpu.vector_load %arg14[%get3A_105] {strides = array<i32>} : memref<49152xf32, #tpu.memory_space<vmem>>, vector<16xf32>,
      %get3A_107 = vector.shape_cast %get3A_106 : vector<16xf32> to vector<16xf32>
      %sub3A_108 = arith.subf %get3A_107, %get3A_102 : vector<16xf32>
      %mul3A_109 = arith.mulf %get3A_57, %sub3A_108 : vector<16xf32>
      %add3A_110 = arith.addf %get3A_102, %mul3A_109 : vector<16xf32>
      %add3A_111 = arith.constant 6144 : i32
      %add3A_112 = arith.addi %add3A_69, %add3A_111 : i32
      %get3A_113 = arith.index_cast %add3A_112 : i32 to index
      %get3A_114 = tpu.vector_load %arg14[%get3A_113] {strides = array<i32>} : memref<49152xf32, #tpu.memory_space<vmem>>, vector<16xf32>,
      %get3A_115 = vector.shape_cast %get3A_114 : vector<16xf32> to vector<16xf32>
      %add3A_116 = arith.constant 7168 : i32
      %add3A_117 = arith.addi %add3A_69, %add3A_116 : i32
      %get3A_118 = arith.index_cast %add3A_117 : i32 to index
      %get3A_119 = tpu.vector_load %arg14[%get3A_118] {strides = array<i32>} : memref<49152xf32, #tpu.memory_space<vmem>>, vector<16xf32>,
      %get3A_120 = vector.shape_cast %get3A_119 : vector<16xf32> to vector<16xf32>
      %sub3A_121 = arith.subf %get3A_120, %get3A_115 : vector<16xf32>
      %mul3A_122 = arith.mulf %get3A_57, %sub3A_121 : vector<16xf32>
      %add3A_123 = arith.addf %get3A_115, %mul3A_122 : vector<16xf32>
      %sub3A_124 = arith.subf %add3A_123, %add3A_110 : vector<16xf32>
      %mul3A_125 = arith.mulf %get3A_62, %sub3A_124 : vector<16xf32>
      %add3A_126 = arith.addf %add3A_110, %mul3A_125 : vector<16xf32>
      %sub3A_127 = arith.subf %add3A_126, %add3A_97 : vector<16xf32>
      %mul3A_128 = arith.mulf %get3A_67, %sub3A_127 : vector<16xf32>
      %add3A_129 = arith.addf %add3A_97, %mul3A_128 : vector<16xf32>
      %add3A_130 = arith.constant 3072 : i32
      %add3A_131 = arith.addi %add3A_130, %mul3A_53 : i32
      %swap3A = arith.index_cast %add3A_131 : i32 to index
      %swap3A_132 = tpu.vector_load %arg15[%swap3A] {strides = array<i32>} : memref<6144xf32, #tpu.memory_space<vmem>>, vector<16xf32>,
      %swap3A_133 = vector.shape_cast %swap3A_132 : vector<16xf32> to vector<16xf32>
      %swap3A_134 = vector.shape_cast %add3A_129 : vector<16xf32> to vector<16xf32>
      tpu.vector_store %arg15[%swap3A], %swap3A_134 {strides = array<i32>} : memref<6144xf32, #tpu.memory_space<vmem>>, vector<16xf32>,
      %add3A_135 = arith.constant 32768 : i32
      %add3A_136 = arith.addi %add3A_135, %mul3A_53 : i32
      %add3A_137 = arith.constant 0 : i32
      %add3A_138 = arith.addi %add3A_136, %add3A_137 : i32
      %get3A_139 = arith.index_cast %add3A_138 : i32 to index
      %get3A_140 = tpu.vector_load %arg14[%get3A_139] {strides = array<i32>} : memref<49152xf32, #tpu.memory_space<vmem>>, vector<16xf32>,
      %get3A_141 = vector.shape_cast %get3A_140 : vector<16xf32> to vector<16xf32>
      %add3A_142 = arith.constant 1024 : i32
      %add3A_143 = arith.addi %add3A_136, %add3A_142 : i32
      %get3A_144 = arith.index_cast %add3A_143 : i32 to index
      %get3A_145 = tpu.vector_load %arg14[%get3A_144] {strides = array<i32>} : memref<49152xf32, #tpu.memory_space<vmem>>, vector<16xf32>,
      %get3A_146 = vector.shape_cast %get3A_145 : vector<16xf32> to vector<16xf32>
      %sub3A_147 = arith.subf %get3A_146, %get3A_141 : vector<16xf32>
      %mul3A_148 = arith.mulf %get3A_57, %sub3A_147 : vector<16xf32>
      %add3A_149 = arith.addf %get3A_141, %mul3A_148 : vector<16xf32>
      %add3A_150 = arith.constant 2048 : i32
      %add3A_151 = arith.addi %add3A_136, %add3A_150 : i32
      %get3A_152 = arith.index_cast %add3A_151 : i32 to index
      %get3A_153 = tpu.vector_load %arg14[%get3A_152] {strides = array<i32>} : memref<49152xf32, #tpu.memory_space<vmem>>, vector<16xf32>,
      %get3A_154 = vector.shape_cast %get3A_153 : vector<16xf32> to vector<16xf32>
      %add3A_155 = arith.constant 3072 : i32
      %add3A_156 = arith.addi %add3A_136, %add3A_155 : i32
      %get3A_157 = arith.index_cast %add3A_156 : i32 to index
      %get3A_158 = tpu.vector_load %arg14[%get3A_157] {strides = array<i32>} : memref<49152xf32, #tpu.memory_space<vmem>>, vector<16xf32>,
      %get3A_159 = vector.shape_cast %get3A_158 : vector<16xf32> to vector<16xf32>
      %sub3A_160 = arith.subf %get3A_159, %get3A_154 : vector<16xf32>
      %mul3A_161 = arith.mulf %get3A_57, %sub3A_160 : vector<16xf32>
      %add3A_162 = arith.addf %get3A_154, %mul3A_161 : vector<16xf32>
      %sub3A_163 = arith.subf %add3A_162, %add3A_149 : vector<16xf32>
      %mul3A_164 = arith.mulf %get3A_62, %sub3A_163 : vector<16xf32>
      %add3A_165 = arith.addf %add3A_149, %mul3A_164 : vector<16xf32>
      %add3A_166 = arith.constant 4096 : i32
      %add3A_167 = arith.addi %add3A_136, %add3A_166 : i32
      %get3A_168 = arith.index_cast %add3A_167 : i32 to index
      %get3A_169 = tpu.vector_load %arg14[%get3A_168] {strides = array<i32>} : memref<49152xf32, #tpu.memory_space<vmem>>, vector<16xf32>,
      %get3A_170 = vector.shape_cast %get3A_169 : vector<16xf32> to vector<16xf32>
      %add3A_171 = arith.constant 5120 : i32
      %add3A_172 = arith.addi %add3A_136, %add3A_171 : i32
      %get3A_173 = arith.index_cast %add3A_172 : i32 to index
      %get3A_174 = tpu.vector_load %arg14[%get3A_173] {strides = array<i32>} : memref<49152xf32, #tpu.memory_space<vmem>>, vector<16xf32>,
      %get3A_175 = vector.shape_cast %get3A_174 : vector<16xf32> to vector<16xf32>
      %sub3A_176 = arith.subf %get3A_175, %get3A_170 : vector<16xf32>
      %mul3A_177 = arith.mulf %get3A_57, %sub3A_176 : vector<16xf32>
      %add3A_178 = arith.addf %get3A_170, %mul3A_177 : vector<16xf32>
      %add3A_179 = arith.constant 6144 : i32
      %add3A_180 = arith.addi %add3A_136, %add3A_179 : i32
      %get3A_181 = arith.index_cast %add3A_180 : i32 to index
      %get3A_182 = tpu.vector_load %arg14[%get3A_181] {strides = array<i32>} : memref<49152xf32, #tpu.memory_space<vmem>>, vector<16xf32>,
      %get3A_183 = vector.shape_cast %get3A_182 : vector<16xf32> to vector<16xf32>
      %add3A_184 = arith.constant 7168 : i32
      %add3A_185 = arith.addi %add3A_136, %add3A_184 : i32
      %get3A_186 = arith.index_cast %add3A_185 : i32 to index
      %get3A_187 = tpu.vector_load %arg14[%get3A_186] {strides = array<i32>} : memref<49152xf32, #tpu.memory_space<vmem>>, vector<16xf32>,
      %get3A_188 = vector.shape_cast %get3A_187 : vector<16xf32> to vector<16xf32>
      %sub3A_189 = arith.subf %get3A_188, %get3A_183 : vector<16xf32>
      %mul3A_190 = arith.mulf %get3A_57, %sub3A_189 : vector<16xf32>
      %add3A_191 = arith.addf %get3A_183, %mul3A_190 : vector<16xf32>
      %sub3A_192 = arith.subf %add3A_191, %add3A_178 : vector<16xf32>
      %mul3A_193 = arith.mulf %get3A_62, %sub3A_192 : vector<16xf32>
      %add3A_194 = arith.addf %add3A_178, %mul3A_193 : vector<16xf32>
      %sub3A_195 = arith.subf %add3A_194, %add3A_165 : vector<16xf32>
      %mul3A_196 = arith.mulf %get3A_67, %sub3A_195 : vector<16xf32>
      %add3A_197 = arith.addf %add3A_165, %mul3A_196 : vector<16xf32>
      %add3A_198 = arith.constant 4096 : i32
      %add3A_199 = arith.addi %add3A_198, %mul3A_53 : i32
      %swap3A_200 = arith.index_cast %add3A_199 : i32 to index
      %swap3A_201 = tpu.vector_load %arg15[%swap3A_200] {strides = array<i32>} : memref<6144xf32, #tpu.memory_space<vmem>>, vector<16xf32>,
      %swap3A_202 = vector.shape_cast %swap3A_201 : vector<16xf32> to vector<16xf32>
      %swap3A_203 = vector.shape_cast %add3A_197 : vector<16xf32> to vector<16xf32>
      tpu.vector_store %arg15[%swap3A_200], %swap3A_203 {strides = array<i32>} : memref<6144xf32, #tpu.memory_space<vmem>>, vector<16xf32>,
      %add3A_204 = arith.constant 40960 : i32
      %add3A_205 = arith.addi %add3A_204, %mul3A_53 : i32
      %add3A_206 = arith.constant 0 : i32
      %add3A_207 = arith.addi %add3A_205, %add3A_206 : i32
      %get3A_208 = arith.index_cast %add3A_207 : i32 to index
      %get3A_209 = tpu.vector_load %arg14[%get3A_208] {strides = array<i32>} : memref<49152xf32, #tpu.memory_space<vmem>>, vector<16xf32>,
      %get3A_210 = vector.shape_cast %get3A_209 : vector<16xf32> to vector<16xf32>
      %add3A_211 = arith.constant 1024 : i32
      %add3A_212 = arith.addi %add3A_205, %add3A_211 : i32
      %get3A_213 = arith.index_cast %add3A_212 : i32 to index
      %get3A_214 = tpu.vector_load %arg14[%get3A_213] {strides = array<i32>} : memref<49152xf32, #tpu.memory_space<vmem>>, vector<16xf32>,
      %get3A_215 = vector.shape_cast %get3A_214 : vector<16xf32> to vector<16xf32>
      %sub3A_216 = arith.subf %get3A_215, %get3A_210 : vector<16xf32>
      %mul3A_217 = arith.mulf %get3A_57, %sub3A_216 : vector<16xf32>
      %add3A_218 = arith.addf %get3A_210, %mul3A_217 : vector<16xf32>
      %add3A_219 = arith.constant 2048 : i32
      %add3A_220 = arith.addi %add3A_205, %add3A_219 : i32
      %get3A_221 = arith.index_cast %add3A_220 : i32 to index
      %get3A_222 = tpu.vector_load %arg14[%get3A_221] {strides = array<i32>} : memref<49152xf32, #tpu.memory_space<vmem>>, vector<16xf32>,
      %get3A_223 = vector.shape_cast %get3A_222 : vector<16xf32> to vector<16xf32>
      %add3A_224 = arith.constant 3072 : i32
      %add3A_225 = arith.addi %add3A_205, %add3A_224 : i32
      %get3A_226 = arith.index_cast %add3A_225 : i32 to index
      %get3A_227 = tpu.vector_load %arg14[%get3A_226] {strides = array<i32>} : memref<49152xf32, #tpu.memory_space<vmem>>, vector<16xf32>,
      %get3A_228 = vector.shape_cast %get3A_227 : vector<16xf32> to vector<16xf32>
      %sub3A_229 = arith.subf %get3A_228, %get3A_223 : vector<16xf32>
      %mul3A_230 = arith.mulf %get3A_57, %sub3A_229 : vector<16xf32>
      %add3A_231 = arith.addf %get3A_223, %mul3A_230 : vector<16xf32>
      %sub3A_232 = arith.subf %add3A_231, %add3A_218 : vector<16xf32>
      %mul3A_233 = arith.mulf %get3A_62, %sub3A_232 : vector<16xf32>
      %add3A_234 = arith.addf %add3A_218, %mul3A_233 : vector<16xf32>
      %add3A_235 = arith.constant 4096 : i32
      %add3A_236 = arith.addi %add3A_205, %add3A_235 : i32
      %get3A_237 = arith.index_cast %add3A_236 : i32 to index
      %get3A_238 = tpu.vector_load %arg14[%get3A_237] {strides = array<i32>} : memref<49152xf32, #tpu.memory_space<vmem>>, vector<16xf32>,
      %get3A_239 = vector.shape_cast %get3A_238 : vector<16xf32> to vector<16xf32>
      %add3A_240 = arith.constant 5120 : i32
      %add3A_241 = arith.addi %add3A_205, %add3A_240 : i32
      %get3A_242 = arith.index_cast %add3A_241 : i32 to index
      %get3A_243 = tpu.vector_load %arg14[%get3A_242] {strides = array<i32>} : memref<49152xf32, #tpu.memory_space<vmem>>, vector<16xf32>,
      %get3A_244 = vector.shape_cast %get3A_243 : vector<16xf32> to vector<16xf32>
      %sub3A_245 = arith.subf %get3A_244, %get3A_239 : vector<16xf32>
      %mul3A_246 = arith.mulf %get3A_57, %sub3A_245 : vector<16xf32>
      %add3A_247 = arith.addf %get3A_239, %mul3A_246 : vector<16xf32>
      %add3A_248 = arith.constant 6144 : i32
      %add3A_249 = arith.addi %add3A_205, %add3A_248 : i32
      %get3A_250 = arith.index_cast %add3A_249 : i32 to index
      %get3A_251 = tpu.vector_load %arg14[%get3A_250] {strides = array<i32>} : memref<49152xf32, #tpu.memory_space<vmem>>, vector<16xf32>,
      %get3A_252 = vector.shape_cast %get3A_251 : vector<16xf32> to vector<16xf32>
      %add3A_253 = arith.constant 7168 : i32
      %add3A_254 = arith.addi %add3A_205, %add3A_253 : i32
      %get3A_255 = arith.index_cast %add3A_254 : i32 to index
      %get3A_256 = tpu.vector_load %arg14[%get3A_255] {strides = array<i32>} : memref<49152xf32, #tpu.memory_space<vmem>>, vector<16xf32>,
      %get3A_257 = vector.shape_cast %get3A_256 : vector<16xf32> to vector<16xf32>
      %sub3A_258 = arith.subf %get3A_257, %get3A_252 : vector<16xf32>
      %mul3A_259 = arith.mulf %get3A_57, %sub3A_258 : vector<16xf32>
      %add3A_260 = arith.addf %get3A_252, %mul3A_259 : vector<16xf32>
      %sub3A_261 = arith.subf %add3A_260, %add3A_247 : vector<16xf32>
      %mul3A_262 = arith.mulf %get3A_62, %sub3A_261 : vector<16xf32>
      %add3A_263 = arith.addf %add3A_247, %mul3A_262 : vector<16xf32>
      %sub3A_264 = arith.subf %add3A_263, %add3A_234 : vector<16xf32>
      %mul3A_265 = arith.mulf %get3A_67, %sub3A_264 : vector<16xf32>
      %add3A_266 = arith.addf %add3A_234, %mul3A_265 : vector<16xf32>
      %add3A_267 = arith.constant 5120 : i32
      %add3A_268 = arith.addi %add3A_267, %mul3A_53 : i32
      %swap3A_269 = arith.index_cast %add3A_268 : i32 to index
      %swap3A_270 = tpu.vector_load %arg15[%swap3A_269] {strides = array<i32>} : memref<6144xf32, #tpu.memory_space<vmem>>, vector<16xf32>,
      %swap3A_271 = vector.shape_cast %swap3A_270 : vector<16xf32> to vector<16xf32>
      %swap3A_272 = vector.shape_cast %add3A_266 : vector<16xf32> to vector<16xf32>
      tpu.vector_store %arg15[%swap3A_269], %swap3A_272 {strides = array<i32>} : memref<6144xf32, #tpu.memory_space<vmem>>, vector<16xf32>,
      %scan3A_273 = arith.constant 0 : i32
      scf.yield %scan3A_273 : i32
    }
    %scan3A_43 = arith.constant 64 : i32
    %add3A_44 = arith.constant 0 : i32
    %add3A_45 = arith.addi %add3A_44, %add3A_26 : i32
    "tpu.region"() ({
      %run_scoped3A = tpu.sem_alloc : memref<!tpu.dma_semaphore, #tpu.memory_space<semaphore_mem>>
      %dma_start3A = arith.constant 3072 : i32
      %dma_start3A_50 = tpu.memref_slice %arg15[%dma_start3A] : memref<6144xf32, #tpu.memory_space<vmem>> -> memref<1024xf32, #tpu.memory_space<vmem>>
      %dma_start3A_51 = tpu.memref_slice %arg6[%add3A_45] : memref<3145728xf32, #tpu.memory_space<hbm>> -> memref<1024xf32, #tpu.memory_space<hbm>>
      %dma_start3A_52 = tpu.memref_slice %arg6[%add3A_45] : memref<3145728xf32, #tpu.memory_space<hbm>> -> memref<1024xf32, #tpu.memory_space<hbm>>
      %dma_start3A_53 = arith.constant 3072 : i32
      %dma_start3A_54 = tpu.memref_slice %arg15[%dma_start3A_53] : memref<6144xf32, #tpu.memory_space<vmem>> -> memref<1024xf32, #tpu.memory_space<vmem>>
      tpu.enqueue_dma source(%dma_start3A_54 : memref<1024xf32, #tpu.memory_space<vmem>>) target(%dma_start3A_52 : memref<1024xf32, #tpu.memory_space<hbm>>) target_semaphore(%run_scoped3A : memref<!tpu.dma_semaphore, #tpu.memory_space<semaphore_mem>>)
      %dma_wait3A_55 = arith.constant 3072 : i32
      %dma_wait3A_56 = tpu.memref_slice %arg15[%dma_wait3A_55] : memref<6144xf32, #tpu.memory_space<vmem>> -> memref<1024xf32, #tpu.memory_space<vmem>>
      %dma_wait3A_57 = tpu.memref_slice %arg6[%add3A_45] : memref<3145728xf32, #tpu.memory_space<hbm>> -> memref<1024xf32, #tpu.memory_space<hbm>>
      %dma_wait3A_58 = tpu.memref_slice %arg6[%add3A_45] : memref<3145728xf32, #tpu.memory_space<hbm>> -> memref<1024xf32, #tpu.memory_space<hbm>>
      %dma_wait3A_59 = arith.constant 3072 : i32
      %dma_wait3A_60 = tpu.memref_slice %arg15[%dma_wait3A_59] : memref<6144xf32, #tpu.memory_space<vmem>> -> memref<1024xf32, #tpu.memory_space<vmem>>
      tpu.wait_dma2 semaphore(%run_scoped3A : memref<!tpu.dma_semaphore, #tpu.memory_space<semaphore_mem>>) src(%dma_wait3A_60 : memref<1024xf32, #tpu.memory_space<vmem>>) dst(%dma_wait3A_58 : memref<1024xf32, #tpu.memory_space<hbm>>)
      tpu.yield
    }) : () -> ()
    %add3A_46 = arith.constant 1048576 : i32
    %add3A_47 = arith.addi %add3A_46, %add3A_26 : i32
    "tpu.region"() ({
      %run_scoped3A = tpu.sem_alloc : memref<!tpu.dma_semaphore, #tpu.memory_space<semaphore_mem>>
      %dma_start3A = arith.constant 4096 : i32
      %dma_start3A_50 = tpu.memref_slice %arg15[%dma_start3A] : memref<6144xf32, #tpu.memory_space<vmem>> -> memref<1024xf32, #tpu.memory_space<vmem>>
      %dma_start3A_51 = tpu.memref_slice %arg6[%add3A_47] : memref<3145728xf32, #tpu.memory_space<hbm>> -> memref<1024xf32, #tpu.memory_space<hbm>>
      %dma_start3A_52 = tpu.memref_slice %arg6[%add3A_47] : memref<3145728xf32, #tpu.memory_space<hbm>> -> memref<1024xf32, #tpu.memory_space<hbm>>
      %dma_start3A_53 = arith.constant 4096 : i32
      %dma_start3A_54 = tpu.memref_slice %arg15[%dma_start3A_53] : memref<6144xf32, #tpu.memory_space<vmem>> -> memref<1024xf32, #tpu.memory_space<vmem>>
      tpu.enqueue_dma source(%dma_start3A_54 : memref<1024xf32, #tpu.memory_space<vmem>>) target(%dma_start3A_52 : memref<1024xf32, #tpu.memory_space<hbm>>) target_semaphore(%run_scoped3A : memref<!tpu.dma_semaphore, #tpu.memory_space<semaphore_mem>>)
      %dma_wait3A_55 = arith.constant 4096 : i32
      %dma_wait3A_56 = tpu.memref_slice %arg15[%dma_wait3A_55] : memref<6144xf32, #tpu.memory_space<vmem>> -> memref<1024xf32, #tpu.memory_space<vmem>>
      %dma_wait3A_57 = tpu.memref_slice %arg6[%add3A_47] : memref<3145728xf32, #tpu.memory_space<hbm>> -> memref<1024xf32, #tpu.memory_space<hbm>>
      %dma_wait3A_58 = tpu.memref_slice %arg6[%add3A_47] : memref<3145728xf32, #tpu.memory_space<hbm>> -> memref<1024xf32, #tpu.memory_space<hbm>>
      %dma_wait3A_59 = arith.constant 4096 : i32
      %dma_wait3A_60 = tpu.memref_slice %arg15[%dma_wait3A_59] : memref<6144xf32, #tpu.memory_space<vmem>> -> memref<1024xf32, #tpu.memory_space<vmem>>
      tpu.wait_dma2 semaphore(%run_scoped3A : memref<!tpu.dma_semaphore, #tpu.memory_space<semaphore_mem>>) src(%dma_wait3A_60 : memref<1024xf32, #tpu.memory_space<vmem>>) dst(%dma_wait3A_58 : memref<1024xf32, #tpu.memory_space<hbm>>)
      tpu.yield
    }) : () -> ()
    %add3A_48 = arith.constant 2097152 : i32
    %add3A_49 = arith.addi %add3A_48, %add3A_26 : i32
    "tpu.region"() ({
      %run_scoped3A = tpu.sem_alloc : memref<!tpu.dma_semaphore, #tpu.memory_space<semaphore_mem>>
      %dma_start3A = arith.constant 5120 : i32
      %dma_start3A_50 = tpu.memref_slice %arg15[%dma_start3A] : memref<6144xf32, #tpu.memory_space<vmem>> -> memref<1024xf32, #tpu.memory_space<vmem>>
      %dma_start3A_51 = tpu.memref_slice %arg6[%add3A_49] : memref<3145728xf32, #tpu.memory_space<hbm>> -> memref<1024xf32, #tpu.memory_space<hbm>>
      %dma_start3A_52 = tpu.memref_slice %arg6[%add3A_49] : memref<3145728xf32, #tpu.memory_space<hbm>> -> memref<1024xf32, #tpu.memory_space<hbm>>
      %dma_start3A_53 = arith.constant 5120 : i32
      %dma_start3A_54 = tpu.memref_slice %arg15[%dma_start3A_53] : memref<6144xf32, #tpu.memory_space<vmem>> -> memref<1024xf32, #tpu.memory_space<vmem>>
      tpu.enqueue_dma source(%dma_start3A_54 : memref<1024xf32, #tpu.memory_space<vmem>>) target(%dma_start3A_52 : memref<1024xf32, #tpu.memory_space<hbm>>) target_semaphore(%run_scoped3A : memref<!tpu.dma_semaphore, #tpu.memory_space<semaphore_mem>>)
      %dma_wait3A_55 = arith.constant 5120 : i32
      %dma_wait3A_56 = tpu.memref_slice %arg15[%dma_wait3A_55] : memref<6144xf32, #tpu.memory_space<vmem>> -> memref<1024xf32, #tpu.memory_space<vmem>>
      %dma_wait3A_57 = tpu.memref_slice %arg6[%add3A_49] : memref<3145728xf32, #tpu.memory_space<hbm>> -> memref<1024xf32, #tpu.memory_space<hbm>>
      %dma_wait3A_58 = tpu.memref_slice %arg6[%add3A_49] : memref<3145728xf32, #tpu.memory_space<hbm>> -> memref<1024xf32, #tpu.memory_space<hbm>>
      %dma_wait3A_59 = arith.constant 5120 : i32
      %dma_wait3A_60 = tpu.memref_slice %arg15[%dma_wait3A_59] : memref<6144xf32, #tpu.memory_space<vmem>> -> memref<1024xf32, #tpu.memory_space<vmem>>
      tpu.wait_dma2 semaphore(%run_scoped3A : memref<!tpu.dma_semaphore, #tpu.memory_space<semaphore_mem>>) src(%dma_wait3A_60 : memref<1024xf32, #tpu.memory_space<vmem>>) dst(%dma_wait3A_58 : memref<1024xf32, #tpu.memory_space<hbm>>)
      tpu.yield
    }) : () -> ()
    return
  }
}

</mosaic_0001>

<sc_bundles>
// kernel: kernel.3.cloned.1.call-start
scs
__scs_entry_jumppad:
0x0: {  	(pc) =	sbr.rel $0x88, $3  }
0x1: {  	(tag) =	ssettag $0x0;
	lr =	simm.s32 $0x1  }
0x2: {  	[smem:$0x3F9F] =	sst lr;
	_ =	strace $0xD0000000  }
0x3: {  	_ = 	snop  }
0x4: {  	_ = 	snop  }
0x5: {  	_ = 	snop  }
0x6: {  	_ = 	snop  }
0x7: {  	_ = 	snop  }
__scs_overlays_trampoline_lowered:
0x8: {  	[smem:$0x3FAE] =	sst s0  }
0x9: {  	[smem:$0x3FAF] =	sst s1  }
0xa: {  	[smem:$0x3FB0] =	sst s2  }
0xb: {  	[smem:$0x3FB1] =	sst s3  }
0xc: {  	[smem:$0x3FB2] =	sst s4  }
0xd: {  	[smem:$0x3FB3] =	sst s5  }
0xe: {  	[smem:$0x3FB4] =	sst s6  }
0xf: {  	[smem:$0x3FB5] =	sst s7  }
0x10: {  	[smem:$0x3FB6] =	sst s8  }
0x11: {  	[smem:$0x3FB7] =	sst s9;
	s0 =	simm.s32 @!p0 $0x0  }
0x12: {  	s1 =	sld [smem:$0x3F9D];
	s0 =	simm.s32 @p0 $0x1  }
0x13: {  	[smem:$0x3FB8] =	sst s0;
	s0 =	simm.s32 @!p1 $0x0  }
0x14: {  	s2 =	sld [smem:$0x3F9C];
	s0 =	simm.s32 @p1 $0x1  }
0x15: {  	[smem:$0x3FB9] =	sst s0;
	s0 =	simm.s32 @!p2 $0x0  }
0x16: {  	s3 =	sld [smem:$0x3FDB];
	s0 =	simm.s32 @p2 $0x1  }
0x17: {  	s4 =	simm.s32 $0x1BF5;
	[smem:$0x3FBB] =	sst s0  }
0x18: {  	s0 =	sld [smem:$0x3F9E];
	_ =	swait.ge [sflag:s4], $0x0  }
0x19: {  	s7 =	sld [smem:$0x3F9F]  }
0x1a: {  	s8 =	sadd.s32 $0xFFFFE003, lr  }
0x1b: {  	s9 =	sadd.s32 $0xFFFFFEF7, lr;
	s5 =	simm.s32 $0xFFFFFFFF;
	p2 =	slt.u32 s8, $0xFFFFF086  }
0x1c: {  	p1 =	slt.u32 s9, $0xF7A;
	s5 =	simm.s32 @!p2 $0x0  }
0x1d: {  	s5 =	simm.s32 @p1 $0x1;
	p0 =	seq.s32 s7, s2  }
0x1e: {  	s7 =	smul.u32 @!p0 $0xF7A, s2;
	p2 =	seq.s32 @!p0 s5, $0x0  }
0x1f: {  	s9 =	smul.u32 $0xF7A, s1;
	s8 =	simm.s32 @!p0 $0x1BF5;
	p2 =	por !p2, p0  }
0x20: {  	[sflag:s8] =	ssyncset.s32 @!p0 $0xFFFFF086;
	s6 =	sadd.s32 @!p0 s3, s7;
	s7 =	simm.s32 @!p0 $0x108  }
0x21: {  	s3 =	sadd.s32 s3, s9;
	s6 =	sadd.s32 @!p0 $0x88, s6;
	s7 =	simm.s32 @p2 $0x1082  }
0x22: {  	[simem:s7], [sflag:s8] =	dma.local @!p0 [hbm:s6], $0xF7A  }
0x23: {  	s9 =	sor.u32 $0xD0000000, s2;
	s6 =	simm.s32 $0x108;
	_ =	swait.ge @!p0 [sflag:s8], $0x0  }
0x24: {  	s3 =	sadd.s32 $0x88, s3;
	s6 =	simm.s32 @!p1 $0x1082;
	[sflag:s4] =	ssyncset.s32 $0xFFFFF086  }
0x25: {  	[simem:s6], [sflag:s4] =	dma.local [hbm:s3], $0xF7A  }
0x26: {  	[smem:$0x3F9F] =	sst s1;
	(tag) =	ssettag s2;
	_ =	strace s9  }
0x27: {  	s1 =	sld [smem:$0x3FAF]  }
0x28: {  	s2 =	sld [smem:$0x3FB0]  }
0x29: {  	s4 =	sld [smem:$0x3FB2]  }
0x2a: {  	p0 =	seq.s32 s5, $0x0;
	s5 =	sld [smem:$0x3FB3]  }
0x2b: {  	s6 =	sld [smem:$0x3FB4]  }
0x2c: {  	s7 =	sld [smem:$0x3FB5]  }
0x2d: {  	s3 =	simm.s32 $0x108;
	s8 =	sld [smem:$0x3FB6]  }
0x2e: {  	s3 =	simm.s32 @!p0 $0x1082;
	s9 =	sld [smem:$0x3FB7]  }
0x2f: {  	lr =	sadd.s32 s0, s3;
	s0 =	sld [smem:$0x3FAE]  }
0x30: {  	s3 =	sld [smem:$0x3FB1]  }
0x31: {  	[smem:$0x3FBA] =	sst s10  }
0x32: {  	s10 =	sld [smem:$0x3FB8];
	_ =	sdelay $0x3  }
0x33: {  	p0 =	seq.s32 s10, $0x1;
	s10 =	sld [smem:$0x3FBA];
	_ =	sdelay $0x3  }
0x34: {  	[smem:$0x3FBA] =	sst s10  }
0x35: {  	s10 =	sld [smem:$0x3FB9];
	_ =	sdelay $0x3  }
0x36: {  	p1 =	seq.s32 s10, $0x1;
	s10 =	sld [smem:$0x3FBA];
	_ =	sdelay $0x3  }
0x37: {  	[smem:$0x3FBA] =	sst s10  }
0x38: {  	s10 =	sld [smem:$0x3FBB]  }
0x39: {  	_ = 	snop;
	(pc) =	sbr.ind lr, $3  }
0x3a: {  	_ = 	snop  }
0x3b: {  	_ = 	snop  }
0x3c: {  	p2 =	seq.s32 s10, $0x1;
	s10 =	sld [smem:$0x3FBA]  }
0x3d: {  	_ =	shalt  }
0x3e: {  	_ =	shalt  }
0x3f: {  	_ =	shalt  }
0x40: {  	_ =	shalt  }
0x41: {  	_ =	shalt  }
0x42: {  	_ =	shalt  }
0x43: {  	_ =	shalt  }
0x44: {  	_ =	shalt  }
0x45: {  	_ =	shalt  }
0x46: {  	_ =	shalt  }
0x47: {  	_ =	shalt  }
0x48: {  	_ =	shalt  }
0x49: {  	_ =	shalt  }
0x4a: {  	_ =	shalt  }
0x4b: {  	_ =	shalt  }
0x4c: {  	_ =	shalt  }
0x4d: {  	_ =	shalt  }
0x4e: {  	_ =	shalt  }
0x4f: {  	_ =	shalt  }
0x50: {  	_ =	shalt  }
0x51: {  	_ =	shalt  }
0x52: {  	_ =	shalt  }
0x53: {  	_ =	shalt  }
0x54: {  	_ =	shalt  }
0x55: {  	_ =	shalt  }
0x56: {  	_ =	shalt  }
0x57: {  	_ =	shalt  }
0x58: {  	_ =	shalt  }
0x59: {  	_ =	shalt  }
0x5a: {  	_ =	shalt  }
0x5b: {  	_ =	shalt  }
0x5c: {  	_ =	shalt  }
0x5d: {  	_ =	shalt  }
0x5e: {  	_ =	shalt  }
0x5f: {  	_ =	shalt  }
0x60: {  	_ =	shalt  }
0x61: {  	_ =	shalt  }
0x62: {  	_ =	shalt  }
0x63: {  	_ =	shalt  }
0x64: {  	_ =	shalt  }
0x65: {  	_ =	shalt  }
0x66: {  	_ =	shalt  }
0x67: {  	_ =	shalt  }
0x68: {  	_ =	shalt  }
0x69: {  	_ =	shalt  }
0x6a: {  	_ =	shalt  }
0x6b: {  	_ =	shalt  }
0x6c: {  	_ =	shalt  }
0x6d: {  	_ =	shalt  }
0x6e: {  	_ =	shalt  }
0x6f: {  	_ =	shalt  }
0x70: {  	_ =	shalt  }
0x71: {  	_ =	shalt  }
0x72: {  	_ =	shalt  }
0x73: {  	_ =	shalt  }
0x74: {  	_ =	shalt  }
0x75: {  	_ =	shalt  }
0x76: {  	_ =	shalt  }
0x77: {  	_ =	shalt  }
0x78: {  	_ =	shalt  }
0x79: {  	_ =	shalt  }
0x7a: {  	_ =	shalt  }
0x7b: {  	_ =	shalt  }
0x7c: {  	_ =	shalt  }
0x7d: {  	_ =	shalt  }
0x7e: {  	_ =	shalt  }
0x7f: {  	_ =	shalt  }
0x80: {  	_ =	shalt  }
0x81: {  	_ =	shalt  }
0x82: {  	_ =	shalt  }
0x83: {  	_ =	shalt  }
0x84: {  	_ =	shalt  }
0x85: {  	_ =	shalt  }
0x86: {  	_ =	shalt  }
0x87: {  	_ =	shalt  }
.Lfunc_end0:
.L_simem_size_0:
called_computation_lowered:
.L_overlay_start_0:
0x88: {  	s2 =	sld [smem:$0x3FD9]  }
0x89: {  	s3 =	sld [smem:$0x3FFE];
	_ =	sdelay $0x1  }
0x8a: {  	s1 =	srdreg.scid  }
0x8b: {  	s0 =	sand.u32 $0x1, s1  }
0x8c: {  	s17 =	sshll.u32 s0, $0xA;
	s2 =	sadd.s32 s3, s2  }
0x8d: {  	s2 =	sadd.s32 s2, s17  }
0x8e: {  	[smem:$0x3FC6] =	sst s2  }
0x8f: {  	_ = 	snop  }
0x90: {  	s2 =	sld [smem:$0x3FC8]  }
0x91: {  	s18 =	sld [smem:$0x3FD0];
	(tm) =	ssettm $0x1  }
0x92: {  	s4 =	sld [smem:$0x3FFB];
	_ =	sdelay $0x3  }
0x93: {  	_ =	strace s4  }
0x94: {  	s4 =	sld [smem:$0x3FFC];
	_ =	sdelay $0x3  }
0x95: {  	_ =	strace s4  }
0x96: {  	s4 =	sld [smem:$0x3FFD];
	_ =	sdelay $0x3  }
0x97: {  	_ =	strace s4  }
0x98: {  	_ =	strace $0x8FFFFFFF  }
0x99: {  	s19 =	sld [smem:$0x3FDB];
	_ =	sdelay $0x1  }
0x9a: {  	s5 =	simm.s32 $_scs_section_size  }
0x9b: {  	s6 =	simm.s32 $_size__tile_overlayer_lowered;
	s7 =	simm.s32 $_tile_overlayer_lowered  }
0x9c: {  	s22 =	simm.s32 $0x1BFF;
	s21 =	sshll.u32 s7, $0x1;
	s4 =	sadd.s32 s5, s19  }
0x9d: {  	s8 =	simm.s32 $0x0;
	s20 =	sshll.u32 s6, $0x1;
	s6 =	sadd.s32 s21, s4  }
0x9e: {  	[timem:s8], [sflag:s22] =	dma.local [hbm:s6], s20  }
0x9f: {  	_ =	swait.ge [sflag:s22], s20  }
0xa0: {  	s5 =	ssub.s32 $0x0, s20;
	[sflag:s22] =	ssyncset.done $0x0  }
0xa1: {  	[sflag:s22] =	ssyncadd.s32 s5;
	_ =	sdelay $0x1  }
0xa2: {  	s23 =	simm.s32 $0x1B8B  }
0xa3: {  	_ =	swait.ge [sflag:s23], $0x1  }
0xa4: {  	[sflag:s23] =	ssyncset.done $0x0  }
0xa5: {  	s25 =	simm.s32 $0x1B8E;
	s24 =	sld [smem:$0x3FFE];
	[sflag:s23] =	ssyncadd.s32 $0xFFFFFFFF  }
0xa6: {  	s26 =	simm.s32 $execute0_lowered;
	[smem:$0x3FD2] =	sst s25  }
0xa7: {  	s6 =	sshll.u32 s26, $0x1;
	_ =	strace $0x80000046;
	[dreg:$0x1] =	wrdreg $0xFFFFFFFF  }
0xa8: {  	s28 =	simm.s32 $_size_execute0_lowered;
	s4 =	sadd.s32 s4, s6;
	[dreg:$0x0] =	wrdreg $0x0  }
0xa9: {  	s6 =	sshll.u32 s28, $0x1;
	[dreg:$0x2] =	wrdreg s4  }
0xaa: {  	[dreg:$0x3] =	wrdreg s6  }
0xab: {  	[dreg:$0x4] =	wrdreg $0xC0  }
0xac: {  	_ =	task [dreg:s8], $0x5FFFF  }
0xad: {  	[dreg:$0x1] =	wrdreg $0xFFFFFFFF  }
0xae: {  	[dreg:$0x0] =	wrdreg $0x60  }
0xaf: {  	[dreg:$0x2] =	wrdreg s24  }
0xb0: {  	[dreg:$0x3] =	wrdreg s18  }
0xb1: {  	[dreg:$0x4] =	wrdreg s2  }
0xb2: {  	[dreg:$0x5] =	wrdreg $0x9  }
0xb3: {  	_ =	task.clear_ibuf [dreg:s8], $0x6FFFF;
	_ =	strace $0x90000046  }
0xb4: {  	s29 =	simm.s32 $0x9;
	_ =	strace $0x80000048  }
0xb5: {  	_ =	swait.ge [sflag:s29], $0x1  }
0xb6: {  	[sflag:s29] =	ssyncadd.s32 $0xFFFFFFFF  }
0xb7: {  	_ =	strace $0x90000048  }
0xb8: {  	_ =	sfence  }
0xb9: {  	s30 =	sld [smem:$0x0];
	_ =	sdelay $0x2  }
0xba: {  	s31 =	sshll.u32 s1, $0xD;
	s1 =	sshrl.u32 s1, $0x2  }
0xbb: {  	s3 =	sand.u32 $0x4000, s31;
	s1 =	sadd.s32 s1, s30  }
0xbc: {  	s0 =	sor.u32 s3, s0;
	s1 =	sshll.u32 s1, $0x11  }
0xbd: {  	s0 =	sor.u32 s1, s0  }
0xbe: {  	s0 =	sadd.s32 $0x8F2B, s0  }
0xbf: {  	[sflag:s0] =	ssyncadd.remote.s32 $0x1  }
0xc0: {  	_ =	sfence.sel $0xFFFF  }
0xc1: {  	[dreg:$0x0] =	wrdreg $0xFFFFFFFF;
	(pc) =	sbr.abs _section_cstart, $3  }
0xc2: {  	[dreg:$0x1] =	wrdreg $0xFFFFFFFF  }
0xc3: {  	_ =	task.clear_ibuf [dreg:s8], $0x2FFFF;
	_ =	strace $0x9FFFFFFF  }
0xc4: {  	(tm) =	ssettm $0x7FFFFFFF  }
0xc5: {  	_ =	shalt  }
tec
execute0_lowered:
.L_overlay_start_1:
0x0: {  	(tag) =	ssettag $0x1  }
0x1: {  	s0 =	rddreg [dreg:$0x0]  }
0x2: {  	s4 =	rddreg [dreg:$0x1]  }
0x3: {  	s2 =	rddreg [dreg:$0x2]  }
0x4: {  	s6 =	simm.s32 $0x0;
	s1 =	srdreg.scid;
	s3 =	stileid.u32  }
0x5: {  	[smem:$0x7FF] =	sst s6;
	s1 =	sand.u32 $0x1, s1;
	s7 =	sadd.s32 $0x20600, s0  }
0x6: {  	s9 =	sadd.s32 $0x600, s0;
	_ =	strace $0x80000047;
	[dreg:$0x14] =	wrdreg s7  }
0x7: {  	s3 =	sshll.u32 s3, $0x10;
	s10 =	sadd.s32 $0x40600, s0;
	[dreg:$0x16] =	wrdreg s9  }
0x8: {  	s26 =	sadd.s32 $0x60600, s0;
	s5 =	sshll.u32 s1, $0xF;
	[dreg:$0x17] =	wrdreg s10  }
0x9: {  	s0 =	sadd.s32 $0x80600, s0;
	[dreg:$0x1b] =	wrdreg s26;
	s8 =	sor.u32 s5, s3  }
0xa: {  	[dreg:$0x1c] =	wrdreg s0;
	s5 =	sshrl.u32 s8, $0x3  }
0xb: {  	s1 =	ssub.s32 $0x2, s1;
	[dreg:$0x15] =	wrdreg s8;
	s22 =	sadd.s32 s7, s5  }
0xc: {  	s21 =	sshrl.u32 s1, $0x1;
	s23 =	sadd.s32 s9, s5;
	[dreg:$0x18] =	wrdreg s22  }
0xd: {  	s1 =	ssub.s32 s1, s21;
	s24 =	sadd.s32 s4, s5;
	[dreg:$0x19] =	wrdreg s23  }
0xe: {  	s25 =	sadd.s32 s5, s10;
	s31 =	smax.u32 s1, $0x1;
	[dreg:$0x1a] =	wrdreg s24  }
0xf: {  	s28 =	sadd.s32 $0xF80, s25;
	[smem:$0x7FD] =	sst s31  }
0x10: {  	s29 =	sadd.s32 $0x20F80, s25;
	[dreg:$0x1d] =	wrdreg s28  }
0x11: {  	s21 =	simm.s32 $0x80;
	s30 =	sadd.s32 $0x40F80, s25;
	[dreg:$0x1e] =	wrdreg s29  }
0x12: {  	s4 =	simm.s32 $0x3;
	s1 =	simm.s32 $0x0;
	[dreg:$0x1f] =	wrdreg s30  }
.LBB2_1:
0x13: {  	[smem:$0x7FC] =	sst s1  }
0x14: {  	s0 =	rddreg [dreg:$0x18]  }
0x15: {  	[tilespmem:s6], [sflag:$0x3] =	stream.linear.gather [hbm4b:s0+s6], $0x400, $0x38;
	[tilespmem:$0x1C800] =	vst v63  }
0x16: {  	_ =	swait.ge [sflag:s4], $0x400  }
0x17: {  	[sflag:s4] =	ssyncset.done $0x0  }
0x18: {  	s29 =	simm.s32 $0x800;
	s28 =	rddreg [dreg:$0x19];
	[sflag:s4] =	ssyncadd.s32 $0xFFFFFC00  }
0x19: {  	[tilespmem:s29], [sflag:$0x3] =	stream.linear.gather [hbm4b:s28+s6], $0x400, $0x38;
	[tilespmem:$0x1C800] =	vst v63  }
0x1a: {  	_ =	swait.ge [sflag:s4], $0x400  }
0x1b: {  	[sflag:s4] =	ssyncset.done $0x0  }
0x1c: {  	s31 =	simm.s32 $0x1000;
	s30 =	rddreg [dreg:$0x1a];
	[sflag:s4] =	ssyncadd.s32 $0xFFFFFC00  }
0x1d: {  	[tilespmem:s31], [sflag:$0x3] =	stream.linear.gather [hbm4b:s30+s6], $0x400, $0x38;
	[tilespmem:$0x1C800] =	vst v63  }
0x1e: {  	_ =	swait.ge [sflag:s4], $0x400  }
0x1f: {  	[sflag:s4] =	ssyncset.done $0x0  }
0x20: {  	s11 =	simm.s32 $0x0;
	[sflag:s4] =	ssyncadd.s32 $0xFFFFFC00  }
0x21: {  	v0 =	vld [tilespmem:s11+$0x800]  }
0x22: {  	v1 =	vld [tilespmem:s11+$0x0]  }
0x23: {  	v2 =	vld [tilespmem:s11+$0x1000];
	_ =	sdelay $0x2  }
0x24: {  	v0 =	vmul.f32 $1.280000000e+02, v0  }
0x25: {  	v1 =	vmul.f32 $1.280000000e+02, v1  }
0x26: {  	v2 =	vmul.f32 $1.280000000e+02, v2;
	v0 =	vadd.f32 $-5.000000000e-01, v0  }
0x27: {  	v1 =	vadd.f32 $-5.000000000e-01, v1  }
0x28: {  	v2 =	vadd.f32 $-5.000000000e-01, v2;
	v0 =	vmax.f32 v0, $0.0e+00  }
0x29: {  	v1 =	vmax.f32 v1, $0.0e+00;
	v5 =	vmin.f32 v0, $1.270000000e+02  }
0x2a: {  	v3 =	vmin.f32 v1, $1.270000000e+02;
	v1 =	vmax.f32 v2, $0.0e+00;
	v0 =	vtrunc.f32 v5  }
0x2b: {  	v2 =	vtrunc.f32 v3;
	v4 =	vmin.f32 v1, $1.270000000e+02;
	v8 =	vcvt.f32.s32 v0  }
0x2c: {  	v0 =	vcvt.f32.s32 v2;
	v1 =	vtrunc.f32 v4  }
0x2d: {  	v2 =	vcvt.f32.s32 v1;
	v9 =	vcvt.s32.f32 v8;
	v7 =	vadd.s32 $0x1, v8  }
0x2e: {  	s10 =	simm.s32 $0x0;
	v6 =	vcvt.s32.f32 v0;
	v1 =	vshll.u32 v8, $0x7;
	vm0 =	vlt.s32 v7, $0x7F  }
0x2f: {  	s3 =	simm.s32 $0x0;
	s9 =	simm.s32 $0x0;
	s0 =	simm.s32 $0x40;
	v8 =	vsub.f32 v5, v9;
	v9 =	vcvt.s32.f32 v2;
	v5 =	vshll.u32 v2, $0xE  }
.LBB2_2:
0x30: {  	p0 =	sne.s32 s0, $0xFC0  }
0x31: {  	v10 =	vadd.s32 $0x1, v0;
	v7 =	vnsel vm0, $0x7F, v7;
	v11 =	vadd.s32 v1, v5;
	s10 =	sadd.s32 $0x10, s10;
	s1 =	smov.u32 s0;
	s0 =	sadd.s32 $0x40, s0  }
0x32: {  	vm0 =	vlt.s32 v10, $0x7F;
	v7 =	vshll.u32 v7, $0x7;
	v12 =	vadd.s32 v0, v11  }
0x33: {  	v10 =	vnsel vm0, $0x7F, v10;
	v5 =	vadd.s32 v5, v7  }
0x34: {  	v4 =	vsub.f32 v4, v9  }
0x35: {  	v3 =	vsub.f32 v3, v6;
	s5 =	sshrl.u32 s3, $0x2;
	s3 =	smov.u32 s1;
	[tilespmem:s11+$0x2000] =	vst v8  }
0x36: {  	s1 =	sand.u32 $0x70, s9;
	s5 =	sand.u32 $0x380, s5;
	s9 =	smov.u32 s10;
	[tilespmem:s11+$0x2800] =	vst v4  }
0x37: {  	s1 =	sor.u32 s1, s5;
	v4 =	vadd.s32 $0x400000, v12;
	[tilespmem:s11+$0x1800] =	vst v3;
	v3 =	vadd.s32 v10, v11  }
0x38: {  	[tilespmem:s1+$0x7000] =	vst v4;
	v4 =	vadd.s32 $0x400000, v3  }
0x39: {  	[tilespmem:s1+$0x7400] =	vst v4  }
0x3a: {  	v4 =	vadd.s32 v0, v5;
	[tilespmem:s1+$0x3400] =	vst v3  }
0x3b: {  	v2 =	vadd.s32 $0x1, v2;
	v6 =	vadd.s32 $0x200000, v4;
	[tilespmem:s1+$0x3800] =	vst v4  }
0x3c: {  	vm0 =	vlt.s32 v2, $0x7F;
	v4 =	vadd.s32 $0x400000, v4;
	[tilespmem:s1+$0x5800] =	vst v6  }
0x3d: {  	v2 =	vnsel vm0, $0x7F, v2;
	v5 =	vadd.s32 v10, v5;
	[tilespmem:s1+$0x7800] =	vst v4  }
0x3e: {  	v2 =	vshll.u32 v2, $0xE;
	v4 =	vadd.s32 $0x200000, v5;
	[tilespmem:s1+$0x3C00] =	vst v5  }
0x3f: {  	v1 =	vadd.s32 v1, v2;
	v2 =	vadd.s32 v7, v2;
	[tilespmem:s1+$0x5C00] =	vst v4;
	v4 =	vadd.s32 $0x400000, v5  }
0x40: {  	v5 =	vadd.s32 v0, v1;
	v0 =	vadd.s32 v0, v2;
	v2 =	vadd.s32 v10, v2;
	[tilespmem:s1+$0x7C00] =	vst v4  }
0x41: {  	v4 =	vadd.s32 $0x200000, v0;
	v6 =	vadd.s32 $0x400000, v0;
	v7 =	vadd.s32 $0x200000, v2;
	[tilespmem:s1+$0x4000] =	vst v5  }
0x42: {  	v8 =	vadd.s32 $0x200000, v12;
	v9 =	vadd.s32 $0x400000, v2;
	[tilespmem:s1+$0x3000] =	vst v12  }
0x43: {  	v3 =	vadd.s32 $0x200000, v3;
	[tilespmem:s1+$0x5000] =	vst v8  }
0x44: {  	[tilespmem:s1+$0x5400] =	vst v3;
	v3 =	vadd.s32 $0x200000, v5  }
0x45: {  	[tilespmem:s1+$0x6000] =	vst v3;
	v3 =	vadd.s32 $0x400000, v5  }
0x46: {  	v1 =	vadd.s32 v10, v1;
	[tilespmem:s1+$0x8000] =	vst v3  }
0x47: {  	v3 =	vadd.s32 $0x200000, v1;
	[tilespmem:s1+$0x4400] =	vst v1  }
0x48: {  	v1 =	vadd.s32 $0x400000, v1;
	[tilespmem:s1+$0x6400] =	vst v3  }
0x49: {  	[tilespmem:s1+$0x8400] =	vst v1  }
0x4a: {  	[tilespmem:s1+$0x6800] =	vst v4  }
0x4b: {  	s11 =	sshra.s32 s3, $0x2;
	[tilespmem:s1+$0x8800] =	vst v6  }
0x4c: {  	[tilespmem:s1+$0x4800] =	vst v0  }
0x4d: {  	[tilespmem:s1+$0x4C00] =	vst v2  }
0x4e: {  	[tilespmem:s1+$0x8C00] =	vst v9  }
0x4f: {  	[tilespmem:s1+$0x6C00] =	vst v7  }
0x50: {  	v0 =	vld [tilespmem:s11+$0x800]  }
0x51: {  	v1 =	vld [tilespmem:s11+$0x0]  }
0x52: {  	v2 =	vld [tilespmem:s11+$0x1000];
	_ =	sdelay $0x2  }
0x53: {  	v0 =	vmul.f32 $1.280000000e+02, v0  }
0x54: {  	v1 =	vmul.f32 $1.280000000e+02, v1  }
0x55: {  	v0 =	vadd.f32 $-5.000000000e-01, v0;
	v2 =	vmul.f32 $1.280000000e+02, v2  }
0x56: {  	v1 =	vadd.f32 $-5.000000000e-01, v1  }
0x57: {  	v0 =	vmax.f32 v0, $0.0e+00;
	v2 =	vadd.f32 $-5.000000000e-01, v2  }
0x58: {  	v1 =	vmax.f32 v1, $0.0e+00;
	v5 =	vmin.f32 v0, $1.270000000e+02  }
0x59: {  	v3 =	vmin.f32 v1, $1.270000000e+02;
	v0 =	vtrunc.f32 v5;
	v1 =	vmax.f32 v2, $0.0e+00  }
.Ltmp0:
0x5a: {  	v2 =	vtrunc.f32 v3;
	v8 =	vcvt.f32.s32 v0;
	v4 =	vmin.f32 v1, $1.270000000e+02;
	(pc) =	sbr.rel @p0 .LBB2_2-.Ltmp0, $4  }
0x5b: {  	v0 =	vcvt.f32.s32 v2;
	v1 =	vtrunc.f32 v4  }
0x5c: {  	v9 =	vcvt.s32.f32 v8;
	v2 =	vcvt.f32.s32 v1;
	v7 =	vadd.s32 $0x1, v8  }
0x5d: {  	v1 =	vshll.u32 v8, $0x7;
	v6 =	vcvt.s32.f32 v0;
	vm0 =	vlt.s32 v7, $0x7F  }
0x5e: {  	s5 =	simm.s32 $0x0;
	v8 =	vsub.f32 v5, v9;
	v9 =	vcvt.s32.f32 v2;
	v5 =	vshll.u32 v2, $0xE  }
0x5f: {  	v3 =	vsub.f32 v3, v6  }
0x60: {  	v10 =	vadd.s32 $0x1, v0;
	v42 =	vadd.s32 v1, v5;
	s0 =	sshrl.u32 s3, $0x2;
	v4 =	vsub.f32 v4, v9;
	[tilespmem:s11+$0x2000] =	vst v8  }
0x61: {  	s1 =	sand.u32 $0x70, s9;
	vm1 =	vlt.s32 v10, $0x7F;
	v44 =	vadd.s32 v0, v42;
	s0 =	sand.u32 $0x380, s0;
	[tilespmem:s11+$0x1800] =	vst v3  }
0x62: {  	v43 =	vnsel vm1, $0x7F, v10;
	s0 =	sor.u32 s1, s0;
	v47 =	vadd.s32 $0x400000, v44;
	[tilespmem:s11+$0x2800] =	vst v4  }
0x63: {  	v46 =	vadd.s32 v43, v42;
	[tilespmem:s0+$0x7000] =	vst v47  }
0x64: {  	[tilespmem:s0+$0x3400] =	vst v46  }
0x65: {  	v45 =	vnsel vm0, $0x7F, v7;
	v2 =	vadd.s32 $0x1, v2;
	v55 =	vadd.s32 $0x200000, v44;
	[tilespmem:s0+$0x3000] =	vst v44  }
0x66: {  	vm15 =	vlt.s32 v2, $0x7F;
	v4 =	vshll.u32 v45, $0x7;
	v48 =	vadd.s32 $0x400000, v46;
	[tilespmem:s0+$0x5000] =	vst v55  }
0x67: {  	v2 =	vnsel vm15, $0x7F, v2;
	v49 =	vadd.s32 v5, v4;
	v3 =	vadd.s32 $0x200000, v46;
	[tilespmem:s0+$0x7400] =	vst v48  }
0x68: {  	v2 =	vshll.u32 v2, $0xE;
	v50 =	vadd.s32 v0, v49;
	[tilespmem:s0+$0x5400] =	vst v3  }
0x69: {  	v53 =	vadd.s32 v1, v2;
	v5 =	vadd.s32 v43, v49;
	[tilespmem:s0+$0x3800] =	vst v50  }
0x6a: {  	v54 =	vadd.s32 v0, v53;
	[tilespmem:s0+$0x3C00] =	vst v5  }
0x6b: {  	v2 =	vadd.s32 v4, v2;
	v1 =	vadd.s32 v43, v53;
	[tilespmem:s0+$0x4000] =	vst v54  }
0x6c: {  	v59 =	vadd.s32 v0, v2;
	[tilespmem:s0+$0x4400] =	vst v1  }
0x6d: {  	v62 =	vadd.s32 v43, v2;
	[tilespmem:s0+$0x4800] =	vst v59  }
0x6e: {  	v51 =	vadd.s32 $0x200000, v50;
	[tilespmem:s0+$0x4C00] =	vst v62  }
0x6f: {  	v7 =	vadd.s32 $0x400000, v50;
	[tilespmem:s0+$0x5800] =	vst v51  }
0x70: {  	v52 =	vadd.s32 $0x200000, v5;
	[tilespmem:s0+$0x7800] =	vst v7  }
0x71: {  	v5 =	vadd.s32 $0x400000, v5;
	[tilespmem:s0+$0x5C00] =	vst v52  }
0x72: {  	v56 =	vadd.s32 $0x200000, v54;
	[tilespmem:s0+$0x7C00] =	vst v5  }
0x73: {  	v57 =	vadd.s32 $0x400000, v54;
	[tilespmem:s0+$0x6000] =	vst v56  }
0x74: {  	v58 =	vadd.s32 $0x200000, v1;
	[tilespmem:s0+$0x8000] =	vst v57  }
0x75: {  	v1 =	vadd.s32 $0x400000, v1;
	[tilespmem:s0+$0x6400] =	vst v58  }
0x76: {  	v60 =	vadd.s32 $0x200000, v59;
	[tilespmem:s0+$0x8400] =	vst v1  }
0x77: {  	v61 =	vadd.s32 $0x400000, v59;
	[tilespmem:s0+$0x6800] =	vst v60  }
0x78: {  	v63 =	vadd.s32 $0x400000, v62;
	[tilespmem:s0+$0x8800] =	vst v61  }
0x79: {  	v1 =	vadd.s32 $0x200000, v62;
	[tilespmem:s0+$0x8C00] =	vst v63  }
0x7a: {  	[tilespmem:s0+$0x6C00] =	vst v1;
	s0 =	simm.s32 $0x0  }
.LBB2_4:
0x7b: {  	p0 =	sne.s32 s0, $0x17E00  }
.Ltmp1:
0x7c: {  	_ = 	snop;
	(pc) =	sbr.rel @p0 .LBB2_4-.Ltmp1, $4  }
0x7d: {  	_ = 	snop  }
0x7e: {  	s1 =	sshra.s32 s0, $0x2  }
0x7f: {  	s0 =	sadd.s32 $0x200, s0;
	s3 =	sadd.s32 $0xF000, s1;
	s1 =	sadd.s32 $0x3000, s1  }
0x80: {  	[tilespmem:s3], [sflag:$0x1] =	stream.indirect.gather [hbm4b:s2+s21], $0x1, s1, s21, $0xb8;
	[tilespmem:$0x1C800] =	vst v63  }
0x81: {  	s28 =	simm.s32 $0x400;
	p0 =	por $0x1, $0x1;
	s29 =	simm.s32 $0x0  }
.LBB2_6:
0x82: {  	s3 =	sadd.s32 $0x1, s5  }
0x83: {  	[smem:$0x7F9] =	sst s5;
	s0 =	sshll.u32 s3, $0xA  }
0x84: {  	s26 =	rddreg [dreg:$0x14];
	s1 =	sadd.s32 s8, s0  }
0x85: {  	[smem:$0x7FA] =	sst s3;
	s6 =	sand.u32 $0x1, s3;
	s24 =	sshrl.u32 s1, $0x3  }
0x86: {  	s25 =	sshll.u32 s6, $0xA;
	s1 =	simm.s32 $0x0;
	s7 =	sadd.s32 s26, s24  }
0x87: {  	[tilespmem:s25], [sflag:$0x3] =	stream.linear.gather [hbm4b:s7+s1], $0x400, $0x38;
	[tilespmem:$0x1C800] =	vst v63  }
0x88: {  	_ =	swait.ge [sflag:s4], $0x400  }
0x89: {  	[sflag:s4] =	ssyncset.done $0x0;
	s31 =	rddreg [dreg:$0x16]  }
0x8a: {  	s30 =	sor.u32 $0x800, s25;
	[sflag:s4] =	ssyncadd.s32 $0xFFFFFC00;
	s0 =	sadd.s32 s31, s24  }
0x8b: {  	[tilespmem:s30], [sflag:$0x3] =	stream.linear.gather [hbm4b:s0+s1], $0x400, $0x38;
	[tilespmem:$0x1C800] =	vst v63  }
0x8c: {  	_ =	swait.ge [sflag:s4], $0x400  }
0x8d: {  	[sflag:s4] =	ssyncset.done $0x0  }
0x8e: {  	s20 =	smul.u32 $0xC0, s6;
	[sflag:s4] =	ssyncadd.s32 $0xFFFFFC00  }
0x8f: {  	s5 =	sor.u32 $0x1000, s25;
	s8 =	rddreg [dreg:$0x1]  }
0x90: {  	s9 =	sadd.s32 $0x40, s20;
	[smem:$0x7FB] =	sst s6;
	s3 =	sadd.s32 s8, s24  }
0x91: {  	[tilespmem:s5], [sflag:$0x3] =	stream.linear.gather [hbm4b:s3+s1], $0x400, $0x38;
	[tilespmem:$0x1C800] =	vst v63  }
0x92: {  	s10 =	sadd.s32 $0x80, s20;
	_ =	swait.ge [sflag:s4], $0x400;
	[dreg:$0x4] =	wrdreg s9  }
0x93: {  	s11 =	sadd.s32 $0x48, s20;
	[dreg:$0x5] =	wrdreg s10  }
0x94: {  	s12 =	sadd.s32 $0x88, s20;
	[dreg:$0x6] =	wrdreg s11  }
0x95: {  	s13 =	sadd.s32 $0x50, s20;
	[dreg:$0x7] =	wrdreg s12  }
0x96: {  	s14 =	sadd.s32 $0x90, s20;
	[dreg:$0x8] =	wrdreg s13  }
0x97: {  	s15 =	sadd.s32 $0x58, s20;
	[dreg:$0x9] =	wrdreg s14  }
0x98: {  	s16 =	sadd.s32 $0x98, s20;
	[dreg:$0xa] =	wrdreg s15  }
0x99: {  	s17 =	sadd.s32 $0x60, s20;
	[dreg:$0xb] =	wrdreg s16  }
0x9a: {  	s18 =	sadd.s32 $0xA0, s20;
	[dreg:$0xc] =	wrdreg s17  }
0x9b: {  	s19 =	sadd.s32 $0x68, s20;
	[dreg:$0xd] =	wrdreg s18  }
0x9c: {  	s22 =	sadd.s32 $0xA8, s20;
	[dreg:$0xe] =	wrdreg s19  }
0x9d: {  	s23 =	sadd.s32 $0x70, s20;
	[dreg:$0xf] =	wrdreg s22  }
0x9e: {  	s24 =	sadd.s32 $0xB0, s20;
	[dreg:$0x10] =	wrdreg s23  }
0x9f: {  	s25 =	sadd.s32 $0x78, s20;
	s30 =	sadd.s32 $0x0, s28;
	[dreg:$0x11] =	wrdreg s24  }
0xa0: {  	s26 =	sadd.s32 $0xB8, s20;
	s31 =	sand.u32 $0x780, s30;
	[dreg:$0x12] =	wrdreg s25  }
0xa1: {  	[dreg:$0x13] =	wrdreg s26;
	s10 =	sand.u32 $0x70, s1;
	[sflag:s4] =	ssyncset.done $0x0  }
0xa2: {  	s13 =	sor.u32 s10, s31;
	s11 =	rddreg [dreg:$0x13];
	[sflag:s4] =	ssyncadd.s32 $0xFFFFFC00  }
0xa3: {  	s14 =	rddreg [dreg:$0x11];
	v0 =	vld [tilespmem:s13+$0x1000]  }
0xa4: {  	s15 =	rddreg [dreg:$0x12];
	v1 =	vld [tilespmem:s13+$0x0]  }
0xa5: {  	s7 =	rddreg [dreg:$0xd];
	v2 =	vld [tilespmem:s13+$0x800]  }
0xa6: {  	s8 =	rddreg [dreg:$0xb]  }
0xa7: {  	s12 =	rddreg [dreg:$0x8]  }
0xa8: {  	s16 =	rddreg [dreg:$0x6];
	v0 =	vmul.f32 $1.280000000e+02, v0  }
0xa9: {  	s22 =	rddreg [dreg:$0xf];
	v1 =	vmul.f32 $1.280000000e+02, v1  }
0xaa: {  	s9 =	rddreg [dreg:$0xc];
	v2 =	vmul.f32 $1.280000000e+02, v2;
	v0 =	vadd.f32 $-5.000000000e-01, v0  }
0xab: {  	s17 =	rddreg [dreg:$0xa];
	v1 =	vadd.f32 $-5.000000000e-01, v1  }
0xac: {  	s25 =	rddreg [dreg:$0x9];
	v2 =	vadd.f32 $-5.000000000e-01, v2;
	v0 =	vmax.f32 v0, $0.0e+00  }
0xad: {  	s30 =	sadd.s32 $0x0, s20;
	s0 =	rddreg [dreg:$0x10];
	v1 =	vmax.f32 v1, $0.0e+00;
	v3 =	vmin.f32 v0, $1.270000000e+02  }
0xae: {  	s30 =	sshll.u32 s30, $0x7;
	s26 =	rddreg [dreg:$0x7];
	v1 =	vmin.f32 v1, $1.270000000e+02;
	v0 =	vmax.f32 v2, $0.0e+00;
	v2 =	vtrunc.f32 v3  }
0xaf: {  	s30 =	sand.u32 $0x3FFFFF80, s30;
	s5 =	simm.s32 $0x1;
	s6 =	rddreg [dreg:$0x4];
	v4 =	vtrunc.f32 v1;
	v5 =	vmin.f32 v0, $1.270000000e+02;
	v2 =	vcvt.f32.s32 v2  }
0xb0: {  	s5 =	simm.s32 @!p0 $0x0;
	s23 =	simm.s32 $0x1;
	s18 =	rddreg [dreg:$0x5];
	v0 =	vcvt.f32.s32 v4;
	v52 =	vtrunc.f32 v5  }
0xb1: {  	s24 =	simm.s32 $0x2;
	s5 =	smul.u32 $0x18000, s5;
	s4 =	rddreg [dreg:$0xe];
	v4 =	vcvt.f32.s32 v52;
	v6 =	vcvt.s32.f32 v2  }
0xb2: {  	s26 =	sadd.s32 $0x0, s26;
	s25 =	sadd.s32 $0x0, s25;
	s17 =	sadd.s32 $0x0, s17;
	v7 =	vcvt.s32.f32 v0  }
0xb3: {  	s31 =	sadd.s32 $0x0, s22;
	s16 =	sadd.s32 $0x0, s16;
	s12 =	sadd.s32 $0x0, s12;
	v8 =	vcvt.s32.f32 v4;
	v3 =	vsub.f32 v3, v6  }
0xb4: {  	s8 =	sadd.s32 $0x0, s8;
	s7 =	sadd.s32 $0x0, s7;
	s5 =	sshrl.u32 s5, $0x2;
	v1 =	vsub.f32 v1, v7  }
0xb5: {  	s1 =	sadd.s32 $0x0, s4;
	s4 =	sadd.s32 $0x0, s6;
	s6 =	sadd.s32 $0x0, s18;
	v53 =	vshll.u32 v2, $0xE;
	v54 =	vshll.u32 v4, $0x7;
	v5 =	vsub.f32 v5, v8;
	[tilespmem:s13+$0x2800] =	vst v3  }
0xb6: {  	s18 =	sadd.s32 $0x0, s9;
	s26 =	sshll.u32 s26, $0x7;
	s4 =	sshll.u32 s4, $0x7;
	v3 =	vadd.s32 v54, v53;
	[tilespmem:s13+$0x1800] =	vst v1  }
0xb7: {  	s9 =	sor.u32 s10, s30;
	s6 =	sshll.u32 s6, $0x7;
	s4 =	sand.u32 $0x3FFFFF80, s4;
	v1 =	vadd.s32 $0x1, v0;
	v55 =	vadd.s32 v0, v3;
	[tilespmem:s13+$0x2000] =	vst v5  }
0xb8: {  	s16 =	sshll.u32 s16, $0x7;
	s6 =	sand.u32 $0x3FFFFF80, s6;
	s4 =	sor.u32 s10, s4;
	v4 =	vadd.s32 $0x1, v4;
	vm0 =	vlt.s32 v1, $0x7F;
	[tilespmem:s9+$0x3000] =	vst v55;
	v56 =	vadd.s32 $0x200000, v55  }
0xb9: {  	s3 =	sadd.s32 $0x3000, s5;
	s19 =	sadd.s32 $0xF000, s5;
	s6 =	sor.u32 s10, s6;
	vm14 =	vlt.s32 v4, $0x7F;
	v9 =	vnsel vm0, $0x7F, v1;
	v1 =	vadd.s32 $0x400000, v55;
	[tilespmem:s4+$0x3000] =	vst v56  }
0xba: {  	s5 =	sadd.s32 $0x0, s0;
	s0 =	sand.u32 $0x3FFFFF80, s26;
	s26 =	sand.u32 $0x3FFFFF80, s16;
	v4 =	vnsel vm14, $0x7F, v4;
	v3 =	vadd.s32 v9, v3;
	[tilespmem:s6+$0x3000] =	vst v1  }
0xbb: {  	s11 =	sadd.s32 $0x0, s11;
	s8 =	sshll.u32 s8, $0x7;
	v1 =	vshll.u32 v4, $0x7;
	v57 =	vadd.s32 $0x200000, v3;
	s6 =	sor.u32 s10, s26;
	[tilespmem:s9+$0x3400] =	vst v3  }
0xbc: {  	s7 =	sshll.u32 s7, $0x7;
	s30 =	sor.u32 s10, s0;
	s4 =	sshll.u32 s12, $0x7;
	v58 =	vadd.s32 v53, v1;
	v3 =	vadd.s32 $0x400000, v3;
	[tilespmem:s6+$0x3000] =	vst v57  }
0xbd: {  	s31 =	sshll.u32 s31, $0x7;
	s0 =	sshll.u32 s25, $0x7;
	s4 =	sand.u32 $0x3FFFFF80, s4;
	v59 =	vadd.s32 v0, v58;
	[tilespmem:s30+$0x3000] =	vst v3  }
0xbe: {  	s11 =	sshll.u32 s11, $0x7;
	v2 =	vadd.s32 $0x1, v2;
	s13 =	sand.u32 $0x3FFFFF80, s0;
	s4 =	sor.u32 s10, s4;
	v3 =	vadd.s32 $0x200000, v59;
	[tilespmem:s9+$0x3800] =	vst v59  }
0xbf: {  	s18 =	sshll.u32 s18, $0x7;
	s16 =	sshll.u32 s17, $0x7;
	vm15 =	vlt.s32 v2, $0x7F;
	s12 =	sor.u32 s10, s13;
	[tilespmem:s4+$0x3000] =	vst v3;
	v3 =	vadd.s32 $0x400000, v59  }
0xc0: {  	s7 =	sand.u32 $0x3FFFFF80, s7;
	s8 =	sand.u32 $0x3FFFFF80, s8;
	v2 =	vnsel vm15, $0x7F, v2;
	v60 =	vadd.s32 v9, v58;
	s4 =	sand.u32 $0x3FFFFF80, s16;
	[tilespmem:s12+$0x3000] =	vst v3  }
0xc1: {  	s22 =	sshll.u32 s1, $0x7;
	s17 =	sand.u32 $0x3FFFFF80, s18;
	v2 =	vshll.u32 v2, $0xE;
	v3 =	vadd.s32 $0x200000, v60;
	s4 =	sor.u32 s10, s4;
	[tilespmem:s9+$0x3C00] =	vst v60  }
0xc2: {  	s7 =	sor.u32 s10, s7;
	s8 =	sor.u32 s10, s8;
	s5 =	sshll.u32 s5, $0x7;
	v61 =	vadd.s32 v54, v2;
	[tilespmem:s4+$0x3000] =	vst v3;
	v3 =	vadd.s32 $0x400000, v60  }
0xc3: {  	s25 =	sadd.s32 $0x0, s15;
	s18 =	sor.u32 s10, s17;
	s5 =	sand.u32 $0x3FFFFF80, s5;
	v62 =	vadd.s32 v0, v61;
	[tilespmem:s8+$0x3000] =	vst v3  }
0xc4: {  	s5 =	sor.u32 s10, s5;
	s26 =	sand.u32 $0x3FFFFF80, s22;
	s6 =	sand.u32 $0x3FFFFF80, s31;
	v3 =	vadd.s32 $0x200000, v62;
	[tilespmem:s9+$0x4000] =	vst v62  }
0xc5: {  	s31 =	sand.u32 $0x3FFFFF80, s11;
	s1 =	sor.u32 s10, s6;
	s30 =	sadd.s32 $0x0, s14;
	[tilespmem:s18+$0x3000] =	vst v3;
	v3 =	vadd.s32 $0x400000, v62  }
0xc6: {  	v63 =	vadd.s32 v9, v61;
	s6 =	sor.u32 s10, s26;
	s4 =	sshll.u32 s25, $0x7;
	s8 =	sshll.u32 s30, $0x7;
	[tilespmem:s7+$0x3000] =	vst v3  }
0xc7: {  	v2 =	vadd.s32 v1, v2;
	s25 =	simm.s32 $0x10;
	s4 =	sand.u32 $0x3FFFFF80, s4;
	s8 =	sand.u32 $0x3FFFFF80, s8;
	v3 =	vadd.s32 $0x200000, v63;
	[tilespmem:s9+$0x4400] =	vst v63  }
0xc8: {  	v1 =	vadd.s32 v0, v2;
	v0 =	vadd.s32 v9, v2;
	v2 =	vadd.s32 $0x400000, v63;
	s13 =	sor.u32 s10, s4;
	s12 =	sor.u32 s10, s8;
	s8 =	sor.u32 s10, s31;
	[tilespmem:s6+$0x3000] =	vst v3  }
.LBB2_7:
0xc9: {  	[tilespmem:s1+$0x3000] =	vst v2  }
0xca: {  	v2 =	vadd.s32 $0x200000, v1;
	[tilespmem:s9+$0x4800] =	vst v1  }
0xcb: {  	v1 =	vadd.s32 $0x400000, v1;
	[tilespmem:s5+$0x3000] =	vst v2  }
0xcc: {  	[tilespmem:s12+$0x3000] =	vst v1  }
0xcd: {  	s4 =	sadd.s32 s25, s28;
	v1 =	vadd.s32 $0x200000, v0;
	[tilespmem:s9+$0x4C00] =	vst v0  }
0xce: {  	s10 =	sand.u32 $0x70, s25;
	s30 =	sand.u32 $0x780, s4;
	v0 =	vadd.s32 $0x400000, v0;
	[tilespmem:s13+$0x3000] =	vst v1  }
0xcf: {  	s17 =	sor.u32 s10, s30;
	[tilespmem:s8+$0x3000] =	vst v0  }
0xd0: {  	v0 =	vld [tilespmem:s17+$0x1000]  }
0xd1: {  	v1 =	vld [tilespmem:s17+$0x0]  }
0xd2: {  	v2 =	vld [tilespmem:s17+$0x800]  }
0xd3: {  	s11 =	rddreg [dreg:$0x13]  }
0xd4: {  	s14 =	rddreg [dreg:$0x11]  }
0xd5: {  	s15 =	rddreg [dreg:$0x12];
	v0 =	vmul.f32 $1.280000000e+02, v0  }
0xd6: {  	s26 =	rddreg [dreg:$0xd];
	v1 =	vmul.f32 $1.280000000e+02, v1  }
0xd7: {  	s1 =	rddreg [dreg:$0xb];
	v2 =	vmul.f32 $1.280000000e+02, v2;
	v0 =	vadd.f32 $-5.000000000e-01, v0  }
0xd8: {  	s6 =	rddreg [dreg:$0xa];
	v1 =	vadd.f32 $-5.000000000e-01, v1  }
0xd9: {  	s18 =	rddreg [dreg:$0x10];
	v2 =	vadd.f32 $-5.000000000e-01, v2;
	v0 =	vmax.f32 v0, $0.0e+00  }
0xda: {  	p1 =	seq.s32 s24, $0x3F;
	s7 =	smov.u32 s24;
	s22 =	rddreg [dreg:$0x7];
	v1 =	vmax.f32 v1, $0.0e+00;
	v0 =	vmin.f32 v0, $1.270000000e+02  }
0xdb: {  	s24 =	sadd.s32 $0x1, s24;
	s16 =	sshrl.u32 s23, $0x3;
	s0 =	rddreg [dreg:$0x5];
	v2 =	vmax.f32 v2, $0.0e+00;
	v1 =	vmin.f32 v1, $1.270000000e+02;
	v3 =	vtrunc.f32 v0  }
0xdc: {  	s25 =	sadd.s32 $0x10, s25;
	s4 =	rddreg [dreg:$0xc];
	s23 =	smov.u32 s7;
	v2 =	vmin.f32 v2, $1.270000000e+02;
	v4 =	vtrunc.f32 v1;
	v3 =	vcvt.f32.s32 v3  }
0xdd: {  	s7 =	sadd.s32 s20, s16;
	s31 =	sadd.s32 s22, s16;
	s22 =	sadd.s32 s18, s16;
	v5 =	vtrunc.f32 v2;
	v4 =	vcvt.f32.s32 v4  }
0xde: {  	s0 =	sadd.s32 s0, s16;
	s1 =	sadd.s32 s1, s16;
	s5 =	rddreg [dreg:$0x8];
	v5 =	vcvt.f32.s32 v5;
	v6 =	vcvt.s32.f32 v3  }
0xdf: {  	s30 =	rddreg [dreg:$0x4];
	s7 =	sshll.u32 s7, $0x7;
	s0 =	sshll.u32 s0, $0x7;
	v8 =	vcvt.s32.f32 v4  }
0xe0: {  	s1 =	sshll.u32 s1, $0x7;
	s12 =	rddreg [dreg:$0x9];
	s30 =	sadd.s32 s30, s16;
	v10 =	vcvt.s32.f32 v5;
	v0 =	vsub.f32 v0, v6  }
0xe1: {  	s0 =	sand.u32 $0x3FFFFF80, s0;
	s5 =	sadd.s32 s5, s16;
	s18 =	sshll.u32 s30, $0x7;
	v7 =	vadd.s32 $0x1, v3;
	v9 =	vadd.s32 $0x1, v4;
	v1 =	vsub.f32 v1, v8  }
0xe2: {  	s1 =	sand.u32 $0x3FFFFF80, s1;
	s9 =	rddreg [dreg:$0x6];
	s18 =	sand.u32 $0x3FFFFF80, s18;
	v3 =	vshll.u32 v3, $0xE;
	v57 =	vshll.u32 v5, $0x7;
	v2 =	vsub.f32 v2, v10;
	[tilespmem:s17+$0x2800] =	vst v0  }
0xe3: {  	s30 =	sand.u32 $0x3FFFFF80, s7;
	s7 =	sadd.s32 s6, s16;
	s6 =	sor.u32 s10, s18;
	vm0 =	vlt.s32 v9, $0x7F;
	v58 =	vadd.s32 v57, v3;
	vm15 =	vlt.s32 v7, $0x7F;
	[tilespmem:s17+$0x1800] =	vst v1  }
0xe4: {  	s18 =	sshll.u32 s31, $0x7;
	s31 =	sadd.s32 s9, s16;
	s9 =	sor.u32 s10, s30;
	v9 =	vnsel vm0, $0x7F, v9;
	v0 =	vadd.s32 v4, v58;
	v1 =	vadd.s32 $0x1, v5;
	[tilespmem:s17+$0x2000] =	vst v2  }
0xe5: {  	s12 =	sadd.s32 s12, s16;
	s0 =	sor.u32 s10, s0;
	s5 =	sshll.u32 s5, $0x7;
	v59 =	vadd.s32 v9, v58;
	vm1 =	vlt.s32 v1, $0x7F;
	[tilespmem:s9+$0x3000] =	vst v0;
	v60 =	vadd.s32 $0x200000, v0  }
0xe6: {  	s13 =	rddreg [dreg:$0xf];
	s30 =	sshll.u32 s31, $0x7;
	s31 =	sadd.s32 s26, s16;
	v2 =	vnsel vm15, $0x7F, v7;
	v0 =	vadd.s32 $0x400000, v0;
	v1 =	vnsel vm1, $0x7F, v1;
	[tilespmem:s6+$0x3000] =	vst v60  }
0xe7: {  	s13 =	sadd.s32 s13, s16;
	s17 =	sshll.u32 s31, $0x7;
	s31 =	sand.u32 $0x3FFFFF80, s30;
	v63 =	vadd.s32 $0x200000, v59;
	v2 =	vshll.u32 v2, $0xE;
	v1 =	vshll.u32 v1, $0x7;
	[tilespmem:s0+$0x3000] =	vst v0  }
0xe8: {  	s18 =	sand.u32 $0x3FFFFF80, s18;
	s13 =	sshll.u32 s13, $0x7;
	v6 =	vadd.s32 v57, v2;
	s0 =	sor.u32 s10, s31;
	v3 =	vadd.s32 v3, v1;
	v2 =	vadd.s32 v1, v2;
	[tilespmem:s9+$0x3400] =	vst v59  }
0xe9: {  	s18 =	sor.u32 s10, s18;
	s26 =	sand.u32 $0x3FFFFF80, s13;
	s17 =	sand.u32 $0x3FFFFF80, s17;
	v1 =	vadd.s32 v4, v2;
	v0 =	vadd.s32 v9, v2;
	[tilespmem:s0+$0x3000] =	vst v63;
	v2 =	vadd.s32 $0x400000, v59  }
0xea: {  	s13 =	sor.u32 s10, s17;
	s17 =	sshll.u32 s12, $0x7;
	v62 =	vadd.s32 v9, v3;
	v3 =	vadd.s32 v4, v3;
	s0 =	sand.u32 $0x3FFFFF80, s5;
	[tilespmem:s18+$0x3000] =	vst v2  }
0xeb: {  	s6 =	sor.u32 s10, s1;
	s5 =	sand.u32 $0x3FFFFF80, s17;
	v2 =	vadd.s32 $0x200000, v3;
	s0 =	sor.u32 s10, s0;
	[tilespmem:s9+$0x3800] =	vst v3  }
0xec: {  	s1 =	sor.u32 s10, s26;
	s26 =	sshll.u32 s7, $0x7;
	s5 =	sor.u32 s10, s5;
	[tilespmem:s0+$0x3000] =	vst v2;
	v2 =	vadd.s32 $0x400000, v3  }
0xed: {  	s4 =	sadd.s32 s4, s16;
	s8 =	rddreg [dreg:$0xe];
	s0 =	sand.u32 $0x3FFFFF80, s26;
	[tilespmem:s5+$0x3000] =	vst v2  }
0xee: {  	s4 =	sshll.u32 s4, $0x7;
	s8 =	sadd.s32 s8, s16;
	v2 =	vadd.s32 $0x200000, v62;
	s0 =	sor.u32 s10, s0;
	[tilespmem:s9+$0x3C00] =	vst v62  }
0xef: {  	s11 =	sadd.s32 s11, s16;
	s4 =	sand.u32 $0x3FFFFF80, s4;
	s8 =	sshll.u32 s8, $0x7;
	[tilespmem:s0+$0x3000] =	vst v2;
	v2 =	vadd.s32 $0x400000, v62  }
0xf0: {  	s4 =	sor.u32 s10, s4;
	s8 =	sand.u32 $0x3FFFFF80, s8;
	s30 =	sshll.u32 s22, $0x7;
	v61 =	vadd.s32 v4, v6;
	[tilespmem:s6+$0x3000] =	vst v2  }
.Ltmp2:
0xf1: {  	s22 =	sadd.s32 s14, s16;
	s31 =	sadd.s32 s15, s16;
	v2 =	vadd.s32 $0x200000, v61;
	[tilespmem:s9+$0x4000] =	vst v61;
	(pc) =	sbr.rel @!p1 .LBB2_7-.Ltmp2, $4  }
0xf2: {  	s15 =	sand.u32 $0x3FFFFF80, s30;
	s30 =	sshll.u32 s11, $0x7;
	s17 =	sshll.u32 s31, $0x7;
	[tilespmem:s4+$0x3000] =	vst v2;
	v2 =	vadd.s32 $0x400000, v61  }
0xf3: {  	s18 =	sor.u32 s10, s8;
	s8 =	sand.u32 $0x3FFFFF80, s30;
	s26 =	sshll.u32 s22, $0x7;
	v3 =	vadd.s32 v9, v6;
	[tilespmem:s13+$0x3000] =	vst v2  }
0xf4: {  	s31 =	sand.u32 $0x3FFFFF80, s17;
	s8 =	sor.u32 s10, s8;
	s6 =	sand.u32 $0x3FFFFF80, s26;
	v2 =	vadd.s32 $0x200000, v3;
	[tilespmem:s9+$0x4400] =	vst v3  }
0xf5: {  	s5 =	sor.u32 s10, s15;
	s12 =	sor.u32 s10, s6;
	s13 =	sor.u32 s10, s31;
	[tilespmem:s18+$0x3000] =	vst v2;
	v2 =	vadd.s32 $0x400000, v3  }
0xf6: {  	[tilespmem:s1+$0x3000] =	vst v2  }
0xf7: {  	v32 =	vadd.s32 $0x200000, v1;
	[tilespmem:s9+$0x4800] =	vst v1  }
0xf8: {  	v33 =	vadd.s32 $0x400000, v1;
	[tilespmem:s5+$0x3000] =	vst v32  }
0xf9: {  	[tilespmem:s12+$0x3000] =	vst v33  }
0xfa: {  	s0 =	sadd.s32 s25, s28;
	v34 =	vadd.s32 $0x200000, v0;
	[tilespmem:s9+$0x4C00] =	vst v0  }
0xfb: {  	v35 =	vadd.s32 $0x400000, v0;
	s0 =	sand.u32 $0x780, s0;
	s9 =	sand.u32 $0x70, s25;
	[tilespmem:s13+$0x3000] =	vst v34  }
0xfc: {  	s0 =	sor.u32 s9, s0;
	[tilespmem:s8+$0x3000] =	vst v35  }
0xfd: {  	v0 =	vld [tilespmem:s0+$0x1000]  }
0xfe: {  	v1 =	vld [tilespmem:s0+$0x0]  }
0xff: {  	v2 =	vld [tilespmem:s0+$0x800];
	_ =	sdelay $0x2  }
0x100: {  	v0 =	vmul.f32 $1.280000000e+02, v0  }
0x101: {  	v1 =	vmul.f32 $1.280000000e+02, v1  }
0x102: {  	v2 =	vmul.f32 $1.280000000e+02, v2;
	v0 =	vadd.f32 $-5.000000000e-01, v0  }
0x103: {  	v1 =	vadd.f32 $-5.000000000e-01, v1  }
0x104: {  	s10 =	rddreg [dreg:$0x13];
	v2 =	vadd.f32 $-5.000000000e-01, v2;
	v0 =	vmax.f32 v0, $0.0e+00  }
0x105: {  	s11 =	rddreg [dreg:$0x11];
	v1 =	vmax.f32 v1, $0.0e+00;
	v3 =	vmin.f32 v0, $1.270000000e+02  }
0x106: {  	s17 =	rddreg [dreg:$0xd];
	v36 =	vmax.f32 v2, $0.0e+00;
	v1 =	vmin.f32 v1, $1.270000000e+02;
	v37 =	vtrunc.f32 v3  }
0x107: {  	s1 =	rddreg [dreg:$0xb];
	v5 =	vmin.f32 v36, $1.270000000e+02;
	v4 =	vtrunc.f32 v1;
	v2 =	vcvt.f32.s32 v37  }
0x108: {  	s4 =	rddreg [dreg:$0x8];
	v39 =	vtrunc.f32 v5;
	v38 =	vcvt.f32.s32 v4  }
0x109: {  	s16 =	rddreg [dreg:$0xf];
	v4 =	vcvt.f32.s32 v39;
	v6 =	vcvt.s32.f32 v2  }
0x10a: {  	s6 =	rddreg [dreg:$0x4];
	v7 =	vcvt.s32.f32 v38  }
0x10b: {  	s14 =	sshrl.u32 s23, $0x3;
	s7 =	rddreg [dreg:$0x5];
	v8 =	vcvt.s32.f32 v4;
	v3 =	vsub.f32 v3, v6  }
0x10c: {  	s31 =	rddreg [dreg:$0x7];
	s30 =	sadd.s32 s20, s14;
	v1 =	vsub.f32 v1, v7  }
0x10d: {  	s6 =	sadd.s32 s6, s14;
	s7 =	sadd.s32 s7, s14;
	s12 =	sshll.u32 s30, $0x7;
	v40 =	vshll.u32 v2, $0xE;
	v41 =	vshll.u32 v4, $0x7;
	v5 =	vsub.f32 v5, v8;
	[tilespmem:s0+$0x2800] =	vst v3  }
0x10e: {  	s6 =	sshll.u32 s6, $0x7;
	s7 =	sshll.u32 s7, $0x7;
	s12 =	sand.u32 $0x3FFFFF80, s12;
	v42 =	vadd.s32 v41, v40;
	[tilespmem:s0+$0x1800] =	vst v1  }
0x10f: {  	s6 =	sand.u32 $0x3FFFFF80, s6;
	s25 =	rddreg [dreg:$0x6];
	s15 =	sor.u32 s9, s12;
	v43 =	vadd.s32 $0x1, v38;
	v44 =	vadd.s32 v38, v42;
	[tilespmem:s0+$0x2000] =	vst v5  }
0x110: {  	s20 =	sand.u32 $0x3FFFFF80, s7;
	s18 =	sor.u32 s9, s6;
	s5 =	sadd.s32 s25, s14;
	v4 =	vadd.s32 $0x1, v4;
	vm0 =	vlt.s32 v43, $0x7F;
	v45 =	vadd.s32 $0x200000, v44;
	[tilespmem:s15+$0x3000] =	vst v44  }
0x111: {  	s22 =	sadd.s32 s31, s14;
	s6 =	sor.u32 s9, s20;
	s5 =	sshll.u32 s5, $0x7;
	vm14 =	vlt.s32 v4, $0x7F;
	v46 =	vadd.s32 $0x400000, v44;
	v1 =	vnsel vm0, $0x7F, v43;
	[tilespmem:s18+$0x3000] =	vst v45  }
0x112: {  	s26 =	rddreg [dreg:$0x9];
	s7 =	sshll.u32 s22, $0x7;
	s5 =	sand.u32 $0x3FFFFF80, s5;
	v4 =	vnsel vm14, $0x7F, v4;
	v3 =	vadd.s32 v1, v42;
	[tilespmem:s6+$0x3000] =	vst v46  }
0x113: {  	s4 =	sadd.s32 s4, s14;
	s24 =	sand.u32 $0x3FFFFF80, s7;
	s5 =	sor.u32 s9, s5;
	v4 =	vshll.u32 v4, $0x7;
	v47 =	vadd.s32 $0x200000, v3;
	[tilespmem:s15+$0x3400] =	vst v3  }
0x114: {  	s4 =	sshll.u32 s4, $0x7;
	s25 =	sadd.s32 s26, s14;
	v6 =	vadd.s32 v40, v4;
	s6 =	sor.u32 s9, s24;
	v3 =	vadd.s32 $0x400000, v3;
	[tilespmem:s5+$0x3000] =	vst v47  }
0x115: {  	s23 =	rddreg [dreg:$0xa];
	s4 =	sand.u32 $0x3FFFFF80, s4;
	s7 =	sshll.u32 s25, $0x7;
	v48 =	vadd.s32 v38, v6;
	[tilespmem:s6+$0x3000] =	vst v3  }
0x116: {  	s4 =	sor.u32 s9, s4;
	s30 =	sand.u32 $0x3FFFFF80, s7;
	v2 =	vadd.s32 $0x1, v2;
	s0 =	sadd.s32 s23, s14;
	v49 =	vadd.s32 $0x200000, v48;
	[tilespmem:s15+$0x3800] =	vst v48  }
0x117: {  	s1 =	sadd.s32 s1, s14;
	vm15 =	vlt.s32 v2, $0x7F;
	s0 =	sshll.u32 s0, $0x7;
	v50 =	vadd.s32 $0x400000, v48;
	s6 =	sor.u32 s9, s30;
	[tilespmem:s4+$0x3000] =	vst v49  }
0x118: {  	s1 =	sshll.u32 s1, $0x7;
	s26 =	rddreg [dreg:$0xc];
	v2 =	vnsel vm15, $0x7F, v2;
	v51 =	vadd.s32 v1, v6;
	s0 =	sand.u32 $0x3FFFFF80, s0;
	[tilespmem:s6+$0x3000] =	vst v50  }
0x119: {  	s1 =	sand.u32 $0x3FFFFF80, s1;
	v2 =	vshll.u32 v2, $0xE;
	v52 =	vadd.s32 $0x200000, v51;
	s0 =	sor.u32 s9, s0;
	s5 =	sadd.s32 s26, s14;
	[tilespmem:s15+$0x3C00] =	vst v51  }
0x11a: {  	s1 =	sor.u32 s9, s1;
	s7 =	sadd.s32 s17, s14;
	v53 =	vadd.s32 v41, v2;
	v54 =	vadd.s32 $0x400000, v51;
	s5 =	sshll.u32 s5, $0x7;
	[tilespmem:s0+$0x3000] =	vst v52  }
0x11b: {  	s31 =	rddreg [dreg:$0xe];
	v55 =	vadd.s32 v38, v53;
	s5 =	sand.u32 $0x3FFFFF80, s5;
	s6 =	sshll.u32 s7, $0x7;
	[tilespmem:s1+$0x3000] =	vst v54  }
0x11c: {  	s12 =	sadd.s32 s31, s14;
	v56 =	vadd.s32 $0x200000, v55;
	s5 =	sor.u32 s9, s5;
	s13 =	sand.u32 $0x3FFFFF80, s6;
	[tilespmem:s15+$0x4000] =	vst v55  }
0x11d: {  	s17 =	sadd.s32 s16, s14;
	v57 =	vadd.s32 $0x400000, v55;
	s4 =	sor.u32 s9, s13;
	s1 =	sshll.u32 s12, $0x7;
	[tilespmem:s5+$0x3000] =	vst v56  }
0x11e: {  	s8 =	rddreg [dreg:$0x10];
	v58 =	vadd.s32 v1, v53;
	s6 =	sshll.u32 s17, $0x7;
	s1 =	sand.u32 $0x3FFFFF80, s1;
	[tilespmem:s4+$0x3000] =	vst v57  }
0x11f: {  	v59 =	vadd.s32 $0x200000, v58;
	s0 =	sadd.s32 s8, s14;
	s20 =	sand.u32 $0x3FFFFF80, s6;
	s1 =	sor.u32 s9, s1;
	[tilespmem:s15+$0x4400] =	vst v58  }
0x120: {  	s22 =	sadd.s32 s11, s14;
	v2 =	vadd.s32 v4, v2;
	v60 =	vadd.s32 $0x400000, v58;
	s0 =	sshll.u32 s0, $0x7;
	s4 =	sor.u32 s9, s20;
	[tilespmem:s1+$0x3000] =	vst v59  }
0x121: {  	s23 =	sshll.u32 s22, $0x7;
	v0 =	vadd.s32 v38, v2;
	s18 =	rddreg [dreg:$0x12];
	s0 =	sand.u32 $0x3FFFFF80, s0;
	[tilespmem:s4+$0x3000] =	vst v60  }
0x122: {  	v61 =	vadd.s32 $0x200000, v0;
	s24 =	sadd.s32 s18, s14;
	s0 =	sor.u32 s9, s0;
	s1 =	sand.u32 $0x3FFFFF80, s23;
	[tilespmem:s15+$0x4800] =	vst v0  }
0x123: {  	s25 =	sadd.s32 s10, s14;
	s4 =	sshll.u32 s24, $0x7;
	s1 =	sor.u32 s9, s1;
	v0 =	vadd.s32 $0x400000, v0;
	[tilespmem:s0+$0x3000] =	vst v61  }
0x124: {  	s31 =	sld [smem:$0x7FB];
	v1 =	vadd.s32 v1, v2;
	s26 =	sshll.u32 s25, $0x7;
	s4 =	sand.u32 $0x3FFFFF80, s4;
	[tilespmem:s1+$0x3000] =	vst v0  }
0x125: {  	v62 =	vadd.s32 $0x200000, v1;
	s0 =	sand.u32 $0x3FFFFF80, s26;
	s30 =	sor.u32 s9, s4;
	[tilespmem:s15+$0x4C00] =	vst v1  }
0x126: {  	v63 =	vadd.s32 $0x400000, v1;
	s7 =	sadd.s32 $0x0, s3;
	s0 =	sor.u32 s9, s0;
	[tilespmem:s30+$0x3000] =	vst v62  }
0x127: {  	s5 =	sadd.s32 $0x0, s19;
	s1 =	simm.s32 $0x200;
	[tilespmem:s0+$0x3000] =	vst v63;
	s0 =	sadd.s32 $0x1, s31  }
.LBB2_9:
0x128: {  	[tilespmem:s5], [sflag:s0] =	stream.indirect.gather [hbm4b:s2+s21], $0x1, s7, s21, $0xb8;
	[tilespmem:$0x1C800] =	vst v63  }
0x129: {  	s4 =	smov.u32 s1;
	p1 =	sne.s32 s1, $0x17E00  }
.Ltmp3:
0x12a: {  	s1 =	sadd.s32 $0x200, s1;
	(pc) =	sbr.rel @p1 .LBB2_9-.Ltmp3, $3  }
0x12b: {  	_ =	sdelay $0x1  }
0x12c: {  	s4 =	sshra.s32 s4, $0x2  }
0x12d: {  	s5 =	sadd.s32 s4, s19;
	s7 =	sadd.s32 s4, s3  }
0x12e: {  	s9 =	sld [smem:$0x7F9];
	_ =	sdelay $0x2  }
0x12f: {  	s3 =	sand.u32 $0x1, s9  }
0x130: {  	s1 =	smul.u32 $0x18000, s3  }
0x131: {  	[tilespmem:s5], [sflag:s0] =	stream.indirect.gather [hbm4b:s2+s21], $0x1, s7, s21, $0xb8;
	[tilespmem:$0x1C800] =	vst v63  }
0x132: {  	s17 =	simm.s32 $0x0;
	s4 =	sadd.s32 $0x1, s3;
	s16 =	sshrl.u32 s1, $0x2  }
0x133: {  	s18 =	sand.u32 $0x380, s17;
	_ =	swait.ge [sflag:s4], $0x6000;
	s0 =	sadd.s32 $0xF000, s16  }
0x134: {  	[sflag:s4] =	ssyncset.done $0x0;
	s1 =	sand.u32 $0x70, s17;
	s6 =	sadd.s32 s18, s0  }
0x135: {  	[sflag:s4] =	ssyncadd.s32 $0xFFFFA000;
	s20 =	sadd.s32 s1, s6  }
0x136: {  	v1 =	vld [tilespmem:s20+$0x1C00]  }
0x137: {  	v2 =	vld [tilespmem:s20+$0xC00]  }
0x138: {  	v3 =	vld [tilespmem:s20+$0x1400]  }
0x139: {  	v4 =	vld [tilespmem:s20+$0x800]  }
0x13a: {  	v5 =	vld [tilespmem:s20+$0x0]  }
0x13b: {  	s22 =	sadd.s32 $0x0, s29;
	v6 =	vld [tilespmem:s20+$0x1800]  }
0x13c: {  	s6 =	sand.u32 $0x780, s22;
	v7 =	vld [tilespmem:s20+$0x1000]  }
0x13d: {  	s6 =	sor.u32 s1, s6;
	v8 =	vld [tilespmem:s20+$0x400]  }
0x13e: {  	v0 =	vld [tilespmem:s6+$0x1800];
	_ =	sdelay $0x2  }
0x13f: {  	v2 =	vsub.f32 v2, v4;
	v1 =	vsub.f32 v1, v6  }
0x140: {  	v3 =	vsub.f32 v3, v7;
	v8 =	vsub.f32 v8, v5  }
0x141: {  	v2 =	vmul.f32 v2, v0;
	v9 =	vmul.f32 v1, v0  }
0x142: {  	v3 =	vmul.f32 v3, v0;
	v8 =	vmul.f32 v8, v0  }
0x143: {  	v1 =	vld [tilespmem:s6+$0x2000];
	v2 =	vadd.f32 v2, v4;
	v4 =	vadd.f32 v9, v6  }
0x144: {  	v3 =	vadd.f32 v3, v7;
	v5 =	vadd.f32 v8, v5;
	_ =	sdelay $0x1  }
0x145: {  	v4 =	vsub.f32 v4, v3;
	v2 =	vsub.f32 v2, v5;
	_ =	sdelay $0x1  }
0x146: {  	v4 =	vmul.f32 v4, v1;
	v6 =	vmul.f32 v2, v1  }
0x147: {  	v2 =	vld [tilespmem:s6+$0x2800]  }
0x148: {  	v3 =	vadd.f32 v4, v3;
	v4 =	vadd.f32 v6, v5;
	_ =	sdelay $0x1  }
0x149: {  	s3 =	smul.u32 $0x3000, s3;
	v3 =	vsub.f32 v3, v4;
	_ =	sdelay $0x1  }
0x14a: {  	s23 =	sshrl.u32 s3, $0x2;
	v3 =	vmul.f32 v3, v2  }
0x14b: {  	s3 =	sor.u32 $0x1B000, s23  }
0x14c: {  	s19 =	sor.u32 $0x11000, s16;
	s25 =	sadd.s32 s18, s3;
	v3 =	vadd.f32 v3, v4  }
0x14d: {  	s8 =	sadd.s32 s18, s19;
	s6 =	sadd.s32 s1, s25  }
0x14e: {  	s26 =	sadd.s32 s1, s8;
	[tilespmem:s6+$0x0] =	vst v3  }
0x14f: {  	v3 =	vld [tilespmem:s26+$0x1800]  }
0x150: {  	v4 =	vld [tilespmem:s26+$0x1400]  }
0x151: {  	v5 =	vld [tilespmem:s26+$0x0]  }
0x152: {  	v6 =	vld [tilespmem:s26+$0x1C00]  }
0x153: {  	v7 =	vld [tilespmem:s26+$0x400]  }
0x154: {  	v8 =	vld [tilespmem:s26+$0x1000]  }
0x155: {  	v9 =	vld [tilespmem:s26+$0x800]  }
0x156: {  	v10 =	vld [tilespmem:s26+$0xC00];
	_ =	sdelay $0x3  }
0x157: {  	v6 =	vsub.f32 v6, v3;
	v4 =	vsub.f32 v4, v8  }
0x158: {  	v7 =	vsub.f32 v7, v5;
	v10 =	vsub.f32 v10, v9  }
0x159: {  	v6 =	vmul.f32 v6, v0;
	v4 =	vmul.f32 v4, v0  }
0x15a: {  	v7 =	vmul.f32 v7, v0;
	v10 =	vmul.f32 v10, v0  }
0x15b: {  	v3 =	vadd.f32 v6, v3;
	v4 =	vadd.f32 v4, v8  }
0x15c: {  	v5 =	vadd.f32 v7, v5;
	v6 =	vadd.f32 v10, v9;
	_ =	sdelay $0x1  }
0x15d: {  	v3 =	vsub.f32 v3, v4;
	v6 =	vsub.f32 v6, v5;
	_ =	sdelay $0x1  }
0x15e: {  	v3 =	vmul.f32 v3, v1;
	v6 =	vmul.f32 v6, v1;
	_ =	sdelay $0x1  }
0x15f: {  	v3 =	vadd.f32 v3, v4;
	v4 =	vadd.f32 v6, v5;
	_ =	sdelay $0x1  }
0x160: {  	v3 =	vsub.f32 v3, v4;
	_ =	sdelay $0x1  }
0x161: {  	v3 =	vmul.f32 v3, v2  }
0x162: {  	s20 =	sadd.s32 $0x1B400, s23  }
0x163: {  	s24 =	sadd.s32 $0x13000, s16;
	s30 =	sadd.s32 s18, s20;
	v3 =	vadd.f32 v3, v4  }
0x164: {  	s7 =	sadd.s32 s18, s24;
	s6 =	sadd.s32 s1, s30  }
0x165: {  	s31 =	sadd.s32 s1, s7;
	[tilespmem:s6+$0x0] =	vst v3  }
0x166: {  	v4 =	vld [tilespmem:s31+$0x0]  }
0x167: {  	v5 =	vld [tilespmem:s31+$0x400]  }
0x168: {  	v3 =	vld [tilespmem:s31+$0x1800]  }
0x169: {  	v6 =	vld [tilespmem:s31+$0x1400]  }
0x16a: {  	v8 =	vld [tilespmem:s31+$0xC00]  }
0x16b: {  	v9 =	vld [tilespmem:s31+$0x1C00]  }
0x16c: {  	s23 =	sadd.s32 $0x1B800, s23;
	v10 =	vsub.f32 v5, v4;
	v5 =	vld [tilespmem:s31+$0x800]  }
0x16d: {  	s4 =	sadd.s32 s18, s23;
	v7 =	vld [tilespmem:s31+$0x1000]  }
0x16e: {  	s9 =	sshll.u32 s9, $0xA;
	s10 =	sadd.s32 s1, s4;
	s25 =	simm.s32 $0x10;
	v10 =	vmul.f32 v10, v0  }
.LBB2_11:
0x16f: {  	p1 =	sne.s32 s25, $0x3F0;
	s1 =	smov.u32 s25;
	s25 =	sadd.s32 $0x10, s25  }
0x170: {  	v4 =	vadd.f32 v10, v4;
	v9 =	vsub.f32 v9, v3  }
0x171: {  	v8 =	vsub.f32 v8, v5  }
0x172: {  	v6 =	vsub.f32 v6, v7;
	v9 =	vmul.f32 v9, v0  }
0x173: {  	v8 =	vmul.f32 v8, v0  }
0x174: {  	v0 =	vmul.f32 v6, v0;
	v3 =	vadd.f32 v9, v3  }
0x175: {  	v5 =	vadd.f32 v8, v5  }
0x176: {  	v0 =	vadd.f32 v0, v7  }
0x177: {  	v5 =	vsub.f32 v5, v4  }
0x178: {  	v3 =	vsub.f32 v3, v0  }
0x179: {  	v5 =	vmul.f32 v5, v1  }
0x17a: {  	v1 =	vmul.f32 v3, v1  }
0x17b: {  	v3 =	vadd.f32 v5, v4  }
0x17c: {  	v0 =	vadd.f32 v1, v0;
	_ =	sdelay $0x1  }
0x17d: {  	v0 =	vsub.f32 v0, v3;
	_ =	sdelay $0x1  }
0x17e: {  	v0 =	vmul.f32 v0, v2;
	_ =	sdelay $0x1  }
0x17f: {  	s4 =	sadd.s32 s1, s29;
	v0 =	vadd.f32 v0, v3  }
0x180: {  	s11 =	sand.u32 $0x70, s1;
	s6 =	sand.u32 $0x380, s1;
	s4 =	sand.u32 $0x780, s4  }
0x181: {  	s1 =	sadd.s32 s6, s0;
	s5 =	sadd.s32 s6, s3;
	s4 =	sor.u32 s11, s4;
	[tilespmem:s10+$0x0] =	vst v0  }
0x182: {  	s7 =	sadd.s32 s11, s1;
	s1 =	sadd.s32 s11, s5;
	s5 =	sadd.s32 s6, s19;
	v0 =	vld [tilespmem:s4+$0x1800]  }
0x183: {  	s8 =	sadd.s32 s6, s20;
	s14 =	sadd.s32 s6, s24;
	s6 =	sadd.s32 s6, s23;
	v1 =	vld [tilespmem:s7+$0x1C00]  }
0x184: {  	s15 =	sadd.s32 s11, s8;
	s10 =	sadd.s32 s11, s6;
	v2 =	vld [tilespmem:s7+$0xC00]  }
0x185: {  	v3 =	vld [tilespmem:s7+$0x1400]  }
0x186: {  	v4 =	vld [tilespmem:s7+$0x800]  }
0x187: {  	v5 =	vld [tilespmem:s7+$0x0]  }
0x188: {  	v6 =	vld [tilespmem:s7+$0x1800]  }
0x189: {  	v7 =	vld [tilespmem:s7+$0x1000]  }
0x18a: {  	v8 =	vld [tilespmem:s7+$0x400]  }
0x18b: {  	v2 =	vsub.f32 v2, v4;
	_ =	sdelay $0x1  }
0x18c: {  	v2 =	vmul.f32 v2, v0;
	v1 =	vsub.f32 v1, v6  }
0x18d: {  	v3 =	vsub.f32 v3, v7  }
0x18e: {  	v8 =	vsub.f32 v8, v5;
	v2 =	vadd.f32 v2, v4;
	v4 =	vmul.f32 v1, v0  }
0x18f: {  	v3 =	vmul.f32 v3, v0  }
0x190: {  	v1 =	vld [tilespmem:s4+$0x2000];
	v8 =	vmul.f32 v8, v0;
	v4 =	vadd.f32 v4, v6  }
0x191: {  	v3 =	vadd.f32 v3, v7  }
0x192: {  	v5 =	vadd.f32 v8, v5  }
0x193: {  	v4 =	vsub.f32 v4, v3  }
0x194: {  	v2 =	vsub.f32 v2, v5  }
0x195: {  	v4 =	vmul.f32 v4, v1  }
0x196: {  	v6 =	vmul.f32 v2, v1  }
0x197: {  	v2 =	vld [tilespmem:s4+$0x2800];
	v3 =	vadd.f32 v4, v3  }
0x198: {  	v4 =	vadd.f32 v6, v5;
	_ =	sdelay $0x1  }
0x199: {  	v3 =	vsub.f32 v3, v4;
	_ =	sdelay $0x1  }
0x19a: {  	v3 =	vmul.f32 v3, v2;
	_ =	sdelay $0x1  }
0x19b: {  	v3 =	vadd.f32 v3, v4;
	_ =	sdelay $0x1  }
0x19c: {  	[tilespmem:s1+$0x0] =	vst v3;
	s1 =	sadd.s32 s11, s5  }
0x19d: {  	v3 =	vld [tilespmem:s1+$0x1800]  }
0x19e: {  	v4 =	vld [tilespmem:s1+$0x1400]  }
0x19f: {  	v5 =	vld [tilespmem:s1+$0x0]  }
0x1a0: {  	v6 =	vld [tilespmem:s1+$0x1C00]  }
0x1a1: {  	v7 =	vld [tilespmem:s1+$0x400]  }
0x1a2: {  	v8 =	vld [tilespmem:s1+$0x1000]  }
0x1a3: {  	v9 =	vld [tilespmem:s1+$0x800]  }
0x1a4: {  	v10 =	vld [tilespmem:s1+$0xC00]  }
0x1a5: {  	v6 =	vsub.f32 v6, v3  }
0x1a6: {  	v7 =	vsub.f32 v7, v5  }
0x1a7: {  	v4 =	vsub.f32 v4, v8;
	v6 =	vmul.f32 v6, v0;
	_ =	sdelay $0x1  }
0x1a8: {  	v10 =	vsub.f32 v10, v9;
	v4 =	vmul.f32 v4, v0;
	v3 =	vadd.f32 v6, v3  }
0x1a9: {  	v6 =	vmul.f32 v7, v0  }
0x1aa: {  	v7 =	vmul.f32 v10, v0;
	v4 =	vadd.f32 v4, v8  }
0x1ab: {  	v5 =	vadd.f32 v6, v5  }
0x1ac: {  	v6 =	vadd.f32 v7, v9;
	v3 =	vsub.f32 v3, v4;
	_ =	sdelay $0x1  }
0x1ad: {  	v6 =	vsub.f32 v6, v5;
	v3 =	vmul.f32 v3, v1;
	_ =	sdelay $0x1  }
0x1ae: {  	v6 =	vmul.f32 v6, v1;
	v3 =	vadd.f32 v3, v4;
	_ =	sdelay $0x1  }
0x1af: {  	v4 =	vadd.f32 v6, v5;
	_ =	sdelay $0x1  }
0x1b0: {  	v3 =	vsub.f32 v3, v4;
	_ =	sdelay $0x1  }
0x1b1: {  	v3 =	vmul.f32 v3, v2;
	_ =	sdelay $0x1  }
0x1b2: {  	v3 =	vadd.f32 v3, v4;
	_ =	sdelay $0x1  }
0x1b3: {  	s1 =	sadd.s32 s11, s14;
	[tilespmem:s15+$0x0] =	vst v3  }
0x1b4: {  	v4 =	vld [tilespmem:s1+$0x0]  }
0x1b5: {  	v5 =	vld [tilespmem:s1+$0x400]  }
0x1b6: {  	v3 =	vld [tilespmem:s1+$0x1800]  }
0x1b7: {  	v6 =	vld [tilespmem:s1+$0x1400]  }
.Ltmp4:
0x1b8: {  	v8 =	vld [tilespmem:s1+$0xC00];
	(pc) =	sbr.rel @p1 .LBB2_11-.Ltmp4, $4  }
0x1b9: {  	v9 =	vld [tilespmem:s1+$0x1C00]  }
0x1ba: {  	v10 =	vsub.f32 v5, v4;
	v5 =	vld [tilespmem:s1+$0x800]  }
0x1bb: {  	v7 =	vld [tilespmem:s1+$0x1000]  }
0x1bc: {  	v10 =	vmul.f32 v10, v0  }
0x1bd: {  	_ =	sdelay $0x1  }
0x1be: {  	v9 =	vsub.f32 v9, v3  }
0x1bf: {  	v8 =	vsub.f32 v8, v5;
	v6 =	vsub.f32 v6, v7  }
0x1c0: {  	v9 =	vmul.f32 v9, v0  }
0x1c1: {  	v8 =	vmul.f32 v8, v0;
	v59 =	vmul.f32 v6, v0  }
0x1c2: {  	v4 =	vadd.f32 v10, v4;
	v60 =	vadd.f32 v9, v3  }
0x1c3: {  	v61 =	vadd.f32 v8, v5;
	v0 =	vadd.f32 v59, v7;
	_ =	sdelay $0x1  }
0x1c4: {  	v5 =	vsub.f32 v61, v4;
	v3 =	vsub.f32 v60, v0;
	_ =	sdelay $0x1  }
0x1c5: {  	v5 =	vmul.f32 v5, v1;
	v62 =	vmul.f32 v3, v1;
	_ =	sdelay $0x1  }
0x1c6: {  	v63 =	vadd.f32 v5, v4;
	v0 =	vadd.f32 v62, v0;
	_ =	sdelay $0x1  }
0x1c7: {  	v0 =	vsub.f32 v0, v63;
	_ =	sdelay $0x1  }
0x1c8: {  	v0 =	vmul.f32 v0, v2  }
0x1c9: {  	s8 =	rddreg [dreg:$0x15]  }
0x1ca: {  	s0 =	sor.u32 s8, s9;
	v0 =	vadd.f32 v0, v63  }
0x1cb: {  	s1 =	rddreg [dreg:$0x17];
	s0 =	sshrl.u32 s0, $0x3  }
0x1cc: {  	s6 =	simm.s32 $0x0;
	s4 =	simm.s32 $0x3;
	s1 =	sadd.s32 s1, s0;
	[tilespmem:s10+$0x0] =	vst v0  }
0x1cd: {  	[hbm4b:s1+s6] =	stream.linear.scatter [tilespmem:s3], [sflag:$0x3], $0x400, $0x38;
	[tilespmem:$0x1C800] =	vst v63  }
0x1ce: {  	_ =	swait.ge [sflag:s4], $0x400  }
0x1cf: {  	[sflag:s4] =	ssyncset.done $0x0;
	s30 =	rddreg [dreg:$0x1b]  }
0x1d0: {  	[sflag:s4] =	ssyncadd.s32 $0xFFFFFC00;
	s1 =	sadd.s32 s0, s30  }
0x1d1: {  	[hbm4b:s1+s6] =	stream.linear.scatter [tilespmem:s20], [sflag:$0x3], $0x400, $0x38;
	[tilespmem:$0x1C800] =	vst v63  }
0x1d2: {  	_ =	swait.ge [sflag:s4], $0x400  }
0x1d3: {  	[sflag:s4] =	ssyncset.done $0x0;
	s31 =	rddreg [dreg:$0x1c]  }
0x1d4: {  	[sflag:s4] =	ssyncadd.s32 $0xFFFFFC00;
	s0 =	sadd.s32 s0, s31  }
0x1d5: {  	[hbm4b:s0+s6] =	stream.linear.scatter [tilespmem:s23], [sflag:$0x3], $0x400, $0x38;
	[tilespmem:$0x1C800] =	vst v63  }
0x1d6: {  	_ =	swait.ge [sflag:s4], $0x400  }
0x1d7: {  	s5 =	sld [smem:$0x7FA];
	_ =	sdelay $0x2  }
0x1d8: {  	p1 =	sne.s32 s5, $0x1F  }
.Ltmp5:
0x1d9: {  	_ = 	snop;
	(pc) =	sbr.rel @p1 .LBB2_6-.Ltmp5, $3  }
0x1da: {  	_ =	sdelay $0x1  }
0x1db: {  	s28 =	sadd.s32 $0x400, s28;
	[sflag:s4] =	ssyncset.done $0x0  }
0x1dc: {  	p0 =	por !p0, !p0;
	s29 =	sadd.s32 $0x400, s29;
	[sflag:s4] =	ssyncadd.s32 $0xFFFFFC00  }
0x1dd: {  	s1 =	simm.s32 $0x2  }
0x1de: {  	_ =	swait.ge [sflag:s1], $0x6000  }
0x1df: {  	s0 =	simm.s32 $0x0;
	[sflag:s1] =	ssyncset.done $0x0  }
0x1e0: {  	s3 =	sand.u32 $0x3F0, s0;
	[sflag:s1] =	ssyncadd.s32 $0xFFFFA000  }
0x1e1: {  	v2 =	vld [tilespmem:s3+$0x15000]  }
0x1e2: {  	v0 =	vld [tilespmem:s3+$0x15400]  }
0x1e3: {  	v4 =	vld [tilespmem:s3+$0x15800]  }
0x1e4: {  	v1 =	vld [tilespmem:s3+$0x15C00]  }
0x1e5: {  	v5 =	vld [tilespmem:s3+$0x16000]  }
0x1e6: {  	v6 =	vld [tilespmem:s3+$0x16800]  }
0x1e7: {  	v7 =	vld [tilespmem:s3+$0x16C00]  }
0x1e8: {  	v8 =	vld [tilespmem:s3+$0x17000]  }
0x1e9: {  	v9 =	vld [tilespmem:s3+$0x17400]  }
0x1ea: {  	v12 =	vld [tilespmem:s3+$0x17800]  }
0x1eb: {  	v11 =	vld [tilespmem:s3+$0x19000]  }
0x1ec: {  	v13 =	vld [tilespmem:s3+$0x19400]  }
0x1ed: {  	v14 =	vld [tilespmem:s3+$0x19800]  }
0x1ee: {  	v15 =	vld [tilespmem:s3+$0x19C00]  }
0x1ef: {  	v16 =	vld [tilespmem:s3+$0x1A000]  }
0x1f0: {  	v17 =	vld [tilespmem:s3+$0x1A400]  }
0x1f1: {  	v18 =	vld [tilespmem:s3+$0x1A800]  }
0x1f2: {  	s20 =	simm.s32 $0x1C00;
	v19 =	vld [tilespmem:s3+$0x1AC00]  }
0x1f3: {  	v20 =	vld [tilespmem:s20+$0x0]  }
0x1f4: {  	v10 =	vld [tilespmem:s3+$0x17C00]  }
0x1f5: {  	v3 =	vld [tilespmem:s3+$0x16400];
	v22 =	vsub.f32 v0, v2;
	v23 =	vsub.f32 v1, v4  }
0x1f6: {  	v21 =	vld [tilespmem:s3+$0x18000];
	v26 =	vsub.f32 v7, v6;
	v0 =	vsub.f32 v13, v11  }
0x1f7: {  	v24 =	vld [tilespmem:s3+$0x18400];
	v1 =	vsub.f32 v15, v14;
	v7 =	vsub.f32 v17, v16  }
0x1f8: {  	s19 =	simm.s32 $0x2C00;
	v27 =	vld [tilespmem:s3+$0x18800];
	v13 =	vsub.f32 v19, v18;
	v15 =	vsub.f32 v9, v8;
	v9 =	vmul.f32 v0, v20  }
0x1f9: {  	s9 =	simm.s32 $0x2400;
	v61 =	vld [tilespmem:s19+$0x0];
	v17 =	vsub.f32 v10, v12;
	v1 =	vmul.f32 v1, v20;
	v10 =	vmul.f32 v7, v20  }
0x1fa: {  	s31 =	simm.s32 $0x10;
	v25 =	vsub.f32 v3, v5;
	v19 =	vld [tilespmem:s9+$0x0];
	v13 =	vmul.f32 v13, v20;
	v22 =	vmul.f32 v22, v20  }
0x1fb: {  	s0 =	sand.u32 $0x3F0, s31;
	v3 =	vld [tilespmem:s3+$0x18C00];
	v23 =	vmul.f32 v23, v20;
	v11 =	vadd.f32 v9, v11;
	v14 =	vadd.f32 v1, v14  }
0x1fc: {  	v0 =	vld [tilespmem:s0+$0x15000];
	v60 =	vmul.f32 v26, v20;
	v16 =	vadd.f32 v10, v16;
	v10 =	vadd.f32 v13, v18  }
0x1fd: {  	v7 =	vld [tilespmem:s0+$0x15400];
	v15 =	vmul.f32 v15, v20;
	v13 =	vsub.f32 v24, v21;
	v14 =	vsub.f32 v14, v11  }
0x1fe: {  	v17 =	vmul.f32 v17, v20;
	v1 =	vld [tilespmem:s0+$0x15800];
	v22 =	vadd.f32 v22, v2;
	v59 =	vsub.f32 v10, v16  }
0x1ff: {  	v9 =	vld [tilespmem:s0+$0x15C00];
	v2 =	vmul.f32 v25, v20;
	v23 =	vadd.f32 v23, v4;
	v4 =	vmul.f32 v14, v19  }
0x200: {  	v6 =	vadd.f32 v60, v6;
	v18 =	vsub.f32 v3, v27;
	v3 =	vld [tilespmem:s0+$0x16000];
	v14 =	vmul.f32 v59, v19  }
0x201: {  	v10 =	vld [tilespmem:s0+$0x16400];
	v62 =	vadd.f32 v2, v5;
	v5 =	vmul.f32 v13, v20;
	v13 =	vadd.f32 v4, v11  }
0x202: {  	v2 =	vld [tilespmem:s0+$0x16800];
	v14 =	vadd.f32 v14, v16;
	v16 =	vadd.f32 v15, v8;
	v8 =	vmul.f32 v18, v20  }
0x203: {  	v11 =	vld [tilespmem:s0+$0x16C00];
	v15 =	vadd.f32 v17, v12;
	v17 =	vadd.f32 v5, v21  }
0x204: {  	v4 =	vld [tilespmem:s0+$0x17000];
	v14 =	vsub.f32 v14, v13;
	v8 =	vadd.f32 v8, v27  }
0x205: {  	v12 =	vld [tilespmem:s0+$0x17400];
	v18 =	vsub.f32 v23, v22;
	v20 =	vsub.f32 v6, v62  }
0x206: {  	v5 =	vld [tilespmem:s0+$0x17800];
	v23 =	vsub.f32 v15, v16;
	v21 =	vmul.f32 v14, v61;
	v63 =	vsub.f32 v8, v17  }
0x207: {  	v6 =	vld [tilespmem:s0+$0x18000];
	v18 =	vmul.f32 v18, v19;
	v20 =	vmul.f32 v20, v19  }
0x208: {  	v15 =	vld [tilespmem:s0+$0x18400];
	v13 =	vadd.f32 v21, v13;
	v21 =	vmul.f32 v23, v19;
	v19 =	vmul.f32 v63, v19  }
0x209: {  	v14 =	vld [tilespmem:s0+$0x17C00];
	v18 =	vadd.f32 v18, v22;
	v20 =	vadd.f32 v20, v62  }
0x20a: {  	v8 =	vld [tilespmem:s0+$0x18800];
	[tilespmem:s3+$0x1C400] =	vst v13;
	v22 =	vadd.f32 v21, v16;
	v17 =	vadd.f32 v19, v17  }
0x20b: {  	v20 =	vsub.f32 v20, v18;
	v13 =	vld [tilespmem:s0+$0x19000]  }
0x20c: {  	v19 =	vld [tilespmem:s0+$0x19400];
	v21 =	vsub.f32 v17, v22  }
0x20d: {  	v23 =	vmul.f32 v20, v61;
	v16 =	vld [tilespmem:s0+$0x19800]  }
0x20e: {  	v20 =	vld [tilespmem:s0+$0x19C00];
	v24 =	vmul.f32 v21, v61  }
0x20f: {  	v17 =	vld [tilespmem:s0+$0x1A000];
	v23 =	vadd.f32 v23, v18  }
0x210: {  	v18 =	vld [tilespmem:s0+$0x1A800];
	v22 =	vadd.f32 v24, v22  }
0x211: {  	s10 =	simm.s32 $0x20;
	v21 =	vld [tilespmem:s0+$0x1A400];
	[tilespmem:s3+$0x1BC00] =	vst v23  }
.LBB2_14:
0x212: {  	p0 =	sne.s32 s10, $0x3F0;
	v23 =	vld [tilespmem:s0+$0x1AC00];
	[tilespmem:s3+$0x1C000] =	vst v22;
	s20 =	sadd.s32 $0x10, s20;
	s3 =	smov.u32 s0  }
0x213: {  	v7 =	vsub.f32 v7, v0;
	v9 =	vsub.f32 v9, v1;
	v22 =	vld [tilespmem:s20+$0x0]  }
0x214: {  	v10 =	vsub.f32 v10, v3;
	v11 =	vsub.f32 v11, v2;
	v24 =	vld [tilespmem:s3+$0x18C00]  }
0x215: {  	v12 =	vsub.f32 v12, v4;
	v14 =	vsub.f32 v14, v5  }
0x216: {  	v19 =	vsub.f32 v19, v13;
	v20 =	vsub.f32 v20, v16  }
0x217: {  	v21 =	vsub.f32 v21, v17;
	v23 =	vsub.f32 v23, v18  }
0x218: {  	s0 =	sand.u32 $0x3F0, s10;
	v15 =	vsub.f32 v15, v6;
	v19 =	vmul.f32 v19, v22;
	v20 =	vmul.f32 v20, v22  }
0x219: {  	s9 =	sadd.s32 $0x10, s9;
	v21 =	vmul.f32 v21, v22;
	v25 =	vld [tilespmem:s0+$0x15000];
	v24 =	vsub.f32 v24, v8;
	v23 =	vmul.f32 v23, v22  }
0x21a: {  	v27 =	vmul.f32 v7, v22;
	v26 =	vld [tilespmem:s9+$0x0];
	v13 =	vadd.f32 v19, v13;
	v16 =	vadd.f32 v20, v16  }
0x21b: {  	v19 =	vmul.f32 v9, v22;
	v17 =	vadd.f32 v21, v17;
	v7 =	vld [tilespmem:s0+$0x15400];
	v18 =	vadd.f32 v23, v18  }
0x21c: {  	v11 =	vmul.f32 v11, v22;
	v21 =	vadd.f32 v27, v0;
	v23 =	vmul.f32 v10, v22;
	v20 =	vld [tilespmem:s0+$0x15800]  }
0x21d: {  	v12 =	vmul.f32 v12, v22;
	v16 =	vsub.f32 v16, v13;
	v9 =	vld [tilespmem:s0+$0x15C00];
	v18 =	vsub.f32 v18, v17  }
0x21e: {  	v14 =	vmul.f32 v14, v22;
	v15 =	vmul.f32 v15, v22;
	v19 =	vadd.f32 v19, v1;
	v27 =	vld [tilespmem:s0+$0x16000];
	v0 =	vmovc v25  }
0x21f: {  	s19 =	sadd.s32 $0x10, s19;
	v23 =	vadd.f32 v23, v3;
	v10 =	vld [tilespmem:s0+$0x16400];
	v28 =	vmul.f32 v16, v26;
	v3 =	vmul.f32 v18, v26  }
0x220: {  	v25 =	vadd.f32 v12, v4;
	v12 =	vmul.f32 v24, v22;
	v16 =	vadd.f32 v11, v2;
	v18 =	vld [tilespmem:s19+$0x0]  }
0x221: {  	v2 =	vld [tilespmem:s0+$0x16800];
	v13 =	vadd.f32 v28, v13;
	v22 =	vadd.f32 v3, v17;
	v1 =	vmov v20  }
0x222: {  	v14 =	vadd.f32 v14, v5;
	v17 =	vadd.f32 v15, v6;
	v11 =	vld [tilespmem:s0+$0x16C00]  }
0x223: {  	v6 =	vadd.f32 v12, v8;
	v4 =	vld [tilespmem:s0+$0x17000];
	v8 =	vsub.f32 v22, v13;
	v3 =	vmov v27  }
0x224: {  	v15 =	vsub.f32 v19, v21;
	v16 =	vsub.f32 v16, v23;
	v12 =	vld [tilespmem:s0+$0x17400]  }
0x225: {  	v19 =	vsub.f32 v14, v25;
	v20 =	vsub.f32 v6, v17;
	v5 =	vld [tilespmem:s0+$0x17800];
	v8 =	vmul.f32 v8, v18  }
0x226: {  	v22 =	vmul.f32 v15, v26;
	v16 =	vmul.f32 v16, v26;
	v14 =	vld [tilespmem:s0+$0x17C00]  }
0x227: {  	v19 =	vmul.f32 v19, v26;
	v20 =	vmul.f32 v20, v26;
	v6 =	vld [tilespmem:s0+$0x18000];
	v13 =	vadd.f32 v8, v13  }
0x228: {  	v21 =	vadd.f32 v22, v21;
	v16 =	vadd.f32 v16, v23;
	v15 =	vld [tilespmem:s0+$0x18400]  }
0x229: {  	v22 =	vadd.f32 v19, v25;
	v17 =	vadd.f32 v20, v17;
	v8 =	vld [tilespmem:s0+$0x18800];
	[tilespmem:s3+$0x1C400] =	vst v13  }
0x22a: {  	v20 =	vsub.f32 v16, v21;
	v13 =	vld [tilespmem:s0+$0x19000]  }
0x22b: {  	v17 =	vsub.f32 v17, v22;
	v19 =	vld [tilespmem:s0+$0x19400]  }
.Ltmp6:
0x22c: {  	v23 =	vmul.f32 v20, v18;
	v16 =	vld [tilespmem:s0+$0x19800];
	(pc) =	sbr.rel @p0 .LBB2_14-.Ltmp6, $4  }
0x22d: {  	v18 =	vmul.f32 v17, v18;
	v20 =	vld [tilespmem:s0+$0x19C00]  }
0x22e: {  	v23 =	vadd.f32 v23, v21;
	v17 =	vld [tilespmem:s0+$0x1A000]  }
0x22f: {  	v22 =	vadd.f32 v18, v22;
	v21 =	vld [tilespmem:s0+$0x1A400]  }
0x230: {  	s10 =	sadd.s32 $0x10, s10;
	v18 =	vld [tilespmem:s0+$0x1A800];
	[tilespmem:s3+$0x1BC00] =	vst v23  }
0x231: {  	v23 =	vld [tilespmem:s0+$0x1AC00];
	[tilespmem:s3+$0x1C000] =	vst v22;
	s1 =	sadd.s32 $0x10, s20  }
0x232: {  	v7 =	vsub.f32 v7, v0;
	v22 =	vld [tilespmem:s1+$0x0]  }
0x233: {  	v9 =	vsub.f32 v9, v1;
	v10 =	vsub.f32 v10, v3  }
0x234: {  	v11 =	vsub.f32 v11, v2;
	v12 =	vsub.f32 v12, v4;
	v24 =	vld [tilespmem:s0+$0x18C00]  }
0x235: {  	v19 =	vsub.f32 v19, v13;
	v20 =	vsub.f32 v20, v16  }
0x236: {  	v14 =	vsub.f32 v14, v5;
	v21 =	vsub.f32 v21, v17  }
0x237: {  	v15 =	vsub.f32 v15, v6;
	v19 =	vmul.f32 v19, v22;
	v20 =	vmul.f32 v20, v22  }
0x238: {  	v23 =	vsub.f32 v23, v18;
	v21 =	vmul.f32 v21, v22;
	v7 =	vmul.f32 v7, v22  }
0x239: {  	v24 =	vsub.f32 v24, v8;
	v9 =	vmul.f32 v9, v22;
	v44 =	vmul.f32 v10, v22  }
0x23a: {  	v45 =	vmul.f32 v11, v22;
	v12 =	vmul.f32 v12, v22;
	v39 =	vadd.f32 v19, v13  }
0x23b: {  	v14 =	vmul.f32 v14, v22;
	v40 =	vadd.f32 v20, v16;
	v41 =	vadd.f32 v21, v17  }
0x23c: {  	s20 =	sadd.s32 $0x10, s9;
	v49 =	vmul.f32 v15, v22;
	v43 =	vadd.f32 v7, v0;
	v48 =	vadd.f32 v9, v1  }
0x23d: {  	v25 =	vld [tilespmem:s20+$0x0];
	v23 =	vmul.f32 v23, v22;
	v50 =	vadd.f32 v44, v3;
	v52 =	vadd.f32 v45, v2  }
0x23e: {  	v53 =	vadd.f32 v12, v4;
	v54 =	vmul.f32 v24, v22;
	v55 =	vadd.f32 v14, v5  }
0x23f: {  	v56 =	vadd.f32 v49, v6;
	v42 =	vadd.f32 v23, v18  }
0x240: {  	v46 =	vsub.f32 v40, v39;
	v57 =	vadd.f32 v54, v8  }
0x241: {  	v1 =	vsub.f32 v48, v43;
	v2 =	vsub.f32 v52, v50  }
0x242: {  	v5 =	vsub.f32 v55, v53;
	v47 =	vsub.f32 v42, v41;
	v11 =	vmul.f32 v46, v25  }
0x243: {  	s22 =	sadd.s32 $0x10, s19;
	v8 =	vsub.f32 v57, v56;
	v1 =	vmul.f32 v1, v25;
	v2 =	vmul.f32 v2, v25  }
0x244: {  	v58 =	vld [tilespmem:s22+$0x0];
	v5 =	vmul.f32 v5, v25;
	v51 =	vmul.f32 v47, v25;
	v11 =	vadd.f32 v11, v39  }
0x245: {  	v8 =	vmul.f32 v8, v25;
	v0 =	vadd.f32 v1, v43;
	v59 =	vadd.f32 v2, v50  }
0x246: {  	v60 =	vadd.f32 v5, v53;
	v7 =	vadd.f32 v51, v41  }
0x247: {  	v61 =	vadd.f32 v8, v56;
	v1 =	vsub.f32 v59, v0  }
0x248: {  	v7 =	vsub.f32 v7, v11  }
0x249: {  	v3 =	vsub.f32 v61, v60;
	v1 =	vmul.f32 v1, v58  }
0x24a: {  	v62 =	vmul.f32 v7, v58  }
0x24b: {  	v3 =	vmul.f32 v3, v58;
	v0 =	vadd.f32 v1, v0  }
0x24c: {  	v4 =	vadd.f32 v62, v11  }
0x24d: {  	v63 =	vadd.f32 v3, v60;
	[tilespmem:s0+$0x1BC00] =	vst v0  }
0x24e: {  	[tilespmem:s0+$0x1C400] =	vst v4  }
0x24f: {  	s23 =	rddreg [dreg:$0x1d];
	s24 =	simm.s32 $0x1BC00;
	[tilespmem:s0+$0x1C000] =	vst v63  }
0x250: {  	[hbm4b:s23+s6] =	stream.linear.scatter [tilespmem:s24], [sflag:$0x3], $0x400, $0x38;
	[tilespmem:$0x1C800] =	vst v63  }
0x251: {  	_ =	swait.ge [sflag:s4], $0x400  }
0x252: {  	[sflag:s4] =	ssyncset.done $0x0  }
0x253: {  	s26 =	simm.s32 $0x1C000;
	s25 =	rddreg [dreg:$0x1e];
	[sflag:s4] =	ssyncadd.s32 $0xFFFFFC00  }
0x254: {  	[hbm4b:s25+s6] =	stream.linear.scatter [tilespmem:s26], [sflag:$0x3], $0x400, $0x38;
	[tilespmem:$0x1C800] =	vst v63  }
0x255: {  	_ =	swait.ge [sflag:s4], $0x400  }
0x256: {  	[sflag:s4] =	ssyncset.done $0x0  }
0x257: {  	s29 =	simm.s32 $0x1C400;
	s28 =	rddreg [dreg:$0x1f];
	[sflag:s4] =	ssyncadd.s32 $0xFFFFFC00  }
0x258: {  	[hbm4b:s28+s6] =	stream.linear.scatter [tilespmem:s29], [sflag:$0x3], $0x400, $0x38;
	[tilespmem:$0x1C800] =	vst v63  }
0x259: {  	_ =	swait.ge [sflag:s4], $0x400  }
0x25a: {  	s30 =	sld [smem:$0x7FC]  }
0x25b: {  	s31 =	sld [smem:$0x7FD];
	_ =	sdelay $0x1  }
0x25c: {  	s1 =	sadd.s32 $0x1, s30  }
0x25d: {  	p0 =	sne.s32 s1, s31  }
.Ltmp7:
0x25e: {  	_ = 	snop;
	(pc) =	sbr.rel @p0 .LBB2_1-.Ltmp7, $3  }
0x25f: {  	_ =	sdelay $0x1  }
0x260: {  	[sflag:s4] =	ssyncset.done $0x0  }
0x261: {  	[sflag:s4] =	ssyncadd.s32 $0xFFFFFC00  }
0x262: {  	_ =	sfence.sel $0x180000  }
0x263: {  	[bflag:$0x0] =	sbarrier.arrive $0xFFFF  }
0x264: {  	_ =	strace $0x90000047  }
0x265: {  	s0 =	stileid.u32;
	[bflag:$0x2] =	sbarrier.arrive $0xFFFF  }
0x266: {  	p0 =	sne.s32 s0, $0x0;
	s0 =	rddreg [dreg:$0x3]  }
0x267: {  	s0 =	sadd.s32 @!p0 $0x100000, s0  }
0x268: {  	[sflag:s0] =	ssyncadd.tile.s32 @!p0 $0x1;
	_ =	shalt  }
.Lfunc_end2:
_tile_overlayer_lowered:
.L_overlay_start_2:
0x269: {  	(tag) =	ssettag $0x2  }
0x26a: {  	s0 =	rddreg [dreg:$0x0];
	s2 =	stileid.u32  }
0x26b: {  	s1 =	rddreg [dreg:$0x1];
	p0 =	sne.s32 s2, $0x0  }
0x26c: {  	s3 =	rddreg [dreg:$0x2];
	[bflag:$0x3] =	sbarrier.arrive $0xFFFF;
	s2 =	simm.s32 @!p0 $0x1C03  }
0x26d: {  	[timem:s3], [sflag:s2] =	dma.local @!p0 [hbm:s0], s1  }
0x26e: {  	s0 =	simm.s32 @!p0 $0x3  }
0x26f: {  	_ =	swait.ge @!p0 [sflag:s0], s1  }
0x270: {  	s1 =	ssub.s32 @!p0 $0x0, s1;
	[sflag:s0] =	ssyncset.done @!p0 $0x0  }
0x271: {  	[sflag:s0] =	ssyncadd.s32 @!p0 s1  }
0x272: {  	[bflag:$0x3] =	sbarrier.arrive $0xFFFF  }
0x273: {  	_ =	shalt  }

</sc_bundles>
